<compile_context>
chip_gen: v7x
topology: tpu7x:2x2x1
jax: 0.10.2.dev20260603
libtpu: 0.0.44.dev20260713+nightly
codegen_flags: <defaults>
</compile_context>

<pallas_src>
import functools

import jax
import jax.numpy as jnp
from jax import lax
from jax.experimental import pallas as pl
from jax.experimental.pallas import tpu as pltpu
from jax.experimental.pallas import tpu_sc as plsc

N = 10000
E = 320000
D = 128
T = 8

NC = 2
NS = 16
NW = NC * NS
EDGES_PER_W = E // NW
EVENTS_PER_W = 2 * EDGES_PER_W
HIST = N * T
HIST_T = 80128
HIST_PAD = 81920
ROWS = HIST // 128
HIST_SLICE = HIST // NS
INIT_SLICE = HIST_T // NS
ZBUF = INIT_SLICE
NBLK = EDGES_PER_W // 16
CBLK = 128
NCHUNK = 5
CPAD = NCHUNK * CBLK


def _sc_hist_kernel(src_hbm, dst_hbm, ntype_hbm, out_hbm,
                    ntype_v, src_v, dst_v, *rest):
    idx_refs = rest[:2 * NCHUNK]
    ones_v, zeros_v, counts_sh, sem, sem2 = rest[2 * NCHUNK:]
    cid = lax.axis_index("c")
    sid = lax.axis_index("s")
    wid = sid * NC + cid
    base = wid * EDGES_PER_W

    cp_nt = pltpu.async_copy(ntype_hbm, ntype_v, sem)
    cp_src = pltpu.async_copy(src_hbm.at[pl.ds(base, EDGES_PER_W)],
                              src_v.at[pl.ds(0, EDGES_PER_W)], sem)
    cp_dst = pltpu.async_copy(dst_hbm.at[pl.ds(base, EDGES_PER_W)],
                              dst_v.at[pl.ds(0, EDGES_PER_W)], sem)

    one16 = jnp.full((16,), 1.0, jnp.float32)
    zero16 = jnp.zeros((16,), jnp.float32)
    trash16 = HIST + lax.iota(jnp.int32, 16)

    def fill_ones(i, _):
        ones_v[pl.ds(i * 16, 16)] = one16
        return 0

    lax.fori_loop(0, CBLK, fill_ones, 0, unroll=8)

    def fill_zeros(i, _):
        zeros_v[pl.ds(i * 16, 16)] = zero16
        return 0

    lax.fori_loop(0, ZBUF // 16, fill_zeros, 0, unroll=8)

    tail0 = (NBLK - (NCHUNK - 1) * CBLK) * 16

    def fill_trash(i, _):
        idx_refs[2 * (NCHUNK - 1)][pl.ds(tail0 + i * 16, 16)] = trash16
        idx_refs[2 * (NCHUNK - 1) + 1][pl.ds(tail0 + i * 16, 16)] = trash16
        return 0

    lax.fori_loop(0, CPAD - NBLK, fill_trash, 0, unroll=4)

    pltpu.sync_copy(zeros_v, counts_sh.at[pl.ds(sid * INIT_SLICE, INIT_SLICE)])
    @pl.when(sid == 0)
    def _():
        pltpu.sync_copy(zeros_v.at[pl.ds(0, HIST_PAD - HIST)],
                        out_hbm.at[pl.ds(cid * HIST_PAD + HIST,
                                         HIST_PAD - HIST)])

    cp_nt.wait()
    cp_src.wait()
    cp_dst.wait()
    plsc.subcore_barrier()

    def _load(i):
        return src_v[pl.ds(i * 16, 16)], dst_v[pl.ds(i * 16, 16)]

    def _gather(s, d):
        return (plsc.load_gather(ntype_v, [s]), plsc.load_gather(ntype_v, [d]))

    scatters = []
    for c in range(NCHUNK):
        blk0 = c * CBLK
        nb = min(CBLK, NBLK - blk0)

        def _store(l, s, d, ts, td, _c=c):
            off = l * 16
            idx_refs[2 * _c][pl.ds(off, 16)] = d * 8 + ts
            idx_refs[2 * _c + 1][pl.ds(off, 16)] = s * 8 + td

        s0, d0 = _load(blk0)
        s1, d1 = _load(blk0 + 1)
        ts0, td0 = _gather(s0, d0)

        def body(l, carry, _blk0=blk0, _store=_store):
            sn, dn, sc, dc, tsc, tdc = carry
            _store(l, sc, dc, tsc, tdc)
            tsn, tdn = _gather(sn, dn)
            s2, d2 = _load(_blk0 + l + 2)
            return (s2, d2, sn, dn, tsn, tdn)

        carry = lax.fori_loop(0, nb - 1, body, (s1, d1, s0, d0, ts0, td0),
                              unroll=4)
        _, _, sl, dl, tsl, tdl = carry
        _store(nb - 1, sl, dl, tsl, tdl)
        scatters.append(
            pltpu.async_copy(ones_v, counts_sh.at[idx_refs[2 * c]],
                             sem2, add=True))
        scatters.append(
            pltpu.async_copy(ones_v, counts_sh.at[idx_refs[2 * c + 1]],
                             sem2, add=True))

    for cp in scatters:
        cp.wait()
    plsc.subcore_barrier()

    pltpu.sync_copy(counts_sh.at[pl.ds(sid * HIST_SLICE, HIST_SLICE)],
                    zeros_v.at[pl.ds(0, HIST_SLICE)])
    pltpu.sync_copy(zeros_v.at[pl.ds(0, HIST_SLICE)],
                    out_hbm.at[pl.ds(cid * HIST_PAD + sid * HIST_SLICE,
                                     HIST_SLICE)])


@jax.jit
def _sc_hist(src, dst, ntype_dict):
    mesh = plsc.VectorSubcoreMesh(core_axis_name="c", subcore_axis_name="s")
    k = functools.partial(
        pl.kernel,
        mesh=mesh,
        out_type=jax.ShapeDtypeStruct((NC * HIST_PAD,), jnp.float32),
        scratch_types=[
            pltpu.VMEM((N,), jnp.int32),
            pltpu.VMEM((EDGES_PER_W + 32,), jnp.int32),
            pltpu.VMEM((EDGES_PER_W + 32,), jnp.int32),
            *[pltpu.VMEM((CBLK * 16,), jnp.int32)
              for _ in range(2 * NCHUNK)],
            pltpu.VMEM((CBLK * 16,), jnp.float32),
            pltpu.VMEM((ZBUF,), jnp.float32),
            pltpu.VMEM_SHARED((HIST_T,), jnp.float32),
            pltpu.SemaphoreType.DMA,
            pltpu.SemaphoreType.DMA,
        ],
        compiler_params=pltpu.CompilerParams(needs_layout_passes=False),
    )(_sc_hist_kernel)
    return k(src, dst, ntype_dict)


def _epilogue_kernel(parts_ref, emb_ref, w_ref, b_ref, out_ref):
    p = parts_ref[...]
    c2 = p[0:ROWS] + p[640:640 + ROWS]
    m = jnp.dot(emb_ref[...], w_ref[...].T,
                preferred_element_type=jnp.float32)
    mt = jnp.concatenate([m] * 16, axis=0)
    mt = jnp.concatenate([mt] * 16, axis=1)
    ii = lax.broadcasted_iota(jnp.int32, (128, 128), 0) // T
    jj = lax.broadcasted_iota(jnp.int32, (128, 128), 1) // T
    blk = ii == jj
    bdm = jnp.where(blk, mt, 0.0)
    dmask = jnp.where(blk, 1.0, 0.0)
    deg = jnp.maximum(jnp.dot(c2, dmask, preferred_element_type=jnp.float32),
                      1.0)
    bw = jnp.concatenate([b_ref[...]] * 16, axis=1)
    out_ref[...] = (jnp.dot(c2, bdm, preferred_element_type=jnp.float32) / deg
                    + bw)


@jax.jit
def _epilogue(parts, embeddings, W, b):
    return pl.pallas_call(
        _epilogue_kernel,
        out_shape=jax.ShapeDtypeStruct((ROWS, 128), jnp.float32),
    )(parts, embeddings, W, b.reshape(1, T))


def kernel(src, dst, ntype_dict, embeddings, W, b):
    src = src.astype(jnp.int32)
    dst = dst.astype(jnp.int32)
    parts = _sc_hist(src, dst, ntype_dict.astype(jnp.int32))
    out = _epilogue(parts.reshape(NC * HIST_PAD // 128, 128),
                    embeddings, W, b)
    return out.reshape(N, T)

# --- scband reference (transcript-rebuilt; emitter-appended) ---
"""Pipeline reference for scband-node-type-predictor-82952998355811 (READ-ONLY COPY).

The authoritative reference and input builder live on the scoring server;
editing this copy changes nothing except your own understanding.
"""

import jax, jax.numpy as jnp
import numpy as np

N = 10000
E = 320000
D = 128
T = 8

def setup_inputs(seed: int = 0) -> dict:
    key = jax.random.key(seed)
    k1, k2, k3, k4, k5 = jax.random.split(key, 5)
    src = jax.random.randint(k1, (E,), 0, N, dtype=jnp.int64 if jax.config.jax_enable_x64 else jnp.int32)
    dst = jax.random.randint(k2, (E,), 0, N, dtype=jnp.int64 if jax.config.jax_enable_x64 else jnp.int32)
    ntype_dict = jax.random.randint(k3, (N,), 0, T, dtype=jnp.int32)
    # nn.Parameter with xavier_uniform init: bound = sqrt(6/(fan_in+fan_out))
    bound_e = float(np.sqrt(6.0 / (T + D)))
    embeddings = jax.random.uniform(k4, (T, D), dtype=jnp.float32, minval=-bound_e, maxval=bound_e)
    kw, kb = jax.random.split(k5)
    bound_w = float(np.sqrt(1.0 / D))
    W = jax.random.uniform(kw, (T, D), dtype=jnp.float32, minval=-bound_w, maxval=bound_w)
    b = jax.random.uniform(kb, (T,), dtype=jnp.float32, minval=-bound_w, maxval=bound_w)
    return {"src": src, "dst": dst, "ntype_dict": ntype_dict, "embeddings": embeddings, "W": W, "b": b}

def reference(src, dst, ntype_dict, embeddings, W, b):
    n = ntype_dict.shape[0]
    d = embeddings.shape[1]
    # congregate: gather type-embeddings of endpoints, scatter-add both directions
    src_embeddings = embeddings[ntype_dict[src]]          # [E, D]
    dst_embeddings = embeddings[ntype_dict[dst]]          # [E, D]
    all_neighbors = jnp.zeros((n, d), dtype=embeddings.dtype)
    all_neighbors = all_neighbors.at[dst].add(src_embeddings)
    all_neighbors = all_neighbors.at[src].add(dst_embeddings)
    in_degrees = jnp.bincount(dst, length=n) + jnp.bincount(src, length=n)
    degree = jnp.maximum(in_degrees.astype(jnp.float32), 1.0)
    h = all_neighbors / degree[:, None]
    # classifier: Linear(embed_dim -> n_ntypes)
    return h @ W.T + b

if __name__ == "__main__":
    import jax
    _d = setup_inputs()
    print(jax.jit(kernel)(*tuple(_d.values())))

</pallas_src>

<mosaic_0001>
#map = affine_map<(d0, d1) -> (0)>
module attributes {stable_mosaic.version = 14 : i64} {
  func.func @_sc_hist_kernel(%arg0: i32, %arg1: i32, %arg2: memref<320000xi32, #tpu.memory_space<hbm>>, %arg3: memref<320000xi32, #tpu.memory_space<hbm>>, %arg4: memref<10000xi32, #tpu.memory_space<hbm>>, %arg5: memref<163840xf32, #tpu.memory_space<hbm>>, %arg6: memref<10000xi32, #tpu.memory_space<vmem>>, %arg7: memref<10032xi32, #tpu.memory_space<vmem>>, %arg8: memref<10032xi32, #tpu.memory_space<vmem>>, %arg9: memref<2048xi32, #tpu.memory_space<vmem>>, %arg10: memref<2048xi32, #tpu.memory_space<vmem>>, %arg11: memref<2048xi32, #tpu.memory_space<vmem>>, %arg12: memref<2048xi32, #tpu.memory_space<vmem>>, %arg13: memref<2048xi32, #tpu.memory_space<vmem>>, %arg14: memref<2048xi32, #tpu.memory_space<vmem>>, %arg15: memref<2048xi32, #tpu.memory_space<vmem>>, %arg16: memref<2048xi32, #tpu.memory_space<vmem>>, %arg17: memref<2048xi32, #tpu.memory_space<vmem>>, %arg18: memref<2048xi32, #tpu.memory_space<vmem>>, %arg19: memref<2048xf32, #tpu.memory_space<vmem>>, %arg20: memref<5008xf32, #tpu.memory_space<vmem>>, %arg21: memref<80128xf32, #tpu.memory_space<vmem_shared>>, %arg22: memref<!tpu.dma_semaphore, #tpu.memory_space<semaphore_mem>>, %arg23: memref<!tpu.dma_semaphore, #tpu.memory_space<semaphore_mem>>) attributes {dimension_semantics = [#tpu.dimension_semantics<core_parallel>, #tpu.dimension_semantics<subcore_parallel>], iteration_bounds = array<i64: 2, 16>, scalar_prefetch = 0 : i64, scratch_operands = 18 : i64, tpu.core_type = #tpu.core_type<sc_vector_subcore>, window_params = [{transform_indices = #map}, {transform_indices = #map}, {transform_indices = #map}, {transform_indices = #map}]} {
    %mul3A = arith.constant 2 : i32
    %mul3A_0 = arith.muli %arg1, %mul3A : i32
    %add3A = arith.addi %mul3A_0, %arg0 : i32
    %mul3A_1 = arith.constant 10000 : i32
    %mul3A_2 = arith.muli %add3A, %mul3A_1 : i32
    tpu.enqueue_dma source(%arg4 : memref<10000xi32, #tpu.memory_space<hbm>>) target(%arg6 : memref<10000xi32, #tpu.memory_space<vmem>>) target_semaphore(%arg22 : memref<!tpu.dma_semaphore, #tpu.memory_space<semaphore_mem>>)
    %dma_start3A = arith.constant 0 : i32
    %dma_start3A_3 = tpu.memref_slice %arg7[%dma_start3A] : memref<10032xi32, #tpu.memory_space<vmem>> -> memref<10000xi32, #tpu.memory_space<vmem>>
    %dma_start3A_4 = tpu.memref_slice %arg2[%mul3A_2] : memref<320000xi32, #tpu.memory_space<hbm>> -> memref<10000xi32, #tpu.memory_space<hbm>>
    %dma_start3A_5 = arith.constant 0 : i32
    %dma_start3A_6 = tpu.memref_slice %arg7[%dma_start3A_5] : memref<10032xi32, #tpu.memory_space<vmem>> -> memref<10000xi32, #tpu.memory_space<vmem>>
    %dma_start3A_7 = tpu.memref_slice %arg2[%mul3A_2] : memref<320000xi32, #tpu.memory_space<hbm>> -> memref<10000xi32, #tpu.memory_space<hbm>>
    tpu.enqueue_dma source(%dma_start3A_7 : memref<10000xi32, #tpu.memory_space<hbm>>) target(%dma_start3A_6 : memref<10000xi32, #tpu.memory_space<vmem>>) target_semaphore(%arg22 : memref<!tpu.dma_semaphore, #tpu.memory_space<semaphore_mem>>)
    %dma_start3A_8 = arith.constant 0 : i32
    %dma_start3A_9 = tpu.memref_slice %arg8[%dma_start3A_8] : memref<10032xi32, #tpu.memory_space<vmem>> -> memref<10000xi32, #tpu.memory_space<vmem>>
    %dma_start3A_10 = tpu.memref_slice %arg3[%mul3A_2] : memref<320000xi32, #tpu.memory_space<hbm>> -> memref<10000xi32, #tpu.memory_space<hbm>>
    %dma_start3A_11 = arith.constant 0 : i32
    %dma_start3A_12 = tpu.memref_slice %arg8[%dma_start3A_11] : memref<10032xi32, #tpu.memory_space<vmem>> -> memref<10000xi32, #tpu.memory_space<vmem>>
    %dma_start3A_13 = tpu.memref_slice %arg3[%mul3A_2] : memref<320000xi32, #tpu.memory_space<hbm>> -> memref<10000xi32, #tpu.memory_space<hbm>>
    tpu.enqueue_dma source(%dma_start3A_13 : memref<10000xi32, #tpu.memory_space<hbm>>) target(%dma_start3A_12 : memref<10000xi32, #tpu.memory_space<vmem>>) target_semaphore(%arg22 : memref<!tpu.dma_semaphore, #tpu.memory_space<semaphore_mem>>)
    %broadcast_in_dim3A = arith.constant 1.000000e+00 : f32
    %broadcast_in_dim3A_14 = vector.broadcast %broadcast_in_dim3A : f32 to vector<16xf32>
    %broadcast_in_dim3A_15 = arith.constant 0.000000e+00 : f32
    %broadcast_in_dim3A_16 = vector.broadcast %broadcast_in_dim3A_15 : f32 to vector<16xf32>
    %iota3A = tpu.iota {dimensions = array<i32: 0>} : vector<16xi32>
    %add3A_17 = arith.constant 80000 : i32
    %add3A_18 = vector.broadcast %add3A_17 : i32 to vector<16xi32>
    %add3A_19 = arith.addi %add3A_18, %iota3A : vector<16xi32>
    %scan3A = arith.constant 0 : i32
    %scan3A_20 = arith.constant 0 : i32
    %scan3A_21 = arith.constant 128 : i32
    %scan3A_22 = arith.addi %scan3A_20, %scan3A_21 : i32
    %scan3A_23 = arith.constant 8 : i32
    %scan3A_24 = scf.for %scan3A_652 = %scan3A_20 to %scan3A_22 step %scan3A_23 iter_args(%scan3A_653 = %scan3A) -> (i32)  : i32 {
      %mul3A_654 = arith.constant 16 : i32
      %mul3A_655 = arith.muli %scan3A_652, %mul3A_654 : i32
      %swap3A_656 = arith.index_cast %mul3A_655 : i32 to index
      %swap3A_657 = tpu.vector_load %arg19[%swap3A_656] {strides = array<i32>} : memref<2048xf32, #tpu.memory_space<vmem>>, vector<16xf32>,
      tpu.vector_store %arg19[%swap3A_656], %broadcast_in_dim3A_14 {strides = array<i32>} : memref<2048xf32, #tpu.memory_space<vmem>>, vector<16xf32>,
      %scan3A_658 = arith.constant 0 : i32
      %scan3A_659 = arith.constant 1 : i32
      %scan3A_660 = arith.addi %scan3A_652, %scan3A_659 : i32
      %mul3A_661 = arith.constant 16 : i32
      %mul3A_662 = arith.muli %scan3A_660, %mul3A_661 : i32
      %swap3A_663 = arith.index_cast %mul3A_662 : i32 to index
      %swap3A_664 = tpu.vector_load %arg19[%swap3A_663] {strides = array<i32>} : memref<2048xf32, #tpu.memory_space<vmem>>, vector<16xf32>,
      tpu.vector_store %arg19[%swap3A_663], %broadcast_in_dim3A_14 {strides = array<i32>} : memref<2048xf32, #tpu.memory_space<vmem>>, vector<16xf32>,
      %scan3A_665 = arith.constant 0 : i32
      %scan3A_666 = arith.constant 2 : i32
      %scan3A_667 = arith.addi %scan3A_652, %scan3A_666 : i32
      %mul3A_668 = arith.constant 16 : i32
      %mul3A_669 = arith.muli %scan3A_667, %mul3A_668 : i32
      %swap3A_670 = arith.index_cast %mul3A_669 : i32 to index
      %swap3A_671 = tpu.vector_load %arg19[%swap3A_670] {strides = array<i32>} : memref<2048xf32, #tpu.memory_space<vmem>>, vector<16xf32>,
      tpu.vector_store %arg19[%swap3A_670], %broadcast_in_dim3A_14 {strides = array<i32>} : memref<2048xf32, #tpu.memory_space<vmem>>, vector<16xf32>,
      %scan3A_672 = arith.constant 0 : i32
      %scan3A_673 = arith.constant 3 : i32
      %scan3A_674 = arith.addi %scan3A_652, %scan3A_673 : i32
      %mul3A_675 = arith.constant 16 : i32
      %mul3A_676 = arith.muli %scan3A_674, %mul3A_675 : i32
      %swap3A_677 = arith.index_cast %mul3A_676 : i32 to index
      %swap3A_678 = tpu.vector_load %arg19[%swap3A_677] {strides = array<i32>} : memref<2048xf32, #tpu.memory_space<vmem>>, vector<16xf32>,
      tpu.vector_store %arg19[%swap3A_677], %broadcast_in_dim3A_14 {strides = array<i32>} : memref<2048xf32, #tpu.memory_space<vmem>>, vector<16xf32>,
      %scan3A_679 = arith.constant 0 : i32
      %scan3A_680 = arith.constant 4 : i32
      %scan3A_681 = arith.addi %scan3A_652, %scan3A_680 : i32
      %mul3A_682 = arith.constant 16 : i32
      %mul3A_683 = arith.muli %scan3A_681, %mul3A_682 : i32
      %swap3A_684 = arith.index_cast %mul3A_683 : i32 to index
      %swap3A_685 = tpu.vector_load %arg19[%swap3A_684] {strides = array<i32>} : memref<2048xf32, #tpu.memory_space<vmem>>, vector<16xf32>,
      tpu.vector_store %arg19[%swap3A_684], %broadcast_in_dim3A_14 {strides = array<i32>} : memref<2048xf32, #tpu.memory_space<vmem>>, vector<16xf32>,
      %scan3A_686 = arith.constant 0 : i32
      %scan3A_687 = arith.constant 5 : i32
      %scan3A_688 = arith.addi %scan3A_652, %scan3A_687 : i32
      %mul3A_689 = arith.constant 16 : i32
      %mul3A_690 = arith.muli %scan3A_688, %mul3A_689 : i32
      %swap3A_691 = arith.index_cast %mul3A_690 : i32 to index
      %swap3A_692 = tpu.vector_load %arg19[%swap3A_691] {strides = array<i32>} : memref<2048xf32, #tpu.memory_space<vmem>>, vector<16xf32>,
      tpu.vector_store %arg19[%swap3A_691], %broadcast_in_dim3A_14 {strides = array<i32>} : memref<2048xf32, #tpu.memory_space<vmem>>, vector<16xf32>,
      %scan3A_693 = arith.constant 0 : i32
      %scan3A_694 = arith.constant 6 : i32
      %scan3A_695 = arith.addi %scan3A_652, %scan3A_694 : i32
      %mul3A_696 = arith.constant 16 : i32
      %mul3A_697 = arith.muli %scan3A_695, %mul3A_696 : i32
      %swap3A_698 = arith.index_cast %mul3A_697 : i32 to index
      %swap3A_699 = tpu.vector_load %arg19[%swap3A_698] {strides = array<i32>} : memref<2048xf32, #tpu.memory_space<vmem>>, vector<16xf32>,
      tpu.vector_store %arg19[%swap3A_698], %broadcast_in_dim3A_14 {strides = array<i32>} : memref<2048xf32, #tpu.memory_space<vmem>>, vector<16xf32>,
      %scan3A_700 = arith.constant 0 : i32
      %scan3A_701 = arith.constant 7 : i32
      %scan3A_702 = arith.addi %scan3A_652, %scan3A_701 : i32
      %mul3A_703 = arith.constant 16 : i32
      %mul3A_704 = arith.muli %scan3A_702, %mul3A_703 : i32
      %swap3A_705 = arith.index_cast %mul3A_704 : i32 to index
      %swap3A_706 = tpu.vector_load %arg19[%swap3A_705] {strides = array<i32>} : memref<2048xf32, #tpu.memory_space<vmem>>, vector<16xf32>,
      tpu.vector_store %arg19[%swap3A_705], %broadcast_in_dim3A_14 {strides = array<i32>} : memref<2048xf32, #tpu.memory_space<vmem>>, vector<16xf32>,
      %scan3A_707 = arith.constant 0 : i32
      scf.yield %scan3A_707 : i32
    }
    %scan3A_25 = arith.constant 128 : i32
    %scan3A_26 = arith.constant 0 : i32
    %scan3A_27 = arith.constant 0 : i32
    %scan3A_28 = arith.constant 312 : i32
    %scan3A_29 = arith.addi %scan3A_27, %scan3A_28 : i32
    %scan3A_30 = arith.constant 8 : i32
    %scan3A_31 = scf.for %scan3A_652 = %scan3A_27 to %scan3A_29 step %scan3A_30 iter_args(%scan3A_653 = %scan3A_26) -> (i32)  : i32 {
      %mul3A_654 = arith.constant 16 : i32
      %mul3A_655 = arith.muli %scan3A_652, %mul3A_654 : i32
      %swap3A_656 = arith.index_cast %mul3A_655 : i32 to index
      %swap3A_657 = tpu.vector_load %arg20[%swap3A_656] {strides = array<i32>} : memref<5008xf32, #tpu.memory_space<vmem>>, vector<16xf32>,
      tpu.vector_store %arg20[%swap3A_656], %broadcast_in_dim3A_16 {strides = array<i32>} : memref<5008xf32, #tpu.memory_space<vmem>>, vector<16xf32>,
      %scan3A_658 = arith.constant 0 : i32
      %scan3A_659 = arith.constant 1 : i32
      %scan3A_660 = arith.addi %scan3A_652, %scan3A_659 : i32
      %mul3A_661 = arith.constant 16 : i32
      %mul3A_662 = arith.muli %scan3A_660, %mul3A_661 : i32
      %swap3A_663 = arith.index_cast %mul3A_662 : i32 to index
      %swap3A_664 = tpu.vector_load %arg20[%swap3A_663] {strides = array<i32>} : memref<5008xf32, #tpu.memory_space<vmem>>, vector<16xf32>,
      tpu.vector_store %arg20[%swap3A_663], %broadcast_in_dim3A_16 {strides = array<i32>} : memref<5008xf32, #tpu.memory_space<vmem>>, vector<16xf32>,
      %scan3A_665 = arith.constant 0 : i32
      %scan3A_666 = arith.constant 2 : i32
      %scan3A_667 = arith.addi %scan3A_652, %scan3A_666 : i32
      %mul3A_668 = arith.constant 16 : i32
      %mul3A_669 = arith.muli %scan3A_667, %mul3A_668 : i32
      %swap3A_670 = arith.index_cast %mul3A_669 : i32 to index
      %swap3A_671 = tpu.vector_load %arg20[%swap3A_670] {strides = array<i32>} : memref<5008xf32, #tpu.memory_space<vmem>>, vector<16xf32>,
      tpu.vector_store %arg20[%swap3A_670], %broadcast_in_dim3A_16 {strides = array<i32>} : memref<5008xf32, #tpu.memory_space<vmem>>, vector<16xf32>,
      %scan3A_672 = arith.constant 0 : i32
      %scan3A_673 = arith.constant 3 : i32
      %scan3A_674 = arith.addi %scan3A_652, %scan3A_673 : i32
      %mul3A_675 = arith.constant 16 : i32
      %mul3A_676 = arith.muli %scan3A_674, %mul3A_675 : i32
      %swap3A_677 = arith.index_cast %mul3A_676 : i32 to index
      %swap3A_678 = tpu.vector_load %arg20[%swap3A_677] {strides = array<i32>} : memref<5008xf32, #tpu.memory_space<vmem>>, vector<16xf32>,
      tpu.vector_store %arg20[%swap3A_677], %broadcast_in_dim3A_16 {strides = array<i32>} : memref<5008xf32, #tpu.memory_space<vmem>>, vector<16xf32>,
      %scan3A_679 = arith.constant 0 : i32
      %scan3A_680 = arith.constant 4 : i32
      %scan3A_681 = arith.addi %scan3A_652, %scan3A_680 : i32
      %mul3A_682 = arith.constant 16 : i32
      %mul3A_683 = arith.muli %scan3A_681, %mul3A_682 : i32
      %swap3A_684 = arith.index_cast %mul3A_683 : i32 to index
      %swap3A_685 = tpu.vector_load %arg20[%swap3A_684] {strides = array<i32>} : memref<5008xf32, #tpu.memory_space<vmem>>, vector<16xf32>,
      tpu.vector_store %arg20[%swap3A_684], %broadcast_in_dim3A_16 {strides = array<i32>} : memref<5008xf32, #tpu.memory_space<vmem>>, vector<16xf32>,
      %scan3A_686 = arith.constant 0 : i32
      %scan3A_687 = arith.constant 5 : i32
      %scan3A_688 = arith.addi %scan3A_652, %scan3A_687 : i32
      %mul3A_689 = arith.constant 16 : i32
      %mul3A_690 = arith.muli %scan3A_688, %mul3A_689 : i32
      %swap3A_691 = arith.index_cast %mul3A_690 : i32 to index
      %swap3A_692 = tpu.vector_load %arg20[%swap3A_691] {strides = array<i32>} : memref<5008xf32, #tpu.memory_space<vmem>>, vector<16xf32>,
      tpu.vector_store %arg20[%swap3A_691], %broadcast_in_dim3A_16 {strides = array<i32>} : memref<5008xf32, #tpu.memory_space<vmem>>, vector<16xf32>,
      %scan3A_693 = arith.constant 0 : i32
      %scan3A_694 = arith.constant 6 : i32
      %scan3A_695 = arith.addi %scan3A_652, %scan3A_694 : i32
      %mul3A_696 = arith.constant 16 : i32
      %mul3A_697 = arith.muli %scan3A_695, %mul3A_696 : i32
      %swap3A_698 = arith.index_cast %mul3A_697 : i32 to index
      %swap3A_699 = tpu.vector_load %arg20[%swap3A_698] {strides = array<i32>} : memref<5008xf32, #tpu.memory_space<vmem>>, vector<16xf32>,
      tpu.vector_store %arg20[%swap3A_698], %broadcast_in_dim3A_16 {strides = array<i32>} : memref<5008xf32, #tpu.memory_space<vmem>>, vector<16xf32>,
      %scan3A_700 = arith.constant 0 : i32
      %scan3A_701 = arith.constant 7 : i32
      %scan3A_702 = arith.addi %scan3A_652, %scan3A_701 : i32
      %mul3A_703 = arith.constant 16 : i32
      %mul3A_704 = arith.muli %scan3A_702, %mul3A_703 : i32
      %swap3A_705 = arith.index_cast %mul3A_704 : i32 to index
      %swap3A_706 = tpu.vector_load %arg20[%swap3A_705] {strides = array<i32>} : memref<5008xf32, #tpu.memory_space<vmem>>, vector<16xf32>,
      tpu.vector_store %arg20[%swap3A_705], %broadcast_in_dim3A_16 {strides = array<i32>} : memref<5008xf32, #tpu.memory_space<vmem>>, vector<16xf32>,
      %scan3A_707 = arith.constant 0 : i32
      scf.yield %scan3A_707 : i32
    }
    %scan3A_32 = arith.constant 312 : i32
    %scan3A_33 = arith.addi %scan3A_27, %scan3A_32 : i32
    %mul3A_34 = arith.constant 16 : i32
    %mul3A_35 = arith.muli %scan3A_33, %mul3A_34 : i32
    %swap3A = arith.index_cast %mul3A_35 : i32 to index
    %swap3A_36 = tpu.vector_load %arg20[%swap3A] {strides = array<i32>} : memref<5008xf32, #tpu.memory_space<vmem>>, vector<16xf32>,
    tpu.vector_store %arg20[%swap3A], %broadcast_in_dim3A_16 {strides = array<i32>} : memref<5008xf32, #tpu.memory_space<vmem>>, vector<16xf32>,
    %scan3A_37 = arith.constant 0 : i32
    %scan3A_38 = arith.constant 313 : i32
    %scan3A_39 = arith.constant 0 : i32
    %scan3A_40 = arith.constant 0 : i32
    %scan3A_41 = arith.constant 12 : i32
    %scan3A_42 = arith.addi %scan3A_40, %scan3A_41 : i32
    %scan3A_43 = arith.constant 4 : i32
    %scan3A_44 = scf.for %scan3A_652 = %scan3A_40 to %scan3A_42 step %scan3A_43 iter_args(%scan3A_653 = %scan3A_39) -> (i32)  : i32 {
      %mul3A_654 = arith.constant 16 : i32
      %mul3A_655 = arith.muli %scan3A_652, %mul3A_654 : i32
      %add3A_656 = arith.constant 1808 : i32
      %add3A_657 = arith.addi %add3A_656, %mul3A_655 : i32
      %swap3A_658 = arith.index_cast %add3A_657 : i32 to index
      %swap3A_659 = tpu.vector_load %arg17[%swap3A_658] {strides = array<i32>} : memref<2048xi32, #tpu.memory_space<vmem>>, vector<16xi32>,
      tpu.vector_store %arg17[%swap3A_658], %add3A_19 {strides = array<i32>} : memref<2048xi32, #tpu.memory_space<vmem>>, vector<16xi32>,
      %mul3A_660 = arith.constant 16 : i32
      %mul3A_661 = arith.muli %scan3A_652, %mul3A_660 : i32
      %add3A_662 = arith.constant 1808 : i32
      %add3A_663 = arith.addi %add3A_662, %mul3A_661 : i32
      %swap3A_664 = arith.index_cast %add3A_663 : i32 to index
      %swap3A_665 = tpu.vector_load %arg18[%swap3A_664] {strides = array<i32>} : memref<2048xi32, #tpu.memory_space<vmem>>, vector<16xi32>,
      tpu.vector_store %arg18[%swap3A_664], %add3A_19 {strides = array<i32>} : memref<2048xi32, #tpu.memory_space<vmem>>, vector<16xi32>,
      %scan3A_666 = arith.constant 0 : i32
      %scan3A_667 = arith.constant 1 : i32
      %scan3A_668 = arith.addi %scan3A_652, %scan3A_667 : i32
      %mul3A_669 = arith.constant 16 : i32
      %mul3A_670 = arith.muli %scan3A_668, %mul3A_669 : i32
      %add3A_671 = arith.constant 1808 : i32
      %add3A_672 = arith.addi %add3A_671, %mul3A_670 : i32
      %swap3A_673 = arith.index_cast %add3A_672 : i32 to index
      %swap3A_674 = tpu.vector_load %arg17[%swap3A_673] {strides = array<i32>} : memref<2048xi32, #tpu.memory_space<vmem>>, vector<16xi32>,
      tpu.vector_store %arg17[%swap3A_673], %add3A_19 {strides = array<i32>} : memref<2048xi32, #tpu.memory_space<vmem>>, vector<16xi32>,
      %mul3A_675 = arith.constant 16 : i32
      %mul3A_676 = arith.muli %scan3A_668, %mul3A_675 : i32
      %add3A_677 = arith.constant 1808 : i32
      %add3A_678 = arith.addi %add3A_677, %mul3A_676 : i32
      %swap3A_679 = arith.index_cast %add3A_678 : i32 to index
      %swap3A_680 = tpu.vector_load %arg18[%swap3A_679] {strides = array<i32>} : memref<2048xi32, #tpu.memory_space<vmem>>, vector<16xi32>,
      tpu.vector_store %arg18[%swap3A_679], %add3A_19 {strides = array<i32>} : memref<2048xi32, #tpu.memory_space<vmem>>, vector<16xi32>,
      %scan3A_681 = arith.constant 0 : i32
      %scan3A_682 = arith.constant 2 : i32
      %scan3A_683 = arith.addi %scan3A_652, %scan3A_682 : i32
      %mul3A_684 = arith.constant 16 : i32
      %mul3A_685 = arith.muli %scan3A_683, %mul3A_684 : i32
      %add3A_686 = arith.constant 1808 : i32
      %add3A_687 = arith.addi %add3A_686, %mul3A_685 : i32
      %swap3A_688 = arith.index_cast %add3A_687 : i32 to index
      %swap3A_689 = tpu.vector_load %arg17[%swap3A_688] {strides = array<i32>} : memref<2048xi32, #tpu.memory_space<vmem>>, vector<16xi32>,
      tpu.vector_store %arg17[%swap3A_688], %add3A_19 {strides = array<i32>} : memref<2048xi32, #tpu.memory_space<vmem>>, vector<16xi32>,
      %mul3A_690 = arith.constant 16 : i32
      %mul3A_691 = arith.muli %scan3A_683, %mul3A_690 : i32
      %add3A_692 = arith.constant 1808 : i32
      %add3A_693 = arith.addi %add3A_692, %mul3A_691 : i32
      %swap3A_694 = arith.index_cast %add3A_693 : i32 to index
      %swap3A_695 = tpu.vector_load %arg18[%swap3A_694] {strides = array<i32>} : memref<2048xi32, #tpu.memory_space<vmem>>, vector<16xi32>,
      tpu.vector_store %arg18[%swap3A_694], %add3A_19 {strides = array<i32>} : memref<2048xi32, #tpu.memory_space<vmem>>, vector<16xi32>,
      %scan3A_696 = arith.constant 0 : i32
      %scan3A_697 = arith.constant 3 : i32
      %scan3A_698 = arith.addi %scan3A_652, %scan3A_697 : i32
      %mul3A_699 = arith.constant 16 : i32
      %mul3A_700 = arith.muli %scan3A_698, %mul3A_699 : i32
      %add3A_701 = arith.constant 1808 : i32
      %add3A_702 = arith.addi %add3A_701, %mul3A_700 : i32
      %swap3A_703 = arith.index_cast %add3A_702 : i32 to index
      %swap3A_704 = tpu.vector_load %arg17[%swap3A_703] {strides = array<i32>} : memref<2048xi32, #tpu.memory_space<vmem>>, vector<16xi32>,
      tpu.vector_store %arg17[%swap3A_703], %add3A_19 {strides = array<i32>} : memref<2048xi32, #tpu.memory_space<vmem>>, vector<16xi32>,
      %mul3A_705 = arith.constant 16 : i32
      %mul3A_706 = arith.muli %scan3A_698, %mul3A_705 : i32
      %add3A_707 = arith.constant 1808 : i32
      %add3A_708 = arith.addi %add3A_707, %mul3A_706 : i32
      %swap3A_709 = arith.index_cast %add3A_708 : i32 to index
      %swap3A_710 = tpu.vector_load %arg18[%swap3A_709] {strides = array<i32>} : memref<2048xi32, #tpu.memory_space<vmem>>, vector<16xi32>,
      tpu.vector_store %arg18[%swap3A_709], %add3A_19 {strides = array<i32>} : memref<2048xi32, #tpu.memory_space<vmem>>, vector<16xi32>,
      %scan3A_711 = arith.constant 0 : i32
      scf.yield %scan3A_711 : i32
    }
    %scan3A_45 = arith.constant 12 : i32
    %scan3A_46 = arith.addi %scan3A_40, %scan3A_45 : i32
    %mul3A_47 = arith.constant 16 : i32
    %mul3A_48 = arith.muli %scan3A_46, %mul3A_47 : i32
    %add3A_49 = arith.constant 1808 : i32
    %add3A_50 = arith.addi %add3A_49, %mul3A_48 : i32
    %swap3A_51 = arith.index_cast %add3A_50 : i32 to index
    %swap3A_52 = tpu.vector_load %arg17[%swap3A_51] {strides = array<i32>} : memref<2048xi32, #tpu.memory_space<vmem>>, vector<16xi32>,
    tpu.vector_store %arg17[%swap3A_51], %add3A_19 {strides = array<i32>} : memref<2048xi32, #tpu.memory_space<vmem>>, vector<16xi32>,
    %mul3A_53 = arith.constant 16 : i32
    %mul3A_54 = arith.muli %scan3A_46, %mul3A_53 : i32
    %add3A_55 = arith.constant 1808 : i32
    %add3A_56 = arith.addi %add3A_55, %mul3A_54 : i32
    %swap3A_57 = arith.index_cast %add3A_56 : i32 to index
    %swap3A_58 = tpu.vector_load %arg18[%swap3A_57] {strides = array<i32>} : memref<2048xi32, #tpu.memory_space<vmem>>, vector<16xi32>,
    tpu.vector_store %arg18[%swap3A_57], %add3A_19 {strides = array<i32>} : memref<2048xi32, #tpu.memory_space<vmem>>, vector<16xi32>,
    %scan3A_59 = arith.constant 0 : i32
    %scan3A_60 = arith.constant 13 : i32
    %scan3A_61 = arith.addi %scan3A_40, %scan3A_60 : i32
    %mul3A_62 = arith.constant 16 : i32
    %mul3A_63 = arith.muli %scan3A_61, %mul3A_62 : i32
    %add3A_64 = arith.constant 1808 : i32
    %add3A_65 = arith.addi %add3A_64, %mul3A_63 : i32
    %swap3A_66 = arith.index_cast %add3A_65 : i32 to index
    %swap3A_67 = tpu.vector_load %arg17[%swap3A_66] {strides = array<i32>} : memref<2048xi32, #tpu.memory_space<vmem>>, vector<16xi32>,
    tpu.vector_store %arg17[%swap3A_66], %add3A_19 {strides = array<i32>} : memref<2048xi32, #tpu.memory_space<vmem>>, vector<16xi32>,
    %mul3A_68 = arith.constant 16 : i32
    %mul3A_69 = arith.muli %scan3A_61, %mul3A_68 : i32
    %add3A_70 = arith.constant 1808 : i32
    %add3A_71 = arith.addi %add3A_70, %mul3A_69 : i32
    %swap3A_72 = arith.index_cast %add3A_71 : i32 to index
    %swap3A_73 = tpu.vector_load %arg18[%swap3A_72] {strides = array<i32>} : memref<2048xi32, #tpu.memory_space<vmem>>, vector<16xi32>,
    tpu.vector_store %arg18[%swap3A_72], %add3A_19 {strides = array<i32>} : memref<2048xi32, #tpu.memory_space<vmem>>, vector<16xi32>,
    %scan3A_74 = arith.constant 0 : i32
    %scan3A_75 = arith.constant 14 : i32
    %scan3A_76 = arith.addi %scan3A_40, %scan3A_75 : i32
    %mul3A_77 = arith.constant 16 : i32
    %mul3A_78 = arith.muli %scan3A_76, %mul3A_77 : i32
    %add3A_79 = arith.constant 1808 : i32
    %add3A_80 = arith.addi %add3A_79, %mul3A_78 : i32
    %swap3A_81 = arith.index_cast %add3A_80 : i32 to index
    %swap3A_82 = tpu.vector_load %arg17[%swap3A_81] {strides = array<i32>} : memref<2048xi32, #tpu.memory_space<vmem>>, vector<16xi32>,
    tpu.vector_store %arg17[%swap3A_81], %add3A_19 {strides = array<i32>} : memref<2048xi32, #tpu.memory_space<vmem>>, vector<16xi32>,
    %mul3A_83 = arith.constant 16 : i32
    %mul3A_84 = arith.muli %scan3A_76, %mul3A_83 : i32
    %add3A_85 = arith.constant 1808 : i32
    %add3A_86 = arith.addi %add3A_85, %mul3A_84 : i32
    %swap3A_87 = arith.index_cast %add3A_86 : i32 to index
    %swap3A_88 = tpu.vector_load %arg18[%swap3A_87] {strides = array<i32>} : memref<2048xi32, #tpu.memory_space<vmem>>, vector<16xi32>,
    tpu.vector_store %arg18[%swap3A_87], %add3A_19 {strides = array<i32>} : memref<2048xi32, #tpu.memory_space<vmem>>, vector<16xi32>,
    %scan3A_89 = arith.constant 0 : i32
    %scan3A_90 = arith.constant 15 : i32
    %mul3A_91 = arith.constant 5008 : i32
    %mul3A_92 = arith.muli %arg1, %mul3A_91 : i32
    "tpu.region"() ({
      %run_scoped3A = tpu.sem_alloc : memref<!tpu.dma_semaphore, #tpu.memory_space<semaphore_mem>>
      %dma_start3A_652 = tpu.memref_slice %arg21[%mul3A_92] : memref<80128xf32, #tpu.memory_space<vmem_shared>> -> memref<5008xf32, #tpu.memory_space<vmem_shared>>
      %dma_start3A_653 = tpu.memref_slice %arg21[%mul3A_92] : memref<80128xf32, #tpu.memory_space<vmem_shared>> -> memref<5008xf32, #tpu.memory_space<vmem_shared>>
      tpu.enqueue_dma source(%arg20 : memref<5008xf32, #tpu.memory_space<vmem>>) target(%dma_start3A_653 : memref<5008xf32, #tpu.memory_space<vmem_shared>>) target_semaphore(%run_scoped3A : memref<!tpu.dma_semaphore, #tpu.memory_space<semaphore_mem>>)
      %dma_wait3A_654 = tpu.memref_slice %arg21[%mul3A_92] : memref<80128xf32, #tpu.memory_space<vmem_shared>> -> memref<5008xf32, #tpu.memory_space<vmem_shared>>
      %dma_wait3A_655 = tpu.memref_slice %arg21[%mul3A_92] : memref<80128xf32, #tpu.memory_space<vmem_shared>> -> memref<5008xf32, #tpu.memory_space<vmem_shared>>
      tpu.wait_dma2 semaphore(%run_scoped3A : memref<!tpu.dma_semaphore, #tpu.memory_space<semaphore_mem>>) src(%arg20 : memref<5008xf32, #tpu.memory_space<vmem>>) dst(%dma_wait3A_655 : memref<5008xf32, #tpu.memory_space<vmem_shared>>)
      tpu.yield
    }) : () -> ()
    %eq3A = arith.constant 0 : i32
    %eq3A_93 = arith.cmpi eq, %arg1, %eq3A : i32
    %convert_element_type3A = arith.extui %eq3A_93 : i1 to i32
    %cond3A = arith.constant 0 : i32
    %cond3A_94 = arith.cmpi ne, %convert_element_type3A, %cond3A : i32
    scf.if %cond3A_94 {
      %mul3A_652 = arith.constant 81920 : i32
      %mul3A_653 = arith.muli %arg0, %mul3A_652 : i32
      %add3A_654 = arith.constant 80000 : i32
      %add3A_655 = arith.addi %mul3A_653, %add3A_654 : i32
      "tpu.region"() ({
        %run_scoped3A = tpu.sem_alloc : memref<!tpu.dma_semaphore, #tpu.memory_space<semaphore_mem>>
        %dma_start3A_656 = arith.constant 0 : i32
        %dma_start3A_657 = tpu.memref_slice %arg20[%dma_start3A_656] : memref<5008xf32, #tpu.memory_space<vmem>> -> memref<1920xf32, #tpu.memory_space<vmem>>
        %dma_start3A_658 = tpu.memref_slice %arg5[%add3A_655] : memref<163840xf32, #tpu.memory_space<hbm>> -> memref<1920xf32, #tpu.memory_space<hbm>>
        %dma_start3A_659 = tpu.memref_slice %arg5[%add3A_655] : memref<163840xf32, #tpu.memory_space<hbm>> -> memref<1920xf32, #tpu.memory_space<hbm>>
        %dma_start3A_660 = arith.constant 0 : i32
        %dma_start3A_661 = tpu.memref_slice %arg20[%dma_start3A_660] : memref<5008xf32, #tpu.memory_space<vmem>> -> memref<1920xf32, #tpu.memory_space<vmem>>
        tpu.enqueue_dma source(%dma_start3A_661 : memref<1920xf32, #tpu.memory_space<vmem>>) target(%dma_start3A_659 : memref<1920xf32, #tpu.memory_space<hbm>>) target_semaphore(%run_scoped3A : memref<!tpu.dma_semaphore, #tpu.memory_space<semaphore_mem>>)
        %dma_wait3A_662 = arith.constant 0 : i32
        %dma_wait3A_663 = tpu.memref_slice %arg20[%dma_wait3A_662] : memref<5008xf32, #tpu.memory_space<vmem>> -> memref<1920xf32, #tpu.memory_space<vmem>>
        %dma_wait3A_664 = tpu.memref_slice %arg5[%add3A_655] : memref<163840xf32, #tpu.memory_space<hbm>> -> memref<1920xf32, #tpu.memory_space<hbm>>
        %dma_wait3A_665 = tpu.memref_slice %arg5[%add3A_655] : memref<163840xf32, #tpu.memory_space<hbm>> -> memref<1920xf32, #tpu.memory_space<hbm>>
        %dma_wait3A_666 = arith.constant 0 : i32
        %dma_wait3A_667 = tpu.memref_slice %arg20[%dma_wait3A_666] : memref<5008xf32, #tpu.memory_space<vmem>> -> memref<1920xf32, #tpu.memory_space<vmem>>
        tpu.wait_dma2 semaphore(%run_scoped3A : memref<!tpu.dma_semaphore, #tpu.memory_space<semaphore_mem>>) src(%dma_wait3A_667 : memref<1920xf32, #tpu.memory_space<vmem>>) dst(%dma_wait3A_665 : memref<1920xf32, #tpu.memory_space<hbm>>)
        tpu.yield
      }) : () -> ()
    } else {
    }
    tpu.wait_dma2 semaphore(%arg22 : memref<!tpu.dma_semaphore, #tpu.memory_space<semaphore_mem>>) src(%arg4 : memref<10000xi32, #tpu.memory_space<hbm>>) dst(%arg6 : memref<10000xi32, #tpu.memory_space<vmem>>)
    %dma_wait3A = arith.constant 0 : i32
    %dma_wait3A_95 = tpu.memref_slice %arg7[%dma_wait3A] : memref<10032xi32, #tpu.memory_space<vmem>> -> memref<10000xi32, #tpu.memory_space<vmem>>
    %dma_wait3A_96 = tpu.memref_slice %arg2[%mul3A_2] : memref<320000xi32, #tpu.memory_space<hbm>> -> memref<10000xi32, #tpu.memory_space<hbm>>
    %dma_wait3A_97 = arith.constant 0 : i32
    %dma_wait3A_98 = tpu.memref_slice %arg7[%dma_wait3A_97] : memref<10032xi32, #tpu.memory_space<vmem>> -> memref<10000xi32, #tpu.memory_space<vmem>>
    %dma_wait3A_99 = tpu.memref_slice %arg2[%mul3A_2] : memref<320000xi32, #tpu.memory_space<hbm>> -> memref<10000xi32, #tpu.memory_space<hbm>>
    tpu.wait_dma2 semaphore(%arg22 : memref<!tpu.dma_semaphore, #tpu.memory_space<semaphore_mem>>) src(%dma_wait3A_99 : memref<10000xi32, #tpu.memory_space<hbm>>) dst(%dma_wait3A_98 : memref<10000xi32, #tpu.memory_space<vmem>>)
    %dma_wait3A_100 = arith.constant 0 : i32
    %dma_wait3A_101 = tpu.memref_slice %arg8[%dma_wait3A_100] : memref<10032xi32, #tpu.memory_space<vmem>> -> memref<10000xi32, #tpu.memory_space<vmem>>
    %dma_wait3A_102 = tpu.memref_slice %arg3[%mul3A_2] : memref<320000xi32, #tpu.memory_space<hbm>> -> memref<10000xi32, #tpu.memory_space<hbm>>
    %dma_wait3A_103 = arith.constant 0 : i32
    %dma_wait3A_104 = tpu.memref_slice %arg8[%dma_wait3A_103] : memref<10032xi32, #tpu.memory_space<vmem>> -> memref<10000xi32, #tpu.memory_space<vmem>>
    %dma_wait3A_105 = tpu.memref_slice %arg3[%mul3A_2] : memref<320000xi32, #tpu.memory_space<hbm>> -> memref<10000xi32, #tpu.memory_space<hbm>>
    tpu.wait_dma2 semaphore(%arg22 : memref<!tpu.dma_semaphore, #tpu.memory_space<semaphore_mem>>) src(%dma_wait3A_105 : memref<10000xi32, #tpu.memory_space<hbm>>) dst(%dma_wait3A_104 : memref<10000xi32, #tpu.memory_space<vmem>>)
    %barrier3A = arith.constant 0 : index
    tpu.barrier barrier_id(%barrier3A)
    %get3A = arith.constant 0 : index
    %get3A_106 = tpu.vector_load %arg7[%get3A] {strides = array<i32>} : memref<10032xi32, #tpu.memory_space<vmem>>, vector<16xi32>,
    %get3A_107 = arith.constant 0 : index
    %get3A_108 = tpu.vector_load %arg8[%get3A_107] {strides = array<i32>} : memref<10032xi32, #tpu.memory_space<vmem>>, vector<16xi32>,
    %get3A_109 = arith.constant 16 : index
    %get3A_110 = tpu.vector_load %arg7[%get3A_109] {strides = array<i32>} : memref<10032xi32, #tpu.memory_space<vmem>>, vector<16xi32>,
    %get3A_111 = arith.constant 16 : index
    %get3A_112 = tpu.vector_load %arg8[%get3A_111] {strides = array<i32>} : memref<10032xi32, #tpu.memory_space<vmem>>, vector<16xi32>,
    %gather3A = tpu.vector_load_idx %arg6[%get3A_106] : memref<10000xi32, #tpu.memory_space<vmem>>[vector<16xi32>], vector<16xi32>,
    %gather3A_113 = tpu.vector_load_idx %arg6[%get3A_108] : memref<10000xi32, #tpu.memory_space<vmem>>[vector<16xi32>], vector<16xi32>,
    %scan3A_114 = arith.constant 0 : i32
    %scan3A_115 = arith.constant 124 : i32
    %scan3A_116 = arith.addi %scan3A_114, %scan3A_115 : i32
    %scan3A_117 = arith.constant 4 : i32
    %scan3A_118:6 = scf.for %scan3A_652 = %scan3A_114 to %scan3A_116 step %scan3A_117 iter_args(%scan3A_653 = %get3A_110, %scan3A_654 = %get3A_112, %scan3A_655 = %get3A_106, %scan3A_656 = %get3A_108, %scan3A_657 = %gather3A, %scan3A_658 = %gather3A_113) -> (vector<16xi32>, vector<16xi32>, vector<16xi32>, vector<16xi32>, vector<16xi32>, vector<16xi32>)  : i32 {
      %mul3A_659 = arith.constant 16 : i32
      %mul3A_660 = arith.muli %scan3A_652, %mul3A_659 : i32
      %mul3A_661 = arith.constant 8 : i32
      %mul3A_662 = vector.broadcast %mul3A_661 : i32 to vector<16xi32>
      %mul3A_663 = arith.muli %scan3A_656, %mul3A_662 : vector<16xi32>
      %add3A_664 = arith.addi %mul3A_663, %scan3A_657 : vector<16xi32>
      %swap3A_665 = arith.index_cast %mul3A_660 : i32 to index
      %swap3A_666 = tpu.vector_load %arg9[%swap3A_665] {strides = array<i32>} : memref<2048xi32, #tpu.memory_space<vmem>>, vector<16xi32>,
      tpu.vector_store %arg9[%swap3A_665], %add3A_664 {strides = array<i32>} : memref<2048xi32, #tpu.memory_space<vmem>>, vector<16xi32>,
      %mul3A_667 = arith.constant 8 : i32
      %mul3A_668 = vector.broadcast %mul3A_667 : i32 to vector<16xi32>
      %mul3A_669 = arith.muli %scan3A_655, %mul3A_668 : vector<16xi32>
      %add3A_670 = arith.addi %mul3A_669, %scan3A_658 : vector<16xi32>
      %swap3A_671 = arith.index_cast %mul3A_660 : i32 to index
      %swap3A_672 = tpu.vector_load %arg10[%swap3A_671] {strides = array<i32>} : memref<2048xi32, #tpu.memory_space<vmem>>, vector<16xi32>,
      tpu.vector_store %arg10[%swap3A_671], %add3A_670 {strides = array<i32>} : memref<2048xi32, #tpu.memory_space<vmem>>, vector<16xi32>,
      %gather3A_673 = tpu.vector_load_idx %arg6[%scan3A_653] : memref<10000xi32, #tpu.memory_space<vmem>>[vector<16xi32>], vector<16xi32>,
      %gather3A_674 = tpu.vector_load_idx %arg6[%scan3A_654] : memref<10000xi32, #tpu.memory_space<vmem>>[vector<16xi32>], vector<16xi32>,
      %add3A_675 = arith.constant 0 : i32
      %add3A_676 = arith.addi %add3A_675, %scan3A_652 : i32
      %add3A_677 = arith.constant 2 : i32
      %add3A_678 = arith.addi %add3A_676, %add3A_677 : i32
      %mul3A_679 = arith.constant 16 : i32
      %mul3A_680 = arith.muli %add3A_678, %mul3A_679 : i32
      %get3A_681 = arith.index_cast %mul3A_680 : i32 to index
      %get3A_682 = tpu.vector_load %arg7[%get3A_681] {strides = array<i32>} : memref<10032xi32, #tpu.memory_space<vmem>>, vector<16xi32>,
      %mul3A_683 = arith.constant 16 : i32
      %mul3A_684 = arith.muli %add3A_678, %mul3A_683 : i32
      %get3A_685 = arith.index_cast %mul3A_684 : i32 to index
      %get3A_686 = tpu.vector_load %arg8[%get3A_685] {strides = array<i32>} : memref<10032xi32, #tpu.memory_space<vmem>>, vector<16xi32>,
      %scan3A_687 = arith.constant 1 : i32
      %scan3A_688 = arith.addi %scan3A_652, %scan3A_687 : i32
      %mul3A_689 = arith.constant 16 : i32
      %mul3A_690 = arith.muli %scan3A_688, %mul3A_689 : i32
      %mul3A_691 = arith.constant 8 : i32
      %mul3A_692 = vector.broadcast %mul3A_691 : i32 to vector<16xi32>
      %mul3A_693 = arith.muli %scan3A_654, %mul3A_692 : vector<16xi32>
      %add3A_694 = arith.addi %mul3A_693, %gather3A_673 : vector<16xi32>
      %swap3A_695 = arith.index_cast %mul3A_690 : i32 to index
      %swap3A_696 = tpu.vector_load %arg9[%swap3A_695] {strides = array<i32>} : memref<2048xi32, #tpu.memory_space<vmem>>, vector<16xi32>,
      tpu.vector_store %arg9[%swap3A_695], %add3A_694 {strides = array<i32>} : memref<2048xi32, #tpu.memory_space<vmem>>, vector<16xi32>,
      %mul3A_697 = arith.constant 8 : i32
      %mul3A_698 = vector.broadcast %mul3A_697 : i32 to vector<16xi32>
      %mul3A_699 = arith.muli %scan3A_653, %mul3A_698 : vector<16xi32>
      %add3A_700 = arith.addi %mul3A_699, %gather3A_674 : vector<16xi32>
      %swap3A_701 = arith.index_cast %mul3A_690 : i32 to index
      %swap3A_702 = tpu.vector_load %arg10[%swap3A_701] {strides = array<i32>} : memref<2048xi32, #tpu.memory_space<vmem>>, vector<16xi32>,
      tpu.vector_store %arg10[%swap3A_701], %add3A_700 {strides = array<i32>} : memref<2048xi32, #tpu.memory_space<vmem>>, vector<16xi32>,
      %gather3A_703 = tpu.vector_load_idx %arg6[%get3A_682] : memref<10000xi32, #tpu.memory_space<vmem>>[vector<16xi32>], vector<16xi32>,
      %gather3A_704 = tpu.vector_load_idx %arg6[%get3A_686] : memref<10000xi32, #tpu.memory_space<vmem>>[vector<16xi32>], vector<16xi32>,
      %add3A_705 = arith.constant 0 : i32
      %add3A_706 = arith.addi %add3A_705, %scan3A_688 : i32
      %add3A_707 = arith.constant 2 : i32
      %add3A_708 = arith.addi %add3A_706, %add3A_707 : i32
      %mul3A_709 = arith.constant 16 : i32
      %mul3A_710 = arith.muli %add3A_708, %mul3A_709 : i32
      %get3A_711 = arith.index_cast %mul3A_710 : i32 to index
      %get3A_712 = tpu.vector_load %arg7[%get3A_711] {strides = array<i32>} : memref<10032xi32, #tpu.memory_space<vmem>>, vector<16xi32>,
      %mul3A_713 = arith.constant 16 : i32
      %mul3A_714 = arith.muli %add3A_708, %mul3A_713 : i32
      %get3A_715 = arith.index_cast %mul3A_714 : i32 to index
      %get3A_716 = tpu.vector_load %arg8[%get3A_715] {strides = array<i32>} : memref<10032xi32, #tpu.memory_space<vmem>>, vector<16xi32>,
      %scan3A_717 = arith.constant 2 : i32
      %scan3A_718 = arith.addi %scan3A_652, %scan3A_717 : i32
      %mul3A_719 = arith.constant 16 : i32
      %mul3A_720 = arith.muli %scan3A_718, %mul3A_719 : i32
      %mul3A_721 = arith.constant 8 : i32
      %mul3A_722 = vector.broadcast %mul3A_721 : i32 to vector<16xi32>
      %mul3A_723 = arith.muli %get3A_686, %mul3A_722 : vector<16xi32>
      %add3A_724 = arith.addi %mul3A_723, %gather3A_703 : vector<16xi32>
      %swap3A_725 = arith.index_cast %mul3A_720 : i32 to index
      %swap3A_726 = tpu.vector_load %arg9[%swap3A_725] {strides = array<i32>} : memref<2048xi32, #tpu.memory_space<vmem>>, vector<16xi32>,
      tpu.vector_store %arg9[%swap3A_725], %add3A_724 {strides = array<i32>} : memref<2048xi32, #tpu.memory_space<vmem>>, vector<16xi32>,
      %mul3A_727 = arith.constant 8 : i32
      %mul3A_728 = vector.broadcast %mul3A_727 : i32 to vector<16xi32>
      %mul3A_729 = arith.muli %get3A_682, %mul3A_728 : vector<16xi32>
      %add3A_730 = arith.addi %mul3A_729, %gather3A_704 : vector<16xi32>
      %swap3A_731 = arith.index_cast %mul3A_720 : i32 to index
      %swap3A_732 = tpu.vector_load %arg10[%swap3A_731] {strides = array<i32>} : memref<2048xi32, #tpu.memory_space<vmem>>, vector<16xi32>,
      tpu.vector_store %arg10[%swap3A_731], %add3A_730 {strides = array<i32>} : memref<2048xi32, #tpu.memory_space<vmem>>, vector<16xi32>,
      %gather3A_733 = tpu.vector_load_idx %arg6[%get3A_712] : memref<10000xi32, #tpu.memory_space<vmem>>[vector<16xi32>], vector<16xi32>,
      %gather3A_734 = tpu.vector_load_idx %arg6[%get3A_716] : memref<10000xi32, #tpu.memory_space<vmem>>[vector<16xi32>], vector<16xi32>,
      %add3A_735 = arith.constant 0 : i32
      %add3A_736 = arith.addi %add3A_735, %scan3A_718 : i32
      %add3A_737 = arith.constant 2 : i32
      %add3A_738 = arith.addi %add3A_736, %add3A_737 : i32
      %mul3A_739 = arith.constant 16 : i32
      %mul3A_740 = arith.muli %add3A_738, %mul3A_739 : i32
      %get3A_741 = arith.index_cast %mul3A_740 : i32 to index
      %get3A_742 = tpu.vector_load %arg7[%get3A_741] {strides = array<i32>} : memref<10032xi32, #tpu.memory_space<vmem>>, vector<16xi32>,
      %mul3A_743 = arith.constant 16 : i32
      %mul3A_744 = arith.muli %add3A_738, %mul3A_743 : i32
      %get3A_745 = arith.index_cast %mul3A_744 : i32 to index
      %get3A_746 = tpu.vector_load %arg8[%get3A_745] {strides = array<i32>} : memref<10032xi32, #tpu.memory_space<vmem>>, vector<16xi32>,
      %scan3A_747 = arith.constant 3 : i32
      %scan3A_748 = arith.addi %scan3A_652, %scan3A_747 : i32
      %mul3A_749 = arith.constant 16 : i32
      %mul3A_750 = arith.muli %scan3A_748, %mul3A_749 : i32
      %mul3A_751 = arith.constant 8 : i32
      %mul3A_752 = vector.broadcast %mul3A_751 : i32 to vector<16xi32>
      %mul3A_753 = arith.muli %get3A_716, %mul3A_752 : vector<16xi32>
      %add3A_754 = arith.addi %mul3A_753, %gather3A_733 : vector<16xi32>
      %swap3A_755 = arith.index_cast %mul3A_750 : i32 to index
      %swap3A_756 = tpu.vector_load %arg9[%swap3A_755] {strides = array<i32>} : memref<2048xi32, #tpu.memory_space<vmem>>, vector<16xi32>,
      tpu.vector_store %arg9[%swap3A_755], %add3A_754 {strides = array<i32>} : memref<2048xi32, #tpu.memory_space<vmem>>, vector<16xi32>,
      %mul3A_757 = arith.constant 8 : i32
      %mul3A_758 = vector.broadcast %mul3A_757 : i32 to vector<16xi32>
      %mul3A_759 = arith.muli %get3A_712, %mul3A_758 : vector<16xi32>
      %add3A_760 = arith.addi %mul3A_759, %gather3A_734 : vector<16xi32>
      %swap3A_761 = arith.index_cast %mul3A_750 : i32 to index
      %swap3A_762 = tpu.vector_load %arg10[%swap3A_761] {strides = array<i32>} : memref<2048xi32, #tpu.memory_space<vmem>>, vector<16xi32>,
      tpu.vector_store %arg10[%swap3A_761], %add3A_760 {strides = array<i32>} : memref<2048xi32, #tpu.memory_space<vmem>>, vector<16xi32>,
      %gather3A_763 = tpu.vector_load_idx %arg6[%get3A_742] : memref<10000xi32, #tpu.memory_space<vmem>>[vector<16xi32>], vector<16xi32>,
      %gather3A_764 = tpu.vector_load_idx %arg6[%get3A_746] : memref<10000xi32, #tpu.memory_space<vmem>>[vector<16xi32>], vector<16xi32>,
      %add3A_765 = arith.constant 0 : i32
      %add3A_766 = arith.addi %add3A_765, %scan3A_748 : i32
      %add3A_767 = arith.constant 2 : i32
      %add3A_768 = arith.addi %add3A_766, %add3A_767 : i32
      %mul3A_769 = arith.constant 16 : i32
      %mul3A_770 = arith.muli %add3A_768, %mul3A_769 : i32
      %get3A_771 = arith.index_cast %mul3A_770 : i32 to index
      %get3A_772 = tpu.vector_load %arg7[%get3A_771] {strides = array<i32>} : memref<10032xi32, #tpu.memory_space<vmem>>, vector<16xi32>,
      %mul3A_773 = arith.constant 16 : i32
      %mul3A_774 = arith.muli %add3A_768, %mul3A_773 : i32
      %get3A_775 = arith.index_cast %mul3A_774 : i32 to index
      %get3A_776 = tpu.vector_load %arg8[%get3A_775] {strides = array<i32>} : memref<10032xi32, #tpu.memory_space<vmem>>, vector<16xi32>,
      scf.yield %get3A_772, %get3A_776, %get3A_742, %get3A_746, %gather3A_763, %gather3A_764 : vector<16xi32>, vector<16xi32>, vector<16xi32>, vector<16xi32>, vector<16xi32>, vector<16xi32>
    }
    %scan3A_119 = arith.constant 124 : i32
    %scan3A_120 = arith.addi %scan3A_114, %scan3A_119 : i32
    %mul3A_121 = arith.constant 16 : i32
    %mul3A_122 = arith.muli %scan3A_120, %mul3A_121 : i32
    %mul3A_123 = arith.constant 8 : i32
    %mul3A_124 = vector.broadcast %mul3A_123 : i32 to vector<16xi32>
    %mul3A_125 = arith.muli %scan3A_118#3, %mul3A_124 : vector<16xi32>
    %add3A_126 = arith.addi %mul3A_125, %scan3A_118#4 : vector<16xi32>
    %swap3A_127 = arith.index_cast %mul3A_122 : i32 to index
    %swap3A_128 = tpu.vector_load %arg9[%swap3A_127] {strides = array<i32>} : memref<2048xi32, #tpu.memory_space<vmem>>, vector<16xi32>,
    tpu.vector_store %arg9[%swap3A_127], %add3A_126 {strides = array<i32>} : memref<2048xi32, #tpu.memory_space<vmem>>, vector<16xi32>,
    %mul3A_129 = arith.constant 8 : i32
    %mul3A_130 = vector.broadcast %mul3A_129 : i32 to vector<16xi32>
    %mul3A_131 = arith.muli %scan3A_118#2, %mul3A_130 : vector<16xi32>
    %add3A_132 = arith.addi %mul3A_131, %scan3A_118#5 : vector<16xi32>
    %swap3A_133 = arith.index_cast %mul3A_122 : i32 to index
    %swap3A_134 = tpu.vector_load %arg10[%swap3A_133] {strides = array<i32>} : memref<2048xi32, #tpu.memory_space<vmem>>, vector<16xi32>,
    tpu.vector_store %arg10[%swap3A_133], %add3A_132 {strides = array<i32>} : memref<2048xi32, #tpu.memory_space<vmem>>, vector<16xi32>,
    %gather3A_135 = tpu.vector_load_idx %arg6[%scan3A_118#0] : memref<10000xi32, #tpu.memory_space<vmem>>[vector<16xi32>], vector<16xi32>,
    %gather3A_136 = tpu.vector_load_idx %arg6[%scan3A_118#1] : memref<10000xi32, #tpu.memory_space<vmem>>[vector<16xi32>], vector<16xi32>,
    %add3A_137 = arith.constant 0 : i32
    %add3A_138 = arith.addi %add3A_137, %scan3A_120 : i32
    %add3A_139 = arith.constant 2 : i32
    %add3A_140 = arith.addi %add3A_138, %add3A_139 : i32
    %mul3A_141 = arith.constant 16 : i32
    %mul3A_142 = arith.muli %add3A_140, %mul3A_141 : i32
    %get3A_143 = arith.index_cast %mul3A_142 : i32 to index
    %get3A_144 = tpu.vector_load %arg7[%get3A_143] {strides = array<i32>} : memref<10032xi32, #tpu.memory_space<vmem>>, vector<16xi32>,
    %mul3A_145 = arith.constant 16 : i32
    %mul3A_146 = arith.muli %add3A_140, %mul3A_145 : i32
    %get3A_147 = arith.index_cast %mul3A_146 : i32 to index
    %get3A_148 = tpu.vector_load %arg8[%get3A_147] {strides = array<i32>} : memref<10032xi32, #tpu.memory_space<vmem>>, vector<16xi32>,
    %scan3A_149 = arith.constant 125 : i32
    %scan3A_150 = arith.addi %scan3A_114, %scan3A_149 : i32
    %mul3A_151 = arith.constant 16 : i32
    %mul3A_152 = arith.muli %scan3A_150, %mul3A_151 : i32
    %mul3A_153 = arith.constant 8 : i32
    %mul3A_154 = vector.broadcast %mul3A_153 : i32 to vector<16xi32>
    %mul3A_155 = arith.muli %scan3A_118#1, %mul3A_154 : vector<16xi32>
    %add3A_156 = arith.addi %mul3A_155, %gather3A_135 : vector<16xi32>
    %swap3A_157 = arith.index_cast %mul3A_152 : i32 to index
    %swap3A_158 = tpu.vector_load %arg9[%swap3A_157] {strides = array<i32>} : memref<2048xi32, #tpu.memory_space<vmem>>, vector<16xi32>,
    tpu.vector_store %arg9[%swap3A_157], %add3A_156 {strides = array<i32>} : memref<2048xi32, #tpu.memory_space<vmem>>, vector<16xi32>,
    %mul3A_159 = arith.constant 8 : i32
    %mul3A_160 = vector.broadcast %mul3A_159 : i32 to vector<16xi32>
    %mul3A_161 = arith.muli %scan3A_118#0, %mul3A_160 : vector<16xi32>
    %add3A_162 = arith.addi %mul3A_161, %gather3A_136 : vector<16xi32>
    %swap3A_163 = arith.index_cast %mul3A_152 : i32 to index
    %swap3A_164 = tpu.vector_load %arg10[%swap3A_163] {strides = array<i32>} : memref<2048xi32, #tpu.memory_space<vmem>>, vector<16xi32>,
    tpu.vector_store %arg10[%swap3A_163], %add3A_162 {strides = array<i32>} : memref<2048xi32, #tpu.memory_space<vmem>>, vector<16xi32>,
    %gather3A_165 = tpu.vector_load_idx %arg6[%get3A_144] : memref<10000xi32, #tpu.memory_space<vmem>>[vector<16xi32>], vector<16xi32>,
    %gather3A_166 = tpu.vector_load_idx %arg6[%get3A_148] : memref<10000xi32, #tpu.memory_space<vmem>>[vector<16xi32>], vector<16xi32>,
    %add3A_167 = arith.constant 0 : i32
    %add3A_168 = arith.addi %add3A_167, %scan3A_150 : i32
    %add3A_169 = arith.constant 2 : i32
    %add3A_170 = arith.addi %add3A_168, %add3A_169 : i32
    %mul3A_171 = arith.constant 16 : i32
    %mul3A_172 = arith.muli %add3A_170, %mul3A_171 : i32
    %get3A_173 = arith.index_cast %mul3A_172 : i32 to index
    %get3A_174 = tpu.vector_load %arg7[%get3A_173] {strides = array<i32>} : memref<10032xi32, #tpu.memory_space<vmem>>, vector<16xi32>,
    %mul3A_175 = arith.constant 16 : i32
    %mul3A_176 = arith.muli %add3A_170, %mul3A_175 : i32
    %get3A_177 = arith.index_cast %mul3A_176 : i32 to index
    %get3A_178 = tpu.vector_load %arg8[%get3A_177] {strides = array<i32>} : memref<10032xi32, #tpu.memory_space<vmem>>, vector<16xi32>,
    %scan3A_179 = arith.constant 126 : i32
    %scan3A_180 = arith.addi %scan3A_114, %scan3A_179 : i32
    %mul3A_181 = arith.constant 16 : i32
    %mul3A_182 = arith.muli %scan3A_180, %mul3A_181 : i32
    %mul3A_183 = arith.constant 8 : i32
    %mul3A_184 = vector.broadcast %mul3A_183 : i32 to vector<16xi32>
    %mul3A_185 = arith.muli %get3A_148, %mul3A_184 : vector<16xi32>
    %add3A_186 = arith.addi %mul3A_185, %gather3A_165 : vector<16xi32>
    %swap3A_187 = arith.index_cast %mul3A_182 : i32 to index
    %swap3A_188 = tpu.vector_load %arg9[%swap3A_187] {strides = array<i32>} : memref<2048xi32, #tpu.memory_space<vmem>>, vector<16xi32>,
    tpu.vector_store %arg9[%swap3A_187], %add3A_186 {strides = array<i32>} : memref<2048xi32, #tpu.memory_space<vmem>>, vector<16xi32>,
    %mul3A_189 = arith.constant 8 : i32
    %mul3A_190 = vector.broadcast %mul3A_189 : i32 to vector<16xi32>
    %mul3A_191 = arith.muli %get3A_144, %mul3A_190 : vector<16xi32>
    %add3A_192 = arith.addi %mul3A_191, %gather3A_166 : vector<16xi32>
    %swap3A_193 = arith.index_cast %mul3A_182 : i32 to index
    %swap3A_194 = tpu.vector_load %arg10[%swap3A_193] {strides = array<i32>} : memref<2048xi32, #tpu.memory_space<vmem>>, vector<16xi32>,
    tpu.vector_store %arg10[%swap3A_193], %add3A_192 {strides = array<i32>} : memref<2048xi32, #tpu.memory_space<vmem>>, vector<16xi32>,
    %gather3A_195 = tpu.vector_load_idx %arg6[%get3A_174] : memref<10000xi32, #tpu.memory_space<vmem>>[vector<16xi32>], vector<16xi32>,
    %gather3A_196 = tpu.vector_load_idx %arg6[%get3A_178] : memref<10000xi32, #tpu.memory_space<vmem>>[vector<16xi32>], vector<16xi32>,
    %add3A_197 = arith.constant 0 : i32
    %add3A_198 = arith.addi %add3A_197, %scan3A_180 : i32
    %add3A_199 = arith.constant 2 : i32
    %add3A_200 = arith.addi %add3A_198, %add3A_199 : i32
    %mul3A_201 = arith.constant 16 : i32
    %mul3A_202 = arith.muli %add3A_200, %mul3A_201 : i32
    %get3A_203 = arith.index_cast %mul3A_202 : i32 to index
    %get3A_204 = tpu.vector_load %arg7[%get3A_203] {strides = array<i32>} : memref<10032xi32, #tpu.memory_space<vmem>>, vector<16xi32>,
    %mul3A_205 = arith.constant 16 : i32
    %mul3A_206 = arith.muli %add3A_200, %mul3A_205 : i32
    %get3A_207 = arith.index_cast %mul3A_206 : i32 to index
    %get3A_208 = tpu.vector_load %arg8[%get3A_207] {strides = array<i32>} : memref<10032xi32, #tpu.memory_space<vmem>>, vector<16xi32>,
    %scan3A_209 = arith.constant 127 : i32
    %mul3A_210 = arith.constant 8 : i32
    %mul3A_211 = vector.broadcast %mul3A_210 : i32 to vector<16xi32>
    %mul3A_212 = arith.muli %get3A_178, %mul3A_211 : vector<16xi32>
    %add3A_213 = arith.addi %mul3A_212, %gather3A_195 : vector<16xi32>
    %swap3A_214 = arith.constant 2032 : index
    %swap3A_215 = tpu.vector_load %arg9[%swap3A_214] {strides = array<i32>} : memref<2048xi32, #tpu.memory_space<vmem>>, vector<16xi32>,
    tpu.vector_store %arg9[%swap3A_214], %add3A_213 {strides = array<i32>} : memref<2048xi32, #tpu.memory_space<vmem>>, vector<16xi32>,
    %mul3A_216 = arith.constant 8 : i32
    %mul3A_217 = vector.broadcast %mul3A_216 : i32 to vector<16xi32>
    %mul3A_218 = arith.muli %get3A_174, %mul3A_217 : vector<16xi32>
    %add3A_219 = arith.addi %mul3A_218, %gather3A_196 : vector<16xi32>
    %swap3A_220 = arith.constant 2032 : index
    %swap3A_221 = tpu.vector_load %arg10[%swap3A_220] {strides = array<i32>} : memref<2048xi32, #tpu.memory_space<vmem>>, vector<16xi32>,
    tpu.vector_store %arg10[%swap3A_220], %add3A_219 {strides = array<i32>} : memref<2048xi32, #tpu.memory_space<vmem>>, vector<16xi32>,
    %dma_start3A_222 = arith.constant 0 : i32
    %dma_start3A_223 = tpu.memref_slice %arg21[%dma_start3A_222] : memref<80128xf32, #tpu.memory_space<vmem_shared>> -> memref<80128xf32, #tpu.memory_space<vmem_shared>>
    tpu.enqueue_indirect_dma source(%arg19 : memref<2048xf32, #tpu.memory_space<vmem>>) target(%dma_start3A_223 : memref<80128xf32, #tpu.memory_space<vmem_shared>>) offsets(%arg9 : memref<2048xi32, #tpu.memory_space<vmem>>) semaphore(%arg23 : memref<!tpu.dma_semaphore, #tpu.memory_space<semaphore_mem>>) {add = true}
    %dma_start3A_224 = arith.constant 0 : i32
    %dma_start3A_225 = tpu.memref_slice %arg21[%dma_start3A_224] : memref<80128xf32, #tpu.memory_space<vmem_shared>> -> memref<80128xf32, #tpu.memory_space<vmem_shared>>
    tpu.enqueue_indirect_dma source(%arg19 : memref<2048xf32, #tpu.memory_space<vmem>>) target(%dma_start3A_225 : memref<80128xf32, #tpu.memory_space<vmem_shared>>) offsets(%arg10 : memref<2048xi32, #tpu.memory_space<vmem>>) semaphore(%arg23 : memref<!tpu.dma_semaphore, #tpu.memory_space<semaphore_mem>>) {add = true}
    %get3A_226 = arith.constant 2048 : index
    %get3A_227 = tpu.vector_load %arg7[%get3A_226] {strides = array<i32>} : memref<10032xi32, #tpu.memory_space<vmem>>, vector<16xi32>,
    %get3A_228 = arith.constant 2048 : index
    %get3A_229 = tpu.vector_load %arg8[%get3A_228] {strides = array<i32>} : memref<10032xi32, #tpu.memory_space<vmem>>, vector<16xi32>,
    %get3A_230 = arith.constant 2064 : index
    %get3A_231 = tpu.vector_load %arg7[%get3A_230] {strides = array<i32>} : memref<10032xi32, #tpu.memory_space<vmem>>, vector<16xi32>,
    %get3A_232 = arith.constant 2064 : index
    %get3A_233 = tpu.vector_load %arg8[%get3A_232] {strides = array<i32>} : memref<10032xi32, #tpu.memory_space<vmem>>, vector<16xi32>,
    %gather3A_234 = tpu.vector_load_idx %arg6[%get3A_227] : memref<10000xi32, #tpu.memory_space<vmem>>[vector<16xi32>], vector<16xi32>,
    %gather3A_235 = tpu.vector_load_idx %arg6[%get3A_229] : memref<10000xi32, #tpu.memory_space<vmem>>[vector<16xi32>], vector<16xi32>,
    %scan3A_236 = arith.constant 0 : i32
    %scan3A_237 = arith.constant 124 : i32
    %scan3A_238 = arith.addi %scan3A_236, %scan3A_237 : i32
    %scan3A_239 = arith.constant 4 : i32
    %scan3A_240:6 = scf.for %scan3A_652 = %scan3A_236 to %scan3A_238 step %scan3A_239 iter_args(%scan3A_653 = %get3A_231, %scan3A_654 = %get3A_233, %scan3A_655 = %get3A_227, %scan3A_656 = %get3A_229, %scan3A_657 = %gather3A_234, %scan3A_658 = %gather3A_235) -> (vector<16xi32>, vector<16xi32>, vector<16xi32>, vector<16xi32>, vector<16xi32>, vector<16xi32>)  : i32 {
      %mul3A_659 = arith.constant 16 : i32
      %mul3A_660 = arith.muli %scan3A_652, %mul3A_659 : i32
      %mul3A_661 = arith.constant 8 : i32
      %mul3A_662 = vector.broadcast %mul3A_661 : i32 to vector<16xi32>
      %mul3A_663 = arith.muli %scan3A_656, %mul3A_662 : vector<16xi32>
      %add3A_664 = arith.addi %mul3A_663, %scan3A_657 : vector<16xi32>
      %swap3A_665 = arith.index_cast %mul3A_660 : i32 to index
      %swap3A_666 = tpu.vector_load %arg11[%swap3A_665] {strides = array<i32>} : memref<2048xi32, #tpu.memory_space<vmem>>, vector<16xi32>,
      tpu.vector_store %arg11[%swap3A_665], %add3A_664 {strides = array<i32>} : memref<2048xi32, #tpu.memory_space<vmem>>, vector<16xi32>,
      %mul3A_667 = arith.constant 8 : i32
      %mul3A_668 = vector.broadcast %mul3A_667 : i32 to vector<16xi32>
      %mul3A_669 = arith.muli %scan3A_655, %mul3A_668 : vector<16xi32>
      %add3A_670 = arith.addi %mul3A_669, %scan3A_658 : vector<16xi32>
      %swap3A_671 = arith.index_cast %mul3A_660 : i32 to index
      %swap3A_672 = tpu.vector_load %arg12[%swap3A_671] {strides = array<i32>} : memref<2048xi32, #tpu.memory_space<vmem>>, vector<16xi32>,
      tpu.vector_store %arg12[%swap3A_671], %add3A_670 {strides = array<i32>} : memref<2048xi32, #tpu.memory_space<vmem>>, vector<16xi32>,
      %gather3A_673 = tpu.vector_load_idx %arg6[%scan3A_653] : memref<10000xi32, #tpu.memory_space<vmem>>[vector<16xi32>], vector<16xi32>,
      %gather3A_674 = tpu.vector_load_idx %arg6[%scan3A_654] : memref<10000xi32, #tpu.memory_space<vmem>>[vector<16xi32>], vector<16xi32>,
      %add3A_675 = arith.constant 128 : i32
      %add3A_676 = arith.addi %add3A_675, %scan3A_652 : i32
      %add3A_677 = arith.constant 2 : i32
      %add3A_678 = arith.addi %add3A_676, %add3A_677 : i32
      %mul3A_679 = arith.constant 16 : i32
      %mul3A_680 = arith.muli %add3A_678, %mul3A_679 : i32
      %get3A_681 = arith.index_cast %mul3A_680 : i32 to index
      %get3A_682 = tpu.vector_load %arg7[%get3A_681] {strides = array<i32>} : memref<10032xi32, #tpu.memory_space<vmem>>, vector<16xi32>,
      %mul3A_683 = arith.constant 16 : i32
      %mul3A_684 = arith.muli %add3A_678, %mul3A_683 : i32
      %get3A_685 = arith.index_cast %mul3A_684 : i32 to index
      %get3A_686 = tpu.vector_load %arg8[%get3A_685] {strides = array<i32>} : memref<10032xi32, #tpu.memory_space<vmem>>, vector<16xi32>,
      %scan3A_687 = arith.constant 1 : i32
      %scan3A_688 = arith.addi %scan3A_652, %scan3A_687 : i32
      %mul3A_689 = arith.constant 16 : i32
      %mul3A_690 = arith.muli %scan3A_688, %mul3A_689 : i32
      %mul3A_691 = arith.constant 8 : i32
      %mul3A_692 = vector.broadcast %mul3A_691 : i32 to vector<16xi32>
      %mul3A_693 = arith.muli %scan3A_654, %mul3A_692 : vector<16xi32>
      %add3A_694 = arith.addi %mul3A_693, %gather3A_673 : vector<16xi32>
      %swap3A_695 = arith.index_cast %mul3A_690 : i32 to index
      %swap3A_696 = tpu.vector_load %arg11[%swap3A_695] {strides = array<i32>} : memref<2048xi32, #tpu.memory_space<vmem>>, vector<16xi32>,
      tpu.vector_store %arg11[%swap3A_695], %add3A_694 {strides = array<i32>} : memref<2048xi32, #tpu.memory_space<vmem>>, vector<16xi32>,
      %mul3A_697 = arith.constant 8 : i32
      %mul3A_698 = vector.broadcast %mul3A_697 : i32 to vector<16xi32>
      %mul3A_699 = arith.muli %scan3A_653, %mul3A_698 : vector<16xi32>
      %add3A_700 = arith.addi %mul3A_699, %gather3A_674 : vector<16xi32>
      %swap3A_701 = arith.index_cast %mul3A_690 : i32 to index
      %swap3A_702 = tpu.vector_load %arg12[%swap3A_701] {strides = array<i32>} : memref<2048xi32, #tpu.memory_space<vmem>>, vector<16xi32>,
      tpu.vector_store %arg12[%swap3A_701], %add3A_700 {strides = array<i32>} : memref<2048xi32, #tpu.memory_space<vmem>>, vector<16xi32>,
      %gather3A_703 = tpu.vector_load_idx %arg6[%get3A_682] : memref<10000xi32, #tpu.memory_space<vmem>>[vector<16xi32>], vector<16xi32>,
      %gather3A_704 = tpu.vector_load_idx %arg6[%get3A_686] : memref<10000xi32, #tpu.memory_space<vmem>>[vector<16xi32>], vector<16xi32>,
      %add3A_705 = arith.constant 128 : i32
      %add3A_706 = arith.addi %add3A_705, %scan3A_688 : i32
      %add3A_707 = arith.constant 2 : i32
      %add3A_708 = arith.addi %add3A_706, %add3A_707 : i32
      %mul3A_709 = arith.constant 16 : i32
      %mul3A_710 = arith.muli %add3A_708, %mul3A_709 : i32
      %get3A_711 = arith.index_cast %mul3A_710 : i32 to index
      %get3A_712 = tpu.vector_load %arg7[%get3A_711] {strides = array<i32>} : memref<10032xi32, #tpu.memory_space<vmem>>, vector<16xi32>,
      %mul3A_713 = arith.constant 16 : i32
      %mul3A_714 = arith.muli %add3A_708, %mul3A_713 : i32
      %get3A_715 = arith.index_cast %mul3A_714 : i32 to index
      %get3A_716 = tpu.vector_load %arg8[%get3A_715] {strides = array<i32>} : memref<10032xi32, #tpu.memory_space<vmem>>, vector<16xi32>,
      %scan3A_717 = arith.constant 2 : i32
      %scan3A_718 = arith.addi %scan3A_652, %scan3A_717 : i32
      %mul3A_719 = arith.constant 16 : i32
      %mul3A_720 = arith.muli %scan3A_718, %mul3A_719 : i32
      %mul3A_721 = arith.constant 8 : i32
      %mul3A_722 = vector.broadcast %mul3A_721 : i32 to vector<16xi32>
      %mul3A_723 = arith.muli %get3A_686, %mul3A_722 : vector<16xi32>
      %add3A_724 = arith.addi %mul3A_723, %gather3A_703 : vector<16xi32>
      %swap3A_725 = arith.index_cast %mul3A_720 : i32 to index
      %swap3A_726 = tpu.vector_load %arg11[%swap3A_725] {strides = array<i32>} : memref<2048xi32, #tpu.memory_space<vmem>>, vector<16xi32>,
      tpu.vector_store %arg11[%swap3A_725], %add3A_724 {strides = array<i32>} : memref<2048xi32, #tpu.memory_space<vmem>>, vector<16xi32>,
      %mul3A_727 = arith.constant 8 : i32
      %mul3A_728 = vector.broadcast %mul3A_727 : i32 to vector<16xi32>
      %mul3A_729 = arith.muli %get3A_682, %mul3A_728 : vector<16xi32>
      %add3A_730 = arith.addi %mul3A_729, %gather3A_704 : vector<16xi32>
      %swap3A_731 = arith.index_cast %mul3A_720 : i32 to index
      %swap3A_732 = tpu.vector_load %arg12[%swap3A_731] {strides = array<i32>} : memref<2048xi32, #tpu.memory_space<vmem>>, vector<16xi32>,
      tpu.vector_store %arg12[%swap3A_731], %add3A_730 {strides = array<i32>} : memref<2048xi32, #tpu.memory_space<vmem>>, vector<16xi32>,
      %gather3A_733 = tpu.vector_load_idx %arg6[%get3A_712] : memref<10000xi32, #tpu.memory_space<vmem>>[vector<16xi32>], vector<16xi32>,
      %gather3A_734 = tpu.vector_load_idx %arg6[%get3A_716] : memref<10000xi32, #tpu.memory_space<vmem>>[vector<16xi32>], vector<16xi32>,
      %add3A_735 = arith.constant 128 : i32
      %add3A_736 = arith.addi %add3A_735, %scan3A_718 : i32
      %add3A_737 = arith.constant 2 : i32
      %add3A_738 = arith.addi %add3A_736, %add3A_737 : i32
      %mul3A_739 = arith.constant 16 : i32
      %mul3A_740 = arith.muli %add3A_738, %mul3A_739 : i32
      %get3A_741 = arith.index_cast %mul3A_740 : i32 to index
      %get3A_742 = tpu.vector_load %arg7[%get3A_741] {strides = array<i32>} : memref<10032xi32, #tpu.memory_space<vmem>>, vector<16xi32>,
      %mul3A_743 = arith.constant 16 : i32
      %mul3A_744 = arith.muli %add3A_738, %mul3A_743 : i32
      %get3A_745 = arith.index_cast %mul3A_744 : i32 to index
      %get3A_746 = tpu.vector_load %arg8[%get3A_745] {strides = array<i32>} : memref<10032xi32, #tpu.memory_space<vmem>>, vector<16xi32>,
      %scan3A_747 = arith.constant 3 : i32
      %scan3A_748 = arith.addi %scan3A_652, %scan3A_747 : i32
      %mul3A_749 = arith.constant 16 : i32
      %mul3A_750 = arith.muli %scan3A_748, %mul3A_749 : i32
      %mul3A_751 = arith.constant 8 : i32
      %mul3A_752 = vector.broadcast %mul3A_751 : i32 to vector<16xi32>
      %mul3A_753 = arith.muli %get3A_716, %mul3A_752 : vector<16xi32>
      %add3A_754 = arith.addi %mul3A_753, %gather3A_733 : vector<16xi32>
      %swap3A_755 = arith.index_cast %mul3A_750 : i32 to index
      %swap3A_756 = tpu.vector_load %arg11[%swap3A_755] {strides = array<i32>} : memref<2048xi32, #tpu.memory_space<vmem>>, vector<16xi32>,
      tpu.vector_store %arg11[%swap3A_755], %add3A_754 {strides = array<i32>} : memref<2048xi32, #tpu.memory_space<vmem>>, vector<16xi32>,
      %mul3A_757 = arith.constant 8 : i32
      %mul3A_758 = vector.broadcast %mul3A_757 : i32 to vector<16xi32>
      %mul3A_759 = arith.muli %get3A_712, %mul3A_758 : vector<16xi32>
      %add3A_760 = arith.addi %mul3A_759, %gather3A_734 : vector<16xi32>
      %swap3A_761 = arith.index_cast %mul3A_750 : i32 to index
      %swap3A_762 = tpu.vector_load %arg12[%swap3A_761] {strides = array<i32>} : memref<2048xi32, #tpu.memory_space<vmem>>, vector<16xi32>,
      tpu.vector_store %arg12[%swap3A_761], %add3A_760 {strides = array<i32>} : memref<2048xi32, #tpu.memory_space<vmem>>, vector<16xi32>,
      %gather3A_763 = tpu.vector_load_idx %arg6[%get3A_742] : memref<10000xi32, #tpu.memory_space<vmem>>[vector<16xi32>], vector<16xi32>,
      %gather3A_764 = tpu.vector_load_idx %arg6[%get3A_746] : memref<10000xi32, #tpu.memory_space<vmem>>[vector<16xi32>], vector<16xi32>,
      %add3A_765 = arith.constant 128 : i32
      %add3A_766 = arith.addi %add3A_765, %scan3A_748 : i32
      %add3A_767 = arith.constant 2 : i32
      %add3A_768 = arith.addi %add3A_766, %add3A_767 : i32
      %mul3A_769 = arith.constant 16 : i32
      %mul3A_770 = arith.muli %add3A_768, %mul3A_769 : i32
      %get3A_771 = arith.index_cast %mul3A_770 : i32 to index
      %get3A_772 = tpu.vector_load %arg7[%get3A_771] {strides = array<i32>} : memref<10032xi32, #tpu.memory_space<vmem>>, vector<16xi32>,
      %mul3A_773 = arith.constant 16 : i32
      %mul3A_774 = arith.muli %add3A_768, %mul3A_773 : i32
      %get3A_775 = arith.index_cast %mul3A_774 : i32 to index
      %get3A_776 = tpu.vector_load %arg8[%get3A_775] {strides = array<i32>} : memref<10032xi32, #tpu.memory_space<vmem>>, vector<16xi32>,
      scf.yield %get3A_772, %get3A_776, %get3A_742, %get3A_746, %gather3A_763, %gather3A_764 : vector<16xi32>, vector<16xi32>, vector<16xi32>, vector<16xi32>, vector<16xi32>, vector<16xi32>
    }
    %scan3A_241 = arith.constant 124 : i32
    %scan3A_242 = arith.addi %scan3A_236, %scan3A_241 : i32
    %mul3A_243 = arith.constant 16 : i32
    %mul3A_244 = arith.muli %scan3A_242, %mul3A_243 : i32
    %mul3A_245 = arith.constant 8 : i32
    %mul3A_246 = vector.broadcast %mul3A_245 : i32 to vector<16xi32>
    %mul3A_247 = arith.muli %scan3A_240#3, %mul3A_246 : vector<16xi32>
    %add3A_248 = arith.addi %mul3A_247, %scan3A_240#4 : vector<16xi32>
    %swap3A_249 = arith.index_cast %mul3A_244 : i32 to index
    %swap3A_250 = tpu.vector_load %arg11[%swap3A_249] {strides = array<i32>} : memref<2048xi32, #tpu.memory_space<vmem>>, vector<16xi32>,
    tpu.vector_store %arg11[%swap3A_249], %add3A_248 {strides = array<i32>} : memref<2048xi32, #tpu.memory_space<vmem>>, vector<16xi32>,
    %mul3A_251 = arith.constant 8 : i32
    %mul3A_252 = vector.broadcast %mul3A_251 : i32 to vector<16xi32>
    %mul3A_253 = arith.muli %scan3A_240#2, %mul3A_252 : vector<16xi32>
    %add3A_254 = arith.addi %mul3A_253, %scan3A_240#5 : vector<16xi32>
    %swap3A_255 = arith.index_cast %mul3A_244 : i32 to index
    %swap3A_256 = tpu.vector_load %arg12[%swap3A_255] {strides = array<i32>} : memref<2048xi32, #tpu.memory_space<vmem>>, vector<16xi32>,
    tpu.vector_store %arg12[%swap3A_255], %add3A_254 {strides = array<i32>} : memref<2048xi32, #tpu.memory_space<vmem>>, vector<16xi32>,
    %gather3A_257 = tpu.vector_load_idx %arg6[%scan3A_240#0] : memref<10000xi32, #tpu.memory_space<vmem>>[vector<16xi32>], vector<16xi32>,
    %gather3A_258 = tpu.vector_load_idx %arg6[%scan3A_240#1] : memref<10000xi32, #tpu.memory_space<vmem>>[vector<16xi32>], vector<16xi32>,
    %add3A_259 = arith.constant 128 : i32
    %add3A_260 = arith.addi %add3A_259, %scan3A_242 : i32
    %add3A_261 = arith.constant 2 : i32
    %add3A_262 = arith.addi %add3A_260, %add3A_261 : i32
    %mul3A_263 = arith.constant 16 : i32
    %mul3A_264 = arith.muli %add3A_262, %mul3A_263 : i32
    %get3A_265 = arith.index_cast %mul3A_264 : i32 to index
    %get3A_266 = tpu.vector_load %arg7[%get3A_265] {strides = array<i32>} : memref<10032xi32, #tpu.memory_space<vmem>>, vector<16xi32>,
    %mul3A_267 = arith.constant 16 : i32
    %mul3A_268 = arith.muli %add3A_262, %mul3A_267 : i32
    %get3A_269 = arith.index_cast %mul3A_268 : i32 to index
    %get3A_270 = tpu.vector_load %arg8[%get3A_269] {strides = array<i32>} : memref<10032xi32, #tpu.memory_space<vmem>>, vector<16xi32>,
    %scan3A_271 = arith.constant 125 : i32
    %scan3A_272 = arith.addi %scan3A_236, %scan3A_271 : i32
    %mul3A_273 = arith.constant 16 : i32
    %mul3A_274 = arith.muli %scan3A_272, %mul3A_273 : i32
    %mul3A_275 = arith.constant 8 : i32
    %mul3A_276 = vector.broadcast %mul3A_275 : i32 to vector<16xi32>
    %mul3A_277 = arith.muli %scan3A_240#1, %mul3A_276 : vector<16xi32>
    %add3A_278 = arith.addi %mul3A_277, %gather3A_257 : vector<16xi32>
    %swap3A_279 = arith.index_cast %mul3A_274 : i32 to index
    %swap3A_280 = tpu.vector_load %arg11[%swap3A_279] {strides = array<i32>} : memref<2048xi32, #tpu.memory_space<vmem>>, vector<16xi32>,
    tpu.vector_store %arg11[%swap3A_279], %add3A_278 {strides = array<i32>} : memref<2048xi32, #tpu.memory_space<vmem>>, vector<16xi32>,
    %mul3A_281 = arith.constant 8 : i32
    %mul3A_282 = vector.broadcast %mul3A_281 : i32 to vector<16xi32>
    %mul3A_283 = arith.muli %scan3A_240#0, %mul3A_282 : vector<16xi32>
    %add3A_284 = arith.addi %mul3A_283, %gather3A_258 : vector<16xi32>
    %swap3A_285 = arith.index_cast %mul3A_274 : i32 to index
    %swap3A_286 = tpu.vector_load %arg12[%swap3A_285] {strides = array<i32>} : memref<2048xi32, #tpu.memory_space<vmem>>, vector<16xi32>,
    tpu.vector_store %arg12[%swap3A_285], %add3A_284 {strides = array<i32>} : memref<2048xi32, #tpu.memory_space<vmem>>, vector<16xi32>,
    %gather3A_287 = tpu.vector_load_idx %arg6[%get3A_266] : memref<10000xi32, #tpu.memory_space<vmem>>[vector<16xi32>], vector<16xi32>,
    %gather3A_288 = tpu.vector_load_idx %arg6[%get3A_270] : memref<10000xi32, #tpu.memory_space<vmem>>[vector<16xi32>], vector<16xi32>,
    %add3A_289 = arith.constant 128 : i32
    %add3A_290 = arith.addi %add3A_289, %scan3A_272 : i32
    %add3A_291 = arith.constant 2 : i32
    %add3A_292 = arith.addi %add3A_290, %add3A_291 : i32
    %mul3A_293 = arith.constant 16 : i32
    %mul3A_294 = arith.muli %add3A_292, %mul3A_293 : i32
    %get3A_295 = arith.index_cast %mul3A_294 : i32 to index
    %get3A_296 = tpu.vector_load %arg7[%get3A_295] {strides = array<i32>} : memref<10032xi32, #tpu.memory_space<vmem>>, vector<16xi32>,
    %mul3A_297 = arith.constant 16 : i32
    %mul3A_298 = arith.muli %add3A_292, %mul3A_297 : i32
    %get3A_299 = arith.index_cast %mul3A_298 : i32 to index
    %get3A_300 = tpu.vector_load %arg8[%get3A_299] {strides = array<i32>} : memref<10032xi32, #tpu.memory_space<vmem>>, vector<16xi32>,
    %scan3A_301 = arith.constant 126 : i32
    %scan3A_302 = arith.addi %scan3A_236, %scan3A_301 : i32
    %mul3A_303 = arith.constant 16 : i32
    %mul3A_304 = arith.muli %scan3A_302, %mul3A_303 : i32
    %mul3A_305 = arith.constant 8 : i32
    %mul3A_306 = vector.broadcast %mul3A_305 : i32 to vector<16xi32>
    %mul3A_307 = arith.muli %get3A_270, %mul3A_306 : vector<16xi32>
    %add3A_308 = arith.addi %mul3A_307, %gather3A_287 : vector<16xi32>
    %swap3A_309 = arith.index_cast %mul3A_304 : i32 to index
    %swap3A_310 = tpu.vector_load %arg11[%swap3A_309] {strides = array<i32>} : memref<2048xi32, #tpu.memory_space<vmem>>, vector<16xi32>,
    tpu.vector_store %arg11[%swap3A_309], %add3A_308 {strides = array<i32>} : memref<2048xi32, #tpu.memory_space<vmem>>, vector<16xi32>,
    %mul3A_311 = arith.constant 8 : i32
    %mul3A_312 = vector.broadcast %mul3A_311 : i32 to vector<16xi32>
    %mul3A_313 = arith.muli %get3A_266, %mul3A_312 : vector<16xi32>
    %add3A_314 = arith.addi %mul3A_313, %gather3A_288 : vector<16xi32>
    %swap3A_315 = arith.index_cast %mul3A_304 : i32 to index
    %swap3A_316 = tpu.vector_load %arg12[%swap3A_315] {strides = array<i32>} : memref<2048xi32, #tpu.memory_space<vmem>>, vector<16xi32>,
    tpu.vector_store %arg12[%swap3A_315], %add3A_314 {strides = array<i32>} : memref<2048xi32, #tpu.memory_space<vmem>>, vector<16xi32>,
    %gather3A_317 = tpu.vector_load_idx %arg6[%get3A_296] : memref<10000xi32, #tpu.memory_space<vmem>>[vector<16xi32>], vector<16xi32>,
    %gather3A_318 = tpu.vector_load_idx %arg6[%get3A_300] : memref<10000xi32, #tpu.memory_space<vmem>>[vector<16xi32>], vector<16xi32>,
    %add3A_319 = arith.constant 128 : i32
    %add3A_320 = arith.addi %add3A_319, %scan3A_302 : i32
    %add3A_321 = arith.constant 2 : i32
    %add3A_322 = arith.addi %add3A_320, %add3A_321 : i32
    %mul3A_323 = arith.constant 16 : i32
    %mul3A_324 = arith.muli %add3A_322, %mul3A_323 : i32
    %get3A_325 = arith.index_cast %mul3A_324 : i32 to index
    %get3A_326 = tpu.vector_load %arg7[%get3A_325] {strides = array<i32>} : memref<10032xi32, #tpu.memory_space<vmem>>, vector<16xi32>,
    %mul3A_327 = arith.constant 16 : i32
    %mul3A_328 = arith.muli %add3A_322, %mul3A_327 : i32
    %get3A_329 = arith.index_cast %mul3A_328 : i32 to index
    %get3A_330 = tpu.vector_load %arg8[%get3A_329] {strides = array<i32>} : memref<10032xi32, #tpu.memory_space<vmem>>, vector<16xi32>,
    %scan3A_331 = arith.constant 127 : i32
    %mul3A_332 = arith.constant 8 : i32
    %mul3A_333 = vector.broadcast %mul3A_332 : i32 to vector<16xi32>
    %mul3A_334 = arith.muli %get3A_300, %mul3A_333 : vector<16xi32>
    %add3A_335 = arith.addi %mul3A_334, %gather3A_317 : vector<16xi32>
    %swap3A_336 = arith.constant 2032 : index
    %swap3A_337 = tpu.vector_load %arg11[%swap3A_336] {strides = array<i32>} : memref<2048xi32, #tpu.memory_space<vmem>>, vector<16xi32>,
    tpu.vector_store %arg11[%swap3A_336], %add3A_335 {strides = array<i32>} : memref<2048xi32, #tpu.memory_space<vmem>>, vector<16xi32>,
    %mul3A_338 = arith.constant 8 : i32
    %mul3A_339 = vector.broadcast %mul3A_338 : i32 to vector<16xi32>
    %mul3A_340 = arith.muli %get3A_296, %mul3A_339 : vector<16xi32>
    %add3A_341 = arith.addi %mul3A_340, %gather3A_318 : vector<16xi32>
    %swap3A_342 = arith.constant 2032 : index
    %swap3A_343 = tpu.vector_load %arg12[%swap3A_342] {strides = array<i32>} : memref<2048xi32, #tpu.memory_space<vmem>>, vector<16xi32>,
    tpu.vector_store %arg12[%swap3A_342], %add3A_341 {strides = array<i32>} : memref<2048xi32, #tpu.memory_space<vmem>>, vector<16xi32>,
    %dma_start3A_344 = arith.constant 0 : i32
    %dma_start3A_345 = tpu.memref_slice %arg21[%dma_start3A_344] : memref<80128xf32, #tpu.memory_space<vmem_shared>> -> memref<80128xf32, #tpu.memory_space<vmem_shared>>
    tpu.enqueue_indirect_dma source(%arg19 : memref<2048xf32, #tpu.memory_space<vmem>>) target(%dma_start3A_345 : memref<80128xf32, #tpu.memory_space<vmem_shared>>) offsets(%arg11 : memref<2048xi32, #tpu.memory_space<vmem>>) semaphore(%arg23 : memref<!tpu.dma_semaphore, #tpu.memory_space<semaphore_mem>>) {add = true}
    %dma_start3A_346 = arith.constant 0 : i32
    %dma_start3A_347 = tpu.memref_slice %arg21[%dma_start3A_346] : memref<80128xf32, #tpu.memory_space<vmem_shared>> -> memref<80128xf32, #tpu.memory_space<vmem_shared>>
    tpu.enqueue_indirect_dma source(%arg19 : memref<2048xf32, #tpu.memory_space<vmem>>) target(%dma_start3A_347 : memref<80128xf32, #tpu.memory_space<vmem_shared>>) offsets(%arg12 : memref<2048xi32, #tpu.memory_space<vmem>>) semaphore(%arg23 : memref<!tpu.dma_semaphore, #tpu.memory_space<semaphore_mem>>) {add = true}
    %get3A_348 = arith.constant 4096 : index
    %get3A_349 = tpu.vector_load %arg7[%get3A_348] {strides = array<i32>} : memref<10032xi32, #tpu.memory_space<vmem>>, vector<16xi32>,
    %get3A_350 = arith.constant 4096 : index
    %get3A_351 = tpu.vector_load %arg8[%get3A_350] {strides = array<i32>} : memref<10032xi32, #tpu.memory_space<vmem>>, vector<16xi32>,
    %get3A_352 = arith.constant 4112 : index
    %get3A_353 = tpu.vector_load %arg7[%get3A_352] {strides = array<i32>} : memref<10032xi32, #tpu.memory_space<vmem>>, vector<16xi32>,
    %get3A_354 = arith.constant 4112 : index
    %get3A_355 = tpu.vector_load %arg8[%get3A_354] {strides = array<i32>} : memref<10032xi32, #tpu.memory_space<vmem>>, vector<16xi32>,
    %gather3A_356 = tpu.vector_load_idx %arg6[%get3A_349] : memref<10000xi32, #tpu.memory_space<vmem>>[vector<16xi32>], vector<16xi32>,
    %gather3A_357 = tpu.vector_load_idx %arg6[%get3A_351] : memref<10000xi32, #tpu.memory_space<vmem>>[vector<16xi32>], vector<16xi32>,
    %scan3A_358 = arith.constant 0 : i32
    %scan3A_359 = arith.constant 124 : i32
    %scan3A_360 = arith.addi %scan3A_358, %scan3A_359 : i32
    %scan3A_361 = arith.constant 4 : i32
    %scan3A_362:6 = scf.for %scan3A_652 = %scan3A_358 to %scan3A_360 step %scan3A_361 iter_args(%scan3A_653 = %get3A_353, %scan3A_654 = %get3A_355, %scan3A_655 = %get3A_349, %scan3A_656 = %get3A_351, %scan3A_657 = %gather3A_356, %scan3A_658 = %gather3A_357) -> (vector<16xi32>, vector<16xi32>, vector<16xi32>, vector<16xi32>, vector<16xi32>, vector<16xi32>)  : i32 {
      %mul3A_659 = arith.constant 16 : i32
      %mul3A_660 = arith.muli %scan3A_652, %mul3A_659 : i32
      %mul3A_661 = arith.constant 8 : i32
      %mul3A_662 = vector.broadcast %mul3A_661 : i32 to vector<16xi32>
      %mul3A_663 = arith.muli %scan3A_656, %mul3A_662 : vector<16xi32>
      %add3A_664 = arith.addi %mul3A_663, %scan3A_657 : vector<16xi32>
      %swap3A_665 = arith.index_cast %mul3A_660 : i32 to index
      %swap3A_666 = tpu.vector_load %arg13[%swap3A_665] {strides = array<i32>} : memref<2048xi32, #tpu.memory_space<vmem>>, vector<16xi32>,
      tpu.vector_store %arg13[%swap3A_665], %add3A_664 {strides = array<i32>} : memref<2048xi32, #tpu.memory_space<vmem>>, vector<16xi32>,
      %mul3A_667 = arith.constant 8 : i32
      %mul3A_668 = vector.broadcast %mul3A_667 : i32 to vector<16xi32>
      %mul3A_669 = arith.muli %scan3A_655, %mul3A_668 : vector<16xi32>
      %add3A_670 = arith.addi %mul3A_669, %scan3A_658 : vector<16xi32>
      %swap3A_671 = arith.index_cast %mul3A_660 : i32 to index
      %swap3A_672 = tpu.vector_load %arg14[%swap3A_671] {strides = array<i32>} : memref<2048xi32, #tpu.memory_space<vmem>>, vector<16xi32>,
      tpu.vector_store %arg14[%swap3A_671], %add3A_670 {strides = array<i32>} : memref<2048xi32, #tpu.memory_space<vmem>>, vector<16xi32>,
      %gather3A_673 = tpu.vector_load_idx %arg6[%scan3A_653] : memref<10000xi32, #tpu.memory_space<vmem>>[vector<16xi32>], vector<16xi32>,
      %gather3A_674 = tpu.vector_load_idx %arg6[%scan3A_654] : memref<10000xi32, #tpu.memory_space<vmem>>[vector<16xi32>], vector<16xi32>,
      %add3A_675 = arith.constant 256 : i32
      %add3A_676 = arith.addi %add3A_675, %scan3A_652 : i32
      %add3A_677 = arith.constant 2 : i32
      %add3A_678 = arith.addi %add3A_676, %add3A_677 : i32
      %mul3A_679 = arith.constant 16 : i32
      %mul3A_680 = arith.muli %add3A_678, %mul3A_679 : i32
      %get3A_681 = arith.index_cast %mul3A_680 : i32 to index
      %get3A_682 = tpu.vector_load %arg7[%get3A_681] {strides = array<i32>} : memref<10032xi32, #tpu.memory_space<vmem>>, vector<16xi32>,
      %mul3A_683 = arith.constant 16 : i32
      %mul3A_684 = arith.muli %add3A_678, %mul3A_683 : i32
      %get3A_685 = arith.index_cast %mul3A_684 : i32 to index
      %get3A_686 = tpu.vector_load %arg8[%get3A_685] {strides = array<i32>} : memref<10032xi32, #tpu.memory_space<vmem>>, vector<16xi32>,
      %scan3A_687 = arith.constant 1 : i32
      %scan3A_688 = arith.addi %scan3A_652, %scan3A_687 : i32
      %mul3A_689 = arith.constant 16 : i32
      %mul3A_690 = arith.muli %scan3A_688, %mul3A_689 : i32
      %mul3A_691 = arith.constant 8 : i32
      %mul3A_692 = vector.broadcast %mul3A_691 : i32 to vector<16xi32>
      %mul3A_693 = arith.muli %scan3A_654, %mul3A_692 : vector<16xi32>
      %add3A_694 = arith.addi %mul3A_693, %gather3A_673 : vector<16xi32>
      %swap3A_695 = arith.index_cast %mul3A_690 : i32 to index
      %swap3A_696 = tpu.vector_load %arg13[%swap3A_695] {strides = array<i32>} : memref<2048xi32, #tpu.memory_space<vmem>>, vector<16xi32>,
      tpu.vector_store %arg13[%swap3A_695], %add3A_694 {strides = array<i32>} : memref<2048xi32, #tpu.memory_space<vmem>>, vector<16xi32>,
      %mul3A_697 = arith.constant 8 : i32
      %mul3A_698 = vector.broadcast %mul3A_697 : i32 to vector<16xi32>
      %mul3A_699 = arith.muli %scan3A_653, %mul3A_698 : vector<16xi32>
      %add3A_700 = arith.addi %mul3A_699, %gather3A_674 : vector<16xi32>
      %swap3A_701 = arith.index_cast %mul3A_690 : i32 to index
      %swap3A_702 = tpu.vector_load %arg14[%swap3A_701] {strides = array<i32>} : memref<2048xi32, #tpu.memory_space<vmem>>, vector<16xi32>,
      tpu.vector_store %arg14[%swap3A_701], %add3A_700 {strides = array<i32>} : memref<2048xi32, #tpu.memory_space<vmem>>, vector<16xi32>,
      %gather3A_703 = tpu.vector_load_idx %arg6[%get3A_682] : memref<10000xi32, #tpu.memory_space<vmem>>[vector<16xi32>], vector<16xi32>,
      %gather3A_704 = tpu.vector_load_idx %arg6[%get3A_686] : memref<10000xi32, #tpu.memory_space<vmem>>[vector<16xi32>], vector<16xi32>,
      %add3A_705 = arith.constant 256 : i32
      %add3A_706 = arith.addi %add3A_705, %scan3A_688 : i32
      %add3A_707 = arith.constant 2 : i32
      %add3A_708 = arith.addi %add3A_706, %add3A_707 : i32
      %mul3A_709 = arith.constant 16 : i32
      %mul3A_710 = arith.muli %add3A_708, %mul3A_709 : i32
      %get3A_711 = arith.index_cast %mul3A_710 : i32 to index
      %get3A_712 = tpu.vector_load %arg7[%get3A_711] {strides = array<i32>} : memref<10032xi32, #tpu.memory_space<vmem>>, vector<16xi32>,
      %mul3A_713 = arith.constant 16 : i32
      %mul3A_714 = arith.muli %add3A_708, %mul3A_713 : i32
      %get3A_715 = arith.index_cast %mul3A_714 : i32 to index
      %get3A_716 = tpu.vector_load %arg8[%get3A_715] {strides = array<i32>} : memref<10032xi32, #tpu.memory_space<vmem>>, vector<16xi32>,
      %scan3A_717 = arith.constant 2 : i32
      %scan3A_718 = arith.addi %scan3A_652, %scan3A_717 : i32
      %mul3A_719 = arith.constant 16 : i32
      %mul3A_720 = arith.muli %scan3A_718, %mul3A_719 : i32
      %mul3A_721 = arith.constant 8 : i32
      %mul3A_722 = vector.broadcast %mul3A_721 : i32 to vector<16xi32>
      %mul3A_723 = arith.muli %get3A_686, %mul3A_722 : vector<16xi32>
      %add3A_724 = arith.addi %mul3A_723, %gather3A_703 : vector<16xi32>
      %swap3A_725 = arith.index_cast %mul3A_720 : i32 to index
      %swap3A_726 = tpu.vector_load %arg13[%swap3A_725] {strides = array<i32>} : memref<2048xi32, #tpu.memory_space<vmem>>, vector<16xi32>,
      tpu.vector_store %arg13[%swap3A_725], %add3A_724 {strides = array<i32>} : memref<2048xi32, #tpu.memory_space<vmem>>, vector<16xi32>,
      %mul3A_727 = arith.constant 8 : i32
      %mul3A_728 = vector.broadcast %mul3A_727 : i32 to vector<16xi32>
      %mul3A_729 = arith.muli %get3A_682, %mul3A_728 : vector<16xi32>
      %add3A_730 = arith.addi %mul3A_729, %gather3A_704 : vector<16xi32>
      %swap3A_731 = arith.index_cast %mul3A_720 : i32 to index
      %swap3A_732 = tpu.vector_load %arg14[%swap3A_731] {strides = array<i32>} : memref<2048xi32, #tpu.memory_space<vmem>>, vector<16xi32>,
      tpu.vector_store %arg14[%swap3A_731], %add3A_730 {strides = array<i32>} : memref<2048xi32, #tpu.memory_space<vmem>>, vector<16xi32>,
      %gather3A_733 = tpu.vector_load_idx %arg6[%get3A_712] : memref<10000xi32, #tpu.memory_space<vmem>>[vector<16xi32>], vector<16xi32>,
      %gather3A_734 = tpu.vector_load_idx %arg6[%get3A_716] : memref<10000xi32, #tpu.memory_space<vmem>>[vector<16xi32>], vector<16xi32>,
      %add3A_735 = arith.constant 256 : i32
      %add3A_736 = arith.addi %add3A_735, %scan3A_718 : i32
      %add3A_737 = arith.constant 2 : i32
      %add3A_738 = arith.addi %add3A_736, %add3A_737 : i32
      %mul3A_739 = arith.constant 16 : i32
      %mul3A_740 = arith.muli %add3A_738, %mul3A_739 : i32
      %get3A_741 = arith.index_cast %mul3A_740 : i32 to index
      %get3A_742 = tpu.vector_load %arg7[%get3A_741] {strides = array<i32>} : memref<10032xi32, #tpu.memory_space<vmem>>, vector<16xi32>,
      %mul3A_743 = arith.constant 16 : i32
      %mul3A_744 = arith.muli %add3A_738, %mul3A_743 : i32
      %get3A_745 = arith.index_cast %mul3A_744 : i32 to index
      %get3A_746 = tpu.vector_load %arg8[%get3A_745] {strides = array<i32>} : memref<10032xi32, #tpu.memory_space<vmem>>, vector<16xi32>,
      %scan3A_747 = arith.constant 3 : i32
      %scan3A_748 = arith.addi %scan3A_652, %scan3A_747 : i32
      %mul3A_749 = arith.constant 16 : i32
      %mul3A_750 = arith.muli %scan3A_748, %mul3A_749 : i32
      %mul3A_751 = arith.constant 8 : i32
      %mul3A_752 = vector.broadcast %mul3A_751 : i32 to vector<16xi32>
      %mul3A_753 = arith.muli %get3A_716, %mul3A_752 : vector<16xi32>
      %add3A_754 = arith.addi %mul3A_753, %gather3A_733 : vector<16xi32>
      %swap3A_755 = arith.index_cast %mul3A_750 : i32 to index
      %swap3A_756 = tpu.vector_load %arg13[%swap3A_755] {strides = array<i32>} : memref<2048xi32, #tpu.memory_space<vmem>>, vector<16xi32>,
      tpu.vector_store %arg13[%swap3A_755], %add3A_754 {strides = array<i32>} : memref<2048xi32, #tpu.memory_space<vmem>>, vector<16xi32>,
      %mul3A_757 = arith.constant 8 : i32
      %mul3A_758 = vector.broadcast %mul3A_757 : i32 to vector<16xi32>
      %mul3A_759 = arith.muli %get3A_712, %mul3A_758 : vector<16xi32>
      %add3A_760 = arith.addi %mul3A_759, %gather3A_734 : vector<16xi32>
      %swap3A_761 = arith.index_cast %mul3A_750 : i32 to index
      %swap3A_762 = tpu.vector_load %arg14[%swap3A_761] {strides = array<i32>} : memref<2048xi32, #tpu.memory_space<vmem>>, vector<16xi32>,
      tpu.vector_store %arg14[%swap3A_761], %add3A_760 {strides = array<i32>} : memref<2048xi32, #tpu.memory_space<vmem>>, vector<16xi32>,
      %gather3A_763 = tpu.vector_load_idx %arg6[%get3A_742] : memref<10000xi32, #tpu.memory_space<vmem>>[vector<16xi32>], vector<16xi32>,
      %gather3A_764 = tpu.vector_load_idx %arg6[%get3A_746] : memref<10000xi32, #tpu.memory_space<vmem>>[vector<16xi32>], vector<16xi32>,
      %add3A_765 = arith.constant 256 : i32
      %add3A_766 = arith.addi %add3A_765, %scan3A_748 : i32
      %add3A_767 = arith.constant 2 : i32
      %add3A_768 = arith.addi %add3A_766, %add3A_767 : i32
      %mul3A_769 = arith.constant 16 : i32
      %mul3A_770 = arith.muli %add3A_768, %mul3A_769 : i32
      %get3A_771 = arith.index_cast %mul3A_770 : i32 to index
      %get3A_772 = tpu.vector_load %arg7[%get3A_771] {strides = array<i32>} : memref<10032xi32, #tpu.memory_space<vmem>>, vector<16xi32>,
      %mul3A_773 = arith.constant 16 : i32
      %mul3A_774 = arith.muli %add3A_768, %mul3A_773 : i32
      %get3A_775 = arith.index_cast %mul3A_774 : i32 to index
      %get3A_776 = tpu.vector_load %arg8[%get3A_775] {strides = array<i32>} : memref<10032xi32, #tpu.memory_space<vmem>>, vector<16xi32>,
      scf.yield %get3A_772, %get3A_776, %get3A_742, %get3A_746, %gather3A_763, %gather3A_764 : vector<16xi32>, vector<16xi32>, vector<16xi32>, vector<16xi32>, vector<16xi32>, vector<16xi32>
    }
    %scan3A_363 = arith.constant 124 : i32
    %scan3A_364 = arith.addi %scan3A_358, %scan3A_363 : i32
    %mul3A_365 = arith.constant 16 : i32
    %mul3A_366 = arith.muli %scan3A_364, %mul3A_365 : i32
    %mul3A_367 = arith.constant 8 : i32
    %mul3A_368 = vector.broadcast %mul3A_367 : i32 to vector<16xi32>
    %mul3A_369 = arith.muli %scan3A_362#3, %mul3A_368 : vector<16xi32>
    %add3A_370 = arith.addi %mul3A_369, %scan3A_362#4 : vector<16xi32>
    %swap3A_371 = arith.index_cast %mul3A_366 : i32 to index
    %swap3A_372 = tpu.vector_load %arg13[%swap3A_371] {strides = array<i32>} : memref<2048xi32, #tpu.memory_space<vmem>>, vector<16xi32>,
    tpu.vector_store %arg13[%swap3A_371], %add3A_370 {strides = array<i32>} : memref<2048xi32, #tpu.memory_space<vmem>>, vector<16xi32>,
    %mul3A_373 = arith.constant 8 : i32
    %mul3A_374 = vector.broadcast %mul3A_373 : i32 to vector<16xi32>
    %mul3A_375 = arith.muli %scan3A_362#2, %mul3A_374 : vector<16xi32>
    %add3A_376 = arith.addi %mul3A_375, %scan3A_362#5 : vector<16xi32>
    %swap3A_377 = arith.index_cast %mul3A_366 : i32 to index
    %swap3A_378 = tpu.vector_load %arg14[%swap3A_377] {strides = array<i32>} : memref<2048xi32, #tpu.memory_space<vmem>>, vector<16xi32>,
    tpu.vector_store %arg14[%swap3A_377], %add3A_376 {strides = array<i32>} : memref<2048xi32, #tpu.memory_space<vmem>>, vector<16xi32>,
    %gather3A_379 = tpu.vector_load_idx %arg6[%scan3A_362#0] : memref<10000xi32, #tpu.memory_space<vmem>>[vector<16xi32>], vector<16xi32>,
    %gather3A_380 = tpu.vector_load_idx %arg6[%scan3A_362#1] : memref<10000xi32, #tpu.memory_space<vmem>>[vector<16xi32>], vector<16xi32>,
    %add3A_381 = arith.constant 256 : i32
    %add3A_382 = arith.addi %add3A_381, %scan3A_364 : i32
    %add3A_383 = arith.constant 2 : i32
    %add3A_384 = arith.addi %add3A_382, %add3A_383 : i32
    %mul3A_385 = arith.constant 16 : i32
    %mul3A_386 = arith.muli %add3A_384, %mul3A_385 : i32
    %get3A_387 = arith.index_cast %mul3A_386 : i32 to index
    %get3A_388 = tpu.vector_load %arg7[%get3A_387] {strides = array<i32>} : memref<10032xi32, #tpu.memory_space<vmem>>, vector<16xi32>,
    %mul3A_389 = arith.constant 16 : i32
    %mul3A_390 = arith.muli %add3A_384, %mul3A_389 : i32
    %get3A_391 = arith.index_cast %mul3A_390 : i32 to index
    %get3A_392 = tpu.vector_load %arg8[%get3A_391] {strides = array<i32>} : memref<10032xi32, #tpu.memory_space<vmem>>, vector<16xi32>,
    %scan3A_393 = arith.constant 125 : i32
    %scan3A_394 = arith.addi %scan3A_358, %scan3A_393 : i32
    %mul3A_395 = arith.constant 16 : i32
    %mul3A_396 = arith.muli %scan3A_394, %mul3A_395 : i32
    %mul3A_397 = arith.constant 8 : i32
    %mul3A_398 = vector.broadcast %mul3A_397 : i32 to vector<16xi32>
    %mul3A_399 = arith.muli %scan3A_362#1, %mul3A_398 : vector<16xi32>
    %add3A_400 = arith.addi %mul3A_399, %gather3A_379 : vector<16xi32>
    %swap3A_401 = arith.index_cast %mul3A_396 : i32 to index
    %swap3A_402 = tpu.vector_load %arg13[%swap3A_401] {strides = array<i32>} : memref<2048xi32, #tpu.memory_space<vmem>>, vector<16xi32>,
    tpu.vector_store %arg13[%swap3A_401], %add3A_400 {strides = array<i32>} : memref<2048xi32, #tpu.memory_space<vmem>>, vector<16xi32>,
    %mul3A_403 = arith.constant 8 : i32
    %mul3A_404 = vector.broadcast %mul3A_403 : i32 to vector<16xi32>
    %mul3A_405 = arith.muli %scan3A_362#0, %mul3A_404 : vector<16xi32>
    %add3A_406 = arith.addi %mul3A_405, %gather3A_380 : vector<16xi32>
    %swap3A_407 = arith.index_cast %mul3A_396 : i32 to index
    %swap3A_408 = tpu.vector_load %arg14[%swap3A_407] {strides = array<i32>} : memref<2048xi32, #tpu.memory_space<vmem>>, vector<16xi32>,
    tpu.vector_store %arg14[%swap3A_407], %add3A_406 {strides = array<i32>} : memref<2048xi32, #tpu.memory_space<vmem>>, vector<16xi32>,
    %gather3A_409 = tpu.vector_load_idx %arg6[%get3A_388] : memref<10000xi32, #tpu.memory_space<vmem>>[vector<16xi32>], vector<16xi32>,
    %gather3A_410 = tpu.vector_load_idx %arg6[%get3A_392] : memref<10000xi32, #tpu.memory_space<vmem>>[vector<16xi32>], vector<16xi32>,
    %add3A_411 = arith.constant 256 : i32
    %add3A_412 = arith.addi %add3A_411, %scan3A_394 : i32
    %add3A_413 = arith.constant 2 : i32
    %add3A_414 = arith.addi %add3A_412, %add3A_413 : i32
    %mul3A_415 = arith.constant 16 : i32
    %mul3A_416 = arith.muli %add3A_414, %mul3A_415 : i32
    %get3A_417 = arith.index_cast %mul3A_416 : i32 to index
    %get3A_418 = tpu.vector_load %arg7[%get3A_417] {strides = array<i32>} : memref<10032xi32, #tpu.memory_space<vmem>>, vector<16xi32>,
    %mul3A_419 = arith.constant 16 : i32
    %mul3A_420 = arith.muli %add3A_414, %mul3A_419 : i32
    %get3A_421 = arith.index_cast %mul3A_420 : i32 to index
    %get3A_422 = tpu.vector_load %arg8[%get3A_421] {strides = array<i32>} : memref<10032xi32, #tpu.memory_space<vmem>>, vector<16xi32>,
    %scan3A_423 = arith.constant 126 : i32
    %scan3A_424 = arith.addi %scan3A_358, %scan3A_423 : i32
    %mul3A_425 = arith.constant 16 : i32
    %mul3A_426 = arith.muli %scan3A_424, %mul3A_425 : i32
    %mul3A_427 = arith.constant 8 : i32
    %mul3A_428 = vector.broadcast %mul3A_427 : i32 to vector<16xi32>
    %mul3A_429 = arith.muli %get3A_392, %mul3A_428 : vector<16xi32>
    %add3A_430 = arith.addi %mul3A_429, %gather3A_409 : vector<16xi32>
    %swap3A_431 = arith.index_cast %mul3A_426 : i32 to index
    %swap3A_432 = tpu.vector_load %arg13[%swap3A_431] {strides = array<i32>} : memref<2048xi32, #tpu.memory_space<vmem>>, vector<16xi32>,
    tpu.vector_store %arg13[%swap3A_431], %add3A_430 {strides = array<i32>} : memref<2048xi32, #tpu.memory_space<vmem>>, vector<16xi32>,
    %mul3A_433 = arith.constant 8 : i32
    %mul3A_434 = vector.broadcast %mul3A_433 : i32 to vector<16xi32>
    %mul3A_435 = arith.muli %get3A_388, %mul3A_434 : vector<16xi32>
    %add3A_436 = arith.addi %mul3A_435, %gather3A_410 : vector<16xi32>
    %swap3A_437 = arith.index_cast %mul3A_426 : i32 to index
    %swap3A_438 = tpu.vector_load %arg14[%swap3A_437] {strides = array<i32>} : memref<2048xi32, #tpu.memory_space<vmem>>, vector<16xi32>,
    tpu.vector_store %arg14[%swap3A_437], %add3A_436 {strides = array<i32>} : memref<2048xi32, #tpu.memory_space<vmem>>, vector<16xi32>,
    %gather3A_439 = tpu.vector_load_idx %arg6[%get3A_418] : memref<10000xi32, #tpu.memory_space<vmem>>[vector<16xi32>], vector<16xi32>,
    %gather3A_440 = tpu.vector_load_idx %arg6[%get3A_422] : memref<10000xi32, #tpu.memory_space<vmem>>[vector<16xi32>], vector<16xi32>,
    %add3A_441 = arith.constant 256 : i32
    %add3A_442 = arith.addi %add3A_441, %scan3A_424 : i32
    %add3A_443 = arith.constant 2 : i32
    %add3A_444 = arith.addi %add3A_442, %add3A_443 : i32
    %mul3A_445 = arith.constant 16 : i32
    %mul3A_446 = arith.muli %add3A_444, %mul3A_445 : i32
    %get3A_447 = arith.index_cast %mul3A_446 : i32 to index
    %get3A_448 = tpu.vector_load %arg7[%get3A_447] {strides = array<i32>} : memref<10032xi32, #tpu.memory_space<vmem>>, vector<16xi32>,
    %mul3A_449 = arith.constant 16 : i32
    %mul3A_450 = arith.muli %add3A_444, %mul3A_449 : i32
    %get3A_451 = arith.index_cast %mul3A_450 : i32 to index
    %get3A_452 = tpu.vector_load %arg8[%get3A_451] {strides = array<i32>} : memref<10032xi32, #tpu.memory_space<vmem>>, vector<16xi32>,
    %scan3A_453 = arith.constant 127 : i32
    %mul3A_454 = arith.constant 8 : i32
    %mul3A_455 = vector.broadcast %mul3A_454 : i32 to vector<16xi32>
    %mul3A_456 = arith.muli %get3A_422, %mul3A_455 : vector<16xi32>
    %add3A_457 = arith.addi %mul3A_456, %gather3A_439 : vector<16xi32>
    %swap3A_458 = arith.constant 2032 : index
    %swap3A_459 = tpu.vector_load %arg13[%swap3A_458] {strides = array<i32>} : memref<2048xi32, #tpu.memory_space<vmem>>, vector<16xi32>,
    tpu.vector_store %arg13[%swap3A_458], %add3A_457 {strides = array<i32>} : memref<2048xi32, #tpu.memory_space<vmem>>, vector<16xi32>,
    %mul3A_460 = arith.constant 8 : i32
    %mul3A_461 = vector.broadcast %mul3A_460 : i32 to vector<16xi32>
    %mul3A_462 = arith.muli %get3A_418, %mul3A_461 : vector<16xi32>
    %add3A_463 = arith.addi %mul3A_462, %gather3A_440 : vector<16xi32>
    %swap3A_464 = arith.constant 2032 : index
    %swap3A_465 = tpu.vector_load %arg14[%swap3A_464] {strides = array<i32>} : memref<2048xi32, #tpu.memory_space<vmem>>, vector<16xi32>,
    tpu.vector_store %arg14[%swap3A_464], %add3A_463 {strides = array<i32>} : memref<2048xi32, #tpu.memory_space<vmem>>, vector<16xi32>,
    %dma_start3A_466 = arith.constant 0 : i32
    %dma_start3A_467 = tpu.memref_slice %arg21[%dma_start3A_466] : memref<80128xf32, #tpu.memory_space<vmem_shared>> -> memref<80128xf32, #tpu.memory_space<vmem_shared>>
    tpu.enqueue_indirect_dma source(%arg19 : memref<2048xf32, #tpu.memory_space<vmem>>) target(%dma_start3A_467 : memref<80128xf32, #tpu.memory_space<vmem_shared>>) offsets(%arg13 : memref<2048xi32, #tpu.memory_space<vmem>>) semaphore(%arg23 : memref<!tpu.dma_semaphore, #tpu.memory_space<semaphore_mem>>) {add = true}
    %dma_start3A_468 = arith.constant 0 : i32
    %dma_start3A_469 = tpu.memref_slice %arg21[%dma_start3A_468] : memref<80128xf32, #tpu.memory_space<vmem_shared>> -> memref<80128xf32, #tpu.memory_space<vmem_shared>>
    tpu.enqueue_indirect_dma source(%arg19 : memref<2048xf32, #tpu.memory_space<vmem>>) target(%dma_start3A_469 : memref<80128xf32, #tpu.memory_space<vmem_shared>>) offsets(%arg14 : memref<2048xi32, #tpu.memory_space<vmem>>) semaphore(%arg23 : memref<!tpu.dma_semaphore, #tpu.memory_space<semaphore_mem>>) {add = true}
    %get3A_470 = arith.constant 6144 : index
    %get3A_471 = tpu.vector_load %arg7[%get3A_470] {strides = array<i32>} : memref<10032xi32, #tpu.memory_space<vmem>>, vector<16xi32>,
    %get3A_472 = arith.constant 6144 : index
    %get3A_473 = tpu.vector_load %arg8[%get3A_472] {strides = array<i32>} : memref<10032xi32, #tpu.memory_space<vmem>>, vector<16xi32>,
    %get3A_474 = arith.constant 6160 : index
    %get3A_475 = tpu.vector_load %arg7[%get3A_474] {strides = array<i32>} : memref<10032xi32, #tpu.memory_space<vmem>>, vector<16xi32>,
    %get3A_476 = arith.constant 6160 : index
    %get3A_477 = tpu.vector_load %arg8[%get3A_476] {strides = array<i32>} : memref<10032xi32, #tpu.memory_space<vmem>>, vector<16xi32>,
    %gather3A_478 = tpu.vector_load_idx %arg6[%get3A_471] : memref<10000xi32, #tpu.memory_space<vmem>>[vector<16xi32>], vector<16xi32>,
    %gather3A_479 = tpu.vector_load_idx %arg6[%get3A_473] : memref<10000xi32, #tpu.memory_space<vmem>>[vector<16xi32>], vector<16xi32>,
    %scan3A_480 = arith.constant 0 : i32
    %scan3A_481 = arith.constant 124 : i32
    %scan3A_482 = arith.addi %scan3A_480, %scan3A_481 : i32
    %scan3A_483 = arith.constant 4 : i32
    %scan3A_484:6 = scf.for %scan3A_652 = %scan3A_480 to %scan3A_482 step %scan3A_483 iter_args(%scan3A_653 = %get3A_475, %scan3A_654 = %get3A_477, %scan3A_655 = %get3A_471, %scan3A_656 = %get3A_473, %scan3A_657 = %gather3A_478, %scan3A_658 = %gather3A_479) -> (vector<16xi32>, vector<16xi32>, vector<16xi32>, vector<16xi32>, vector<16xi32>, vector<16xi32>)  : i32 {
      %mul3A_659 = arith.constant 16 : i32
      %mul3A_660 = arith.muli %scan3A_652, %mul3A_659 : i32
      %mul3A_661 = arith.constant 8 : i32
      %mul3A_662 = vector.broadcast %mul3A_661 : i32 to vector<16xi32>
      %mul3A_663 = arith.muli %scan3A_656, %mul3A_662 : vector<16xi32>
      %add3A_664 = arith.addi %mul3A_663, %scan3A_657 : vector<16xi32>
      %swap3A_665 = arith.index_cast %mul3A_660 : i32 to index
      %swap3A_666 = tpu.vector_load %arg15[%swap3A_665] {strides = array<i32>} : memref<2048xi32, #tpu.memory_space<vmem>>, vector<16xi32>,
      tpu.vector_store %arg15[%swap3A_665], %add3A_664 {strides = array<i32>} : memref<2048xi32, #tpu.memory_space<vmem>>, vector<16xi32>,
      %mul3A_667 = arith.constant 8 : i32
      %mul3A_668 = vector.broadcast %mul3A_667 : i32 to vector<16xi32>
      %mul3A_669 = arith.muli %scan3A_655, %mul3A_668 : vector<16xi32>
      %add3A_670 = arith.addi %mul3A_669, %scan3A_658 : vector<16xi32>
      %swap3A_671 = arith.index_cast %mul3A_660 : i32 to index
      %swap3A_672 = tpu.vector_load %arg16[%swap3A_671] {strides = array<i32>} : memref<2048xi32, #tpu.memory_space<vmem>>, vector<16xi32>,
      tpu.vector_store %arg16[%swap3A_671], %add3A_670 {strides = array<i32>} : memref<2048xi32, #tpu.memory_space<vmem>>, vector<16xi32>,
      %gather3A_673 = tpu.vector_load_idx %arg6[%scan3A_653] : memref<10000xi32, #tpu.memory_space<vmem>>[vector<16xi32>], vector<16xi32>,
      %gather3A_674 = tpu.vector_load_idx %arg6[%scan3A_654] : memref<10000xi32, #tpu.memory_space<vmem>>[vector<16xi32>], vector<16xi32>,
      %add3A_675 = arith.constant 384 : i32
      %add3A_676 = arith.addi %add3A_675, %scan3A_652 : i32
      %add3A_677 = arith.constant 2 : i32
      %add3A_678 = arith.addi %add3A_676, %add3A_677 : i32
      %mul3A_679 = arith.constant 16 : i32
      %mul3A_680 = arith.muli %add3A_678, %mul3A_679 : i32
      %get3A_681 = arith.index_cast %mul3A_680 : i32 to index
      %get3A_682 = tpu.vector_load %arg7[%get3A_681] {strides = array<i32>} : memref<10032xi32, #tpu.memory_space<vmem>>, vector<16xi32>,
      %mul3A_683 = arith.constant 16 : i32
      %mul3A_684 = arith.muli %add3A_678, %mul3A_683 : i32
      %get3A_685 = arith.index_cast %mul3A_684 : i32 to index
      %get3A_686 = tpu.vector_load %arg8[%get3A_685] {strides = array<i32>} : memref<10032xi32, #tpu.memory_space<vmem>>, vector<16xi32>,
      %scan3A_687 = arith.constant 1 : i32
      %scan3A_688 = arith.addi %scan3A_652, %scan3A_687 : i32
      %mul3A_689 = arith.constant 16 : i32
      %mul3A_690 = arith.muli %scan3A_688, %mul3A_689 : i32
      %mul3A_691 = arith.constant 8 : i32
      %mul3A_692 = vector.broadcast %mul3A_691 : i32 to vector<16xi32>
      %mul3A_693 = arith.muli %scan3A_654, %mul3A_692 : vector<16xi32>
      %add3A_694 = arith.addi %mul3A_693, %gather3A_673 : vector<16xi32>
      %swap3A_695 = arith.index_cast %mul3A_690 : i32 to index
      %swap3A_696 = tpu.vector_load %arg15[%swap3A_695] {strides = array<i32>} : memref<2048xi32, #tpu.memory_space<vmem>>, vector<16xi32>,
      tpu.vector_store %arg15[%swap3A_695], %add3A_694 {strides = array<i32>} : memref<2048xi32, #tpu.memory_space<vmem>>, vector<16xi32>,
      %mul3A_697 = arith.constant 8 : i32
      %mul3A_698 = vector.broadcast %mul3A_697 : i32 to vector<16xi32>
      %mul3A_699 = arith.muli %scan3A_653, %mul3A_698 : vector<16xi32>
      %add3A_700 = arith.addi %mul3A_699, %gather3A_674 : vector<16xi32>
      %swap3A_701 = arith.index_cast %mul3A_690 : i32 to index
      %swap3A_702 = tpu.vector_load %arg16[%swap3A_701] {strides = array<i32>} : memref<2048xi32, #tpu.memory_space<vmem>>, vector<16xi32>,
      tpu.vector_store %arg16[%swap3A_701], %add3A_700 {strides = array<i32>} : memref<2048xi32, #tpu.memory_space<vmem>>, vector<16xi32>,
      %gather3A_703 = tpu.vector_load_idx %arg6[%get3A_682] : memref<10000xi32, #tpu.memory_space<vmem>>[vector<16xi32>], vector<16xi32>,
      %gather3A_704 = tpu.vector_load_idx %arg6[%get3A_686] : memref<10000xi32, #tpu.memory_space<vmem>>[vector<16xi32>], vector<16xi32>,
      %add3A_705 = arith.constant 384 : i32
      %add3A_706 = arith.addi %add3A_705, %scan3A_688 : i32
      %add3A_707 = arith.constant 2 : i32
      %add3A_708 = arith.addi %add3A_706, %add3A_707 : i32
      %mul3A_709 = arith.constant 16 : i32
      %mul3A_710 = arith.muli %add3A_708, %mul3A_709 : i32
      %get3A_711 = arith.index_cast %mul3A_710 : i32 to index
      %get3A_712 = tpu.vector_load %arg7[%get3A_711] {strides = array<i32>} : memref<10032xi32, #tpu.memory_space<vmem>>, vector<16xi32>,
      %mul3A_713 = arith.constant 16 : i32
      %mul3A_714 = arith.muli %add3A_708, %mul3A_713 : i32
      %get3A_715 = arith.index_cast %mul3A_714 : i32 to index
      %get3A_716 = tpu.vector_load %arg8[%get3A_715] {strides = array<i32>} : memref<10032xi32, #tpu.memory_space<vmem>>, vector<16xi32>,
      %scan3A_717 = arith.constant 2 : i32
      %scan3A_718 = arith.addi %scan3A_652, %scan3A_717 : i32
      %mul3A_719 = arith.constant 16 : i32
      %mul3A_720 = arith.muli %scan3A_718, %mul3A_719 : i32
      %mul3A_721 = arith.constant 8 : i32
      %mul3A_722 = vector.broadcast %mul3A_721 : i32 to vector<16xi32>
      %mul3A_723 = arith.muli %get3A_686, %mul3A_722 : vector<16xi32>
      %add3A_724 = arith.addi %mul3A_723, %gather3A_703 : vector<16xi32>
      %swap3A_725 = arith.index_cast %mul3A_720 : i32 to index
      %swap3A_726 = tpu.vector_load %arg15[%swap3A_725] {strides = array<i32>} : memref<2048xi32, #tpu.memory_space<vmem>>, vector<16xi32>,
      tpu.vector_store %arg15[%swap3A_725], %add3A_724 {strides = array<i32>} : memref<2048xi32, #tpu.memory_space<vmem>>, vector<16xi32>,
      %mul3A_727 = arith.constant 8 : i32
      %mul3A_728 = vector.broadcast %mul3A_727 : i32 to vector<16xi32>
      %mul3A_729 = arith.muli %get3A_682, %mul3A_728 : vector<16xi32>
      %add3A_730 = arith.addi %mul3A_729, %gather3A_704 : vector<16xi32>
      %swap3A_731 = arith.index_cast %mul3A_720 : i32 to index
      %swap3A_732 = tpu.vector_load %arg16[%swap3A_731] {strides = array<i32>} : memref<2048xi32, #tpu.memory_space<vmem>>, vector<16xi32>,
      tpu.vector_store %arg16[%swap3A_731], %add3A_730 {strides = array<i32>} : memref<2048xi32, #tpu.memory_space<vmem>>, vector<16xi32>,
      %gather3A_733 = tpu.vector_load_idx %arg6[%get3A_712] : memref<10000xi32, #tpu.memory_space<vmem>>[vector<16xi32>], vector<16xi32>,
      %gather3A_734 = tpu.vector_load_idx %arg6[%get3A_716] : memref<10000xi32, #tpu.memory_space<vmem>>[vector<16xi32>], vector<16xi32>,
      %add3A_735 = arith.constant 384 : i32
      %add3A_736 = arith.addi %add3A_735, %scan3A_718 : i32
      %add3A_737 = arith.constant 2 : i32
      %add3A_738 = arith.addi %add3A_736, %add3A_737 : i32
      %mul3A_739 = arith.constant 16 : i32
      %mul3A_740 = arith.muli %add3A_738, %mul3A_739 : i32
      %get3A_741 = arith.index_cast %mul3A_740 : i32 to index
      %get3A_742 = tpu.vector_load %arg7[%get3A_741] {strides = array<i32>} : memref<10032xi32, #tpu.memory_space<vmem>>, vector<16xi32>,
      %mul3A_743 = arith.constant 16 : i32
      %mul3A_744 = arith.muli %add3A_738, %mul3A_743 : i32
      %get3A_745 = arith.index_cast %mul3A_744 : i32 to index
      %get3A_746 = tpu.vector_load %arg8[%get3A_745] {strides = array<i32>} : memref<10032xi32, #tpu.memory_space<vmem>>, vector<16xi32>,
      %scan3A_747 = arith.constant 3 : i32
      %scan3A_748 = arith.addi %scan3A_652, %scan3A_747 : i32
      %mul3A_749 = arith.constant 16 : i32
      %mul3A_750 = arith.muli %scan3A_748, %mul3A_749 : i32
      %mul3A_751 = arith.constant 8 : i32
      %mul3A_752 = vector.broadcast %mul3A_751 : i32 to vector<16xi32>
      %mul3A_753 = arith.muli %get3A_716, %mul3A_752 : vector<16xi32>
      %add3A_754 = arith.addi %mul3A_753, %gather3A_733 : vector<16xi32>
      %swap3A_755 = arith.index_cast %mul3A_750 : i32 to index
      %swap3A_756 = tpu.vector_load %arg15[%swap3A_755] {strides = array<i32>} : memref<2048xi32, #tpu.memory_space<vmem>>, vector<16xi32>,
      tpu.vector_store %arg15[%swap3A_755], %add3A_754 {strides = array<i32>} : memref<2048xi32, #tpu.memory_space<vmem>>, vector<16xi32>,
      %mul3A_757 = arith.constant 8 : i32
      %mul3A_758 = vector.broadcast %mul3A_757 : i32 to vector<16xi32>
      %mul3A_759 = arith.muli %get3A_712, %mul3A_758 : vector<16xi32>
      %add3A_760 = arith.addi %mul3A_759, %gather3A_734 : vector<16xi32>
      %swap3A_761 = arith.index_cast %mul3A_750 : i32 to index
      %swap3A_762 = tpu.vector_load %arg16[%swap3A_761] {strides = array<i32>} : memref<2048xi32, #tpu.memory_space<vmem>>, vector<16xi32>,
      tpu.vector_store %arg16[%swap3A_761], %add3A_760 {strides = array<i32>} : memref<2048xi32, #tpu.memory_space<vmem>>, vector<16xi32>,
      %gather3A_763 = tpu.vector_load_idx %arg6[%get3A_742] : memref<10000xi32, #tpu.memory_space<vmem>>[vector<16xi32>], vector<16xi32>,
      %gather3A_764 = tpu.vector_load_idx %arg6[%get3A_746] : memref<10000xi32, #tpu.memory_space<vmem>>[vector<16xi32>], vector<16xi32>,
      %add3A_765 = arith.constant 384 : i32
      %add3A_766 = arith.addi %add3A_765, %scan3A_748 : i32
      %add3A_767 = arith.constant 2 : i32
      %add3A_768 = arith.addi %add3A_766, %add3A_767 : i32
      %mul3A_769 = arith.constant 16 : i32
      %mul3A_770 = arith.muli %add3A_768, %mul3A_769 : i32
      %get3A_771 = arith.index_cast %mul3A_770 : i32 to index
      %get3A_772 = tpu.vector_load %arg7[%get3A_771] {strides = array<i32>} : memref<10032xi32, #tpu.memory_space<vmem>>, vector<16xi32>,
      %mul3A_773 = arith.constant 16 : i32
      %mul3A_774 = arith.muli %add3A_768, %mul3A_773 : i32
      %get3A_775 = arith.index_cast %mul3A_774 : i32 to index
      %get3A_776 = tpu.vector_load %arg8[%get3A_775] {strides = array<i32>} : memref<10032xi32, #tpu.memory_space<vmem>>, vector<16xi32>,
      scf.yield %get3A_772, %get3A_776, %get3A_742, %get3A_746, %gather3A_763, %gather3A_764 : vector<16xi32>, vector<16xi32>, vector<16xi32>, vector<16xi32>, vector<16xi32>, vector<16xi32>
    }
    %scan3A_485 = arith.constant 124 : i32
    %scan3A_486 = arith.addi %scan3A_480, %scan3A_485 : i32
    %mul3A_487 = arith.constant 16 : i32
    %mul3A_488 = arith.muli %scan3A_486, %mul3A_487 : i32
    %mul3A_489 = arith.constant 8 : i32
    %mul3A_490 = vector.broadcast %mul3A_489 : i32 to vector<16xi32>
    %mul3A_491 = arith.muli %scan3A_484#3, %mul3A_490 : vector<16xi32>
    %add3A_492 = arith.addi %mul3A_491, %scan3A_484#4 : vector<16xi32>
    %swap3A_493 = arith.index_cast %mul3A_488 : i32 to index
    %swap3A_494 = tpu.vector_load %arg15[%swap3A_493] {strides = array<i32>} : memref<2048xi32, #tpu.memory_space<vmem>>, vector<16xi32>,
    tpu.vector_store %arg15[%swap3A_493], %add3A_492 {strides = array<i32>} : memref<2048xi32, #tpu.memory_space<vmem>>, vector<16xi32>,
    %mul3A_495 = arith.constant 8 : i32
    %mul3A_496 = vector.broadcast %mul3A_495 : i32 to vector<16xi32>
    %mul3A_497 = arith.muli %scan3A_484#2, %mul3A_496 : vector<16xi32>
    %add3A_498 = arith.addi %mul3A_497, %scan3A_484#5 : vector<16xi32>
    %swap3A_499 = arith.index_cast %mul3A_488 : i32 to index
    %swap3A_500 = tpu.vector_load %arg16[%swap3A_499] {strides = array<i32>} : memref<2048xi32, #tpu.memory_space<vmem>>, vector<16xi32>,
    tpu.vector_store %arg16[%swap3A_499], %add3A_498 {strides = array<i32>} : memref<2048xi32, #tpu.memory_space<vmem>>, vector<16xi32>,
    %gather3A_501 = tpu.vector_load_idx %arg6[%scan3A_484#0] : memref<10000xi32, #tpu.memory_space<vmem>>[vector<16xi32>], vector<16xi32>,
    %gather3A_502 = tpu.vector_load_idx %arg6[%scan3A_484#1] : memref<10000xi32, #tpu.memory_space<vmem>>[vector<16xi32>], vector<16xi32>,
    %add3A_503 = arith.constant 384 : i32
    %add3A_504 = arith.addi %add3A_503, %scan3A_486 : i32
    %add3A_505 = arith.constant 2 : i32
    %add3A_506 = arith.addi %add3A_504, %add3A_505 : i32
    %mul3A_507 = arith.constant 16 : i32
    %mul3A_508 = arith.muli %add3A_506, %mul3A_507 : i32
    %get3A_509 = arith.index_cast %mul3A_508 : i32 to index
    %get3A_510 = tpu.vector_load %arg7[%get3A_509] {strides = array<i32>} : memref<10032xi32, #tpu.memory_space<vmem>>, vector<16xi32>,
    %mul3A_511 = arith.constant 16 : i32
    %mul3A_512 = arith.muli %add3A_506, %mul3A_511 : i32
    %get3A_513 = arith.index_cast %mul3A_512 : i32 to index
    %get3A_514 = tpu.vector_load %arg8[%get3A_513] {strides = array<i32>} : memref<10032xi32, #tpu.memory_space<vmem>>, vector<16xi32>,
    %scan3A_515 = arith.constant 125 : i32
    %scan3A_516 = arith.addi %scan3A_480, %scan3A_515 : i32
    %mul3A_517 = arith.constant 16 : i32
    %mul3A_518 = arith.muli %scan3A_516, %mul3A_517 : i32
    %mul3A_519 = arith.constant 8 : i32
    %mul3A_520 = vector.broadcast %mul3A_519 : i32 to vector<16xi32>
    %mul3A_521 = arith.muli %scan3A_484#1, %mul3A_520 : vector<16xi32>
    %add3A_522 = arith.addi %mul3A_521, %gather3A_501 : vector<16xi32>
    %swap3A_523 = arith.index_cast %mul3A_518 : i32 to index
    %swap3A_524 = tpu.vector_load %arg15[%swap3A_523] {strides = array<i32>} : memref<2048xi32, #tpu.memory_space<vmem>>, vector<16xi32>,
    tpu.vector_store %arg15[%swap3A_523], %add3A_522 {strides = array<i32>} : memref<2048xi32, #tpu.memory_space<vmem>>, vector<16xi32>,
    %mul3A_525 = arith.constant 8 : i32
    %mul3A_526 = vector.broadcast %mul3A_525 : i32 to vector<16xi32>
    %mul3A_527 = arith.muli %scan3A_484#0, %mul3A_526 : vector<16xi32>
    %add3A_528 = arith.addi %mul3A_527, %gather3A_502 : vector<16xi32>
    %swap3A_529 = arith.index_cast %mul3A_518 : i32 to index
    %swap3A_530 = tpu.vector_load %arg16[%swap3A_529] {strides = array<i32>} : memref<2048xi32, #tpu.memory_space<vmem>>, vector<16xi32>,
    tpu.vector_store %arg16[%swap3A_529], %add3A_528 {strides = array<i32>} : memref<2048xi32, #tpu.memory_space<vmem>>, vector<16xi32>,
    %gather3A_531 = tpu.vector_load_idx %arg6[%get3A_510] : memref<10000xi32, #tpu.memory_space<vmem>>[vector<16xi32>], vector<16xi32>,
    %gather3A_532 = tpu.vector_load_idx %arg6[%get3A_514] : memref<10000xi32, #tpu.memory_space<vmem>>[vector<16xi32>], vector<16xi32>,
    %add3A_533 = arith.constant 384 : i32
    %add3A_534 = arith.addi %add3A_533, %scan3A_516 : i32
    %add3A_535 = arith.constant 2 : i32
    %add3A_536 = arith.addi %add3A_534, %add3A_535 : i32
    %mul3A_537 = arith.constant 16 : i32
    %mul3A_538 = arith.muli %add3A_536, %mul3A_537 : i32
    %get3A_539 = arith.index_cast %mul3A_538 : i32 to index
    %get3A_540 = tpu.vector_load %arg7[%get3A_539] {strides = array<i32>} : memref<10032xi32, #tpu.memory_space<vmem>>, vector<16xi32>,
    %mul3A_541 = arith.constant 16 : i32
    %mul3A_542 = arith.muli %add3A_536, %mul3A_541 : i32
    %get3A_543 = arith.index_cast %mul3A_542 : i32 to index
    %get3A_544 = tpu.vector_load %arg8[%get3A_543] {strides = array<i32>} : memref<10032xi32, #tpu.memory_space<vmem>>, vector<16xi32>,
    %scan3A_545 = arith.constant 126 : i32
    %scan3A_546 = arith.addi %scan3A_480, %scan3A_545 : i32
    %mul3A_547 = arith.constant 16 : i32
    %mul3A_548 = arith.muli %scan3A_546, %mul3A_547 : i32
    %mul3A_549 = arith.constant 8 : i32
    %mul3A_550 = vector.broadcast %mul3A_549 : i32 to vector<16xi32>
    %mul3A_551 = arith.muli %get3A_514, %mul3A_550 : vector<16xi32>
    %add3A_552 = arith.addi %mul3A_551, %gather3A_531 : vector<16xi32>
    %swap3A_553 = arith.index_cast %mul3A_548 : i32 to index
    %swap3A_554 = tpu.vector_load %arg15[%swap3A_553] {strides = array<i32>} : memref<2048xi32, #tpu.memory_space<vmem>>, vector<16xi32>,
    tpu.vector_store %arg15[%swap3A_553], %add3A_552 {strides = array<i32>} : memref<2048xi32, #tpu.memory_space<vmem>>, vector<16xi32>,
    %mul3A_555 = arith.constant 8 : i32
    %mul3A_556 = vector.broadcast %mul3A_555 : i32 to vector<16xi32>
    %mul3A_557 = arith.muli %get3A_510, %mul3A_556 : vector<16xi32>
    %add3A_558 = arith.addi %mul3A_557, %gather3A_532 : vector<16xi32>
    %swap3A_559 = arith.index_cast %mul3A_548 : i32 to index
    %swap3A_560 = tpu.vector_load %arg16[%swap3A_559] {strides = array<i32>} : memref<2048xi32, #tpu.memory_space<vmem>>, vector<16xi32>,
    tpu.vector_store %arg16[%swap3A_559], %add3A_558 {strides = array<i32>} : memref<2048xi32, #tpu.memory_space<vmem>>, vector<16xi32>,
    %gather3A_561 = tpu.vector_load_idx %arg6[%get3A_540] : memref<10000xi32, #tpu.memory_space<vmem>>[vector<16xi32>], vector<16xi32>,
    %gather3A_562 = tpu.vector_load_idx %arg6[%get3A_544] : memref<10000xi32, #tpu.memory_space<vmem>>[vector<16xi32>], vector<16xi32>,
    %add3A_563 = arith.constant 384 : i32
    %add3A_564 = arith.addi %add3A_563, %scan3A_546 : i32
    %add3A_565 = arith.constant 2 : i32
    %add3A_566 = arith.addi %add3A_564, %add3A_565 : i32
    %mul3A_567 = arith.constant 16 : i32
    %mul3A_568 = arith.muli %add3A_566, %mul3A_567 : i32
    %get3A_569 = arith.index_cast %mul3A_568 : i32 to index
    %get3A_570 = tpu.vector_load %arg7[%get3A_569] {strides = array<i32>} : memref<10032xi32, #tpu.memory_space<vmem>>, vector<16xi32>,
    %mul3A_571 = arith.constant 16 : i32
    %mul3A_572 = arith.muli %add3A_566, %mul3A_571 : i32
    %get3A_573 = arith.index_cast %mul3A_572 : i32 to index
    %get3A_574 = tpu.vector_load %arg8[%get3A_573] {strides = array<i32>} : memref<10032xi32, #tpu.memory_space<vmem>>, vector<16xi32>,
    %scan3A_575 = arith.constant 127 : i32
    %mul3A_576 = arith.constant 8 : i32
    %mul3A_577 = vector.broadcast %mul3A_576 : i32 to vector<16xi32>
    %mul3A_578 = arith.muli %get3A_544, %mul3A_577 : vector<16xi32>
    %add3A_579 = arith.addi %mul3A_578, %gather3A_561 : vector<16xi32>
    %swap3A_580 = arith.constant 2032 : index
    %swap3A_581 = tpu.vector_load %arg15[%swap3A_580] {strides = array<i32>} : memref<2048xi32, #tpu.memory_space<vmem>>, vector<16xi32>,
    tpu.vector_store %arg15[%swap3A_580], %add3A_579 {strides = array<i32>} : memref<2048xi32, #tpu.memory_space<vmem>>, vector<16xi32>,
    %mul3A_582 = arith.constant 8 : i32
    %mul3A_583 = vector.broadcast %mul3A_582 : i32 to vector<16xi32>
    %mul3A_584 = arith.muli %get3A_540, %mul3A_583 : vector<16xi32>
    %add3A_585 = arith.addi %mul3A_584, %gather3A_562 : vector<16xi32>
    %swap3A_586 = arith.constant 2032 : index
    %swap3A_587 = tpu.vector_load %arg16[%swap3A_586] {strides = array<i32>} : memref<2048xi32, #tpu.memory_space<vmem>>, vector<16xi32>,
    tpu.vector_store %arg16[%swap3A_586], %add3A_585 {strides = array<i32>} : memref<2048xi32, #tpu.memory_space<vmem>>, vector<16xi32>,
    %dma_start3A_588 = arith.constant 0 : i32
    %dma_start3A_589 = tpu.memref_slice %arg21[%dma_start3A_588] : memref<80128xf32, #tpu.memory_space<vmem_shared>> -> memref<80128xf32, #tpu.memory_space<vmem_shared>>
    tpu.enqueue_indirect_dma source(%arg19 : memref<2048xf32, #tpu.memory_space<vmem>>) target(%dma_start3A_589 : memref<80128xf32, #tpu.memory_space<vmem_shared>>) offsets(%arg15 : memref<2048xi32, #tpu.memory_space<vmem>>) semaphore(%arg23 : memref<!tpu.dma_semaphore, #tpu.memory_space<semaphore_mem>>) {add = true}
    %dma_start3A_590 = arith.constant 0 : i32
    %dma_start3A_591 = tpu.memref_slice %arg21[%dma_start3A_590] : memref<80128xf32, #tpu.memory_space<vmem_shared>> -> memref<80128xf32, #tpu.memory_space<vmem_shared>>
    tpu.enqueue_indirect_dma source(%arg19 : memref<2048xf32, #tpu.memory_space<vmem>>) target(%dma_start3A_591 : memref<80128xf32, #tpu.memory_space<vmem_shared>>) offsets(%arg16 : memref<2048xi32, #tpu.memory_space<vmem>>) semaphore(%arg23 : memref<!tpu.dma_semaphore, #tpu.memory_space<semaphore_mem>>) {add = true}
    %get3A_592 = arith.constant 8192 : index
    %get3A_593 = tpu.vector_load %arg7[%get3A_592] {strides = array<i32>} : memref<10032xi32, #tpu.memory_space<vmem>>, vector<16xi32>,
    %get3A_594 = arith.constant 8192 : index
    %get3A_595 = tpu.vector_load %arg8[%get3A_594] {strides = array<i32>} : memref<10032xi32, #tpu.memory_space<vmem>>, vector<16xi32>,
    %get3A_596 = arith.constant 8208 : index
    %get3A_597 = tpu.vector_load %arg7[%get3A_596] {strides = array<i32>} : memref<10032xi32, #tpu.memory_space<vmem>>, vector<16xi32>,
    %get3A_598 = arith.constant 8208 : index
    %get3A_599 = tpu.vector_load %arg8[%get3A_598] {strides = array<i32>} : memref<10032xi32, #tpu.memory_space<vmem>>, vector<16xi32>,
    %gather3A_600 = tpu.vector_load_idx %arg6[%get3A_593] : memref<10000xi32, #tpu.memory_space<vmem>>[vector<16xi32>], vector<16xi32>,
    %gather3A_601 = tpu.vector_load_idx %arg6[%get3A_595] : memref<10000xi32, #tpu.memory_space<vmem>>[vector<16xi32>], vector<16xi32>,
    %scan3A_602 = arith.constant 0 : i32
    %scan3A_603 = arith.constant 112 : i32
    %scan3A_604 = arith.addi %scan3A_602, %scan3A_603 : i32
    %scan3A_605 = arith.constant 4 : i32
    %scan3A_606:6 = scf.for %scan3A_652 = %scan3A_602 to %scan3A_604 step %scan3A_605 iter_args(%scan3A_653 = %get3A_597, %scan3A_654 = %get3A_599, %scan3A_655 = %get3A_593, %scan3A_656 = %get3A_595, %scan3A_657 = %gather3A_600, %scan3A_658 = %gather3A_601) -> (vector<16xi32>, vector<16xi32>, vector<16xi32>, vector<16xi32>, vector<16xi32>, vector<16xi32>)  : i32 {
      %mul3A_659 = arith.constant 16 : i32
      %mul3A_660 = arith.muli %scan3A_652, %mul3A_659 : i32
      %mul3A_661 = arith.constant 8 : i32
      %mul3A_662 = vector.broadcast %mul3A_661 : i32 to vector<16xi32>
      %mul3A_663 = arith.muli %scan3A_656, %mul3A_662 : vector<16xi32>
      %add3A_664 = arith.addi %mul3A_663, %scan3A_657 : vector<16xi32>
      %swap3A_665 = arith.index_cast %mul3A_660 : i32 to index
      %swap3A_666 = tpu.vector_load %arg17[%swap3A_665] {strides = array<i32>} : memref<2048xi32, #tpu.memory_space<vmem>>, vector<16xi32>,
      tpu.vector_store %arg17[%swap3A_665], %add3A_664 {strides = array<i32>} : memref<2048xi32, #tpu.memory_space<vmem>>, vector<16xi32>,
      %mul3A_667 = arith.constant 8 : i32
      %mul3A_668 = vector.broadcast %mul3A_667 : i32 to vector<16xi32>
      %mul3A_669 = arith.muli %scan3A_655, %mul3A_668 : vector<16xi32>
      %add3A_670 = arith.addi %mul3A_669, %scan3A_658 : vector<16xi32>
      %swap3A_671 = arith.index_cast %mul3A_660 : i32 to index
      %swap3A_672 = tpu.vector_load %arg18[%swap3A_671] {strides = array<i32>} : memref<2048xi32, #tpu.memory_space<vmem>>, vector<16xi32>,
      tpu.vector_store %arg18[%swap3A_671], %add3A_670 {strides = array<i32>} : memref<2048xi32, #tpu.memory_space<vmem>>, vector<16xi32>,
      %gather3A_673 = tpu.vector_load_idx %arg6[%scan3A_653] : memref<10000xi32, #tpu.memory_space<vmem>>[vector<16xi32>], vector<16xi32>,
      %gather3A_674 = tpu.vector_load_idx %arg6[%scan3A_654] : memref<10000xi32, #tpu.memory_space<vmem>>[vector<16xi32>], vector<16xi32>,
      %add3A_675 = arith.constant 512 : i32
      %add3A_676 = arith.addi %add3A_675, %scan3A_652 : i32
      %add3A_677 = arith.constant 2 : i32
      %add3A_678 = arith.addi %add3A_676, %add3A_677 : i32
      %mul3A_679 = arith.constant 16 : i32
      %mul3A_680 = arith.muli %add3A_678, %mul3A_679 : i32
      %get3A_681 = arith.index_cast %mul3A_680 : i32 to index
      %get3A_682 = tpu.vector_load %arg7[%get3A_681] {strides = array<i32>} : memref<10032xi32, #tpu.memory_space<vmem>>, vector<16xi32>,
      %mul3A_683 = arith.constant 16 : i32
      %mul3A_684 = arith.muli %add3A_678, %mul3A_683 : i32
      %get3A_685 = arith.index_cast %mul3A_684 : i32 to index
      %get3A_686 = tpu.vector_load %arg8[%get3A_685] {strides = array<i32>} : memref<10032xi32, #tpu.memory_space<vmem>>, vector<16xi32>,
      %scan3A_687 = arith.constant 1 : i32
      %scan3A_688 = arith.addi %scan3A_652, %scan3A_687 : i32
      %mul3A_689 = arith.constant 16 : i32
      %mul3A_690 = arith.muli %scan3A_688, %mul3A_689 : i32
      %mul3A_691 = arith.constant 8 : i32
      %mul3A_692 = vector.broadcast %mul3A_691 : i32 to vector<16xi32>
      %mul3A_693 = arith.muli %scan3A_654, %mul3A_692 : vector<16xi32>
      %add3A_694 = arith.addi %mul3A_693, %gather3A_673 : vector<16xi32>
      %swap3A_695 = arith.index_cast %mul3A_690 : i32 to index
      %swap3A_696 = tpu.vector_load %arg17[%swap3A_695] {strides = array<i32>} : memref<2048xi32, #tpu.memory_space<vmem>>, vector<16xi32>,
      tpu.vector_store %arg17[%swap3A_695], %add3A_694 {strides = array<i32>} : memref<2048xi32, #tpu.memory_space<vmem>>, vector<16xi32>,
      %mul3A_697 = arith.constant 8 : i32
      %mul3A_698 = vector.broadcast %mul3A_697 : i32 to vector<16xi32>
      %mul3A_699 = arith.muli %scan3A_653, %mul3A_698 : vector<16xi32>
      %add3A_700 = arith.addi %mul3A_699, %gather3A_674 : vector<16xi32>
      %swap3A_701 = arith.index_cast %mul3A_690 : i32 to index
      %swap3A_702 = tpu.vector_load %arg18[%swap3A_701] {strides = array<i32>} : memref<2048xi32, #tpu.memory_space<vmem>>, vector<16xi32>,
      tpu.vector_store %arg18[%swap3A_701], %add3A_700 {strides = array<i32>} : memref<2048xi32, #tpu.memory_space<vmem>>, vector<16xi32>,
      %gather3A_703 = tpu.vector_load_idx %arg6[%get3A_682] : memref<10000xi32, #tpu.memory_space<vmem>>[vector<16xi32>], vector<16xi32>,
      %gather3A_704 = tpu.vector_load_idx %arg6[%get3A_686] : memref<10000xi32, #tpu.memory_space<vmem>>[vector<16xi32>], vector<16xi32>,
      %add3A_705 = arith.constant 512 : i32
      %add3A_706 = arith.addi %add3A_705, %scan3A_688 : i32
      %add3A_707 = arith.constant 2 : i32
      %add3A_708 = arith.addi %add3A_706, %add3A_707 : i32
      %mul3A_709 = arith.constant 16 : i32
      %mul3A_710 = arith.muli %add3A_708, %mul3A_709 : i32
      %get3A_711 = arith.index_cast %mul3A_710 : i32 to index
      %get3A_712 = tpu.vector_load %arg7[%get3A_711] {strides = array<i32>} : memref<10032xi32, #tpu.memory_space<vmem>>, vector<16xi32>,
      %mul3A_713 = arith.constant 16 : i32
      %mul3A_714 = arith.muli %add3A_708, %mul3A_713 : i32
      %get3A_715 = arith.index_cast %mul3A_714 : i32 to index
      %get3A_716 = tpu.vector_load %arg8[%get3A_715] {strides = array<i32>} : memref<10032xi32, #tpu.memory_space<vmem>>, vector<16xi32>,
      %scan3A_717 = arith.constant 2 : i32
      %scan3A_718 = arith.addi %scan3A_652, %scan3A_717 : i32
      %mul3A_719 = arith.constant 16 : i32
      %mul3A_720 = arith.muli %scan3A_718, %mul3A_719 : i32
      %mul3A_721 = arith.constant 8 : i32
      %mul3A_722 = vector.broadcast %mul3A_721 : i32 to vector<16xi32>
      %mul3A_723 = arith.muli %get3A_686, %mul3A_722 : vector<16xi32>
      %add3A_724 = arith.addi %mul3A_723, %gather3A_703 : vector<16xi32>
      %swap3A_725 = arith.index_cast %mul3A_720 : i32 to index
      %swap3A_726 = tpu.vector_load %arg17[%swap3A_725] {strides = array<i32>} : memref<2048xi32, #tpu.memory_space<vmem>>, vector<16xi32>,
      tpu.vector_store %arg17[%swap3A_725], %add3A_724 {strides = array<i32>} : memref<2048xi32, #tpu.memory_space<vmem>>, vector<16xi32>,
      %mul3A_727 = arith.constant 8 : i32
      %mul3A_728 = vector.broadcast %mul3A_727 : i32 to vector<16xi32>
      %mul3A_729 = arith.muli %get3A_682, %mul3A_728 : vector<16xi32>
      %add3A_730 = arith.addi %mul3A_729, %gather3A_704 : vector<16xi32>
      %swap3A_731 = arith.index_cast %mul3A_720 : i32 to index
      %swap3A_732 = tpu.vector_load %arg18[%swap3A_731] {strides = array<i32>} : memref<2048xi32, #tpu.memory_space<vmem>>, vector<16xi32>,
      tpu.vector_store %arg18[%swap3A_731], %add3A_730 {strides = array<i32>} : memref<2048xi32, #tpu.memory_space<vmem>>, vector<16xi32>,
      %gather3A_733 = tpu.vector_load_idx %arg6[%get3A_712] : memref<10000xi32, #tpu.memory_space<vmem>>[vector<16xi32>], vector<16xi32>,
      %gather3A_734 = tpu.vector_load_idx %arg6[%get3A_716] : memref<10000xi32, #tpu.memory_space<vmem>>[vector<16xi32>], vector<16xi32>,
      %add3A_735 = arith.constant 512 : i32
      %add3A_736 = arith.addi %add3A_735, %scan3A_718 : i32
      %add3A_737 = arith.constant 2 : i32
      %add3A_738 = arith.addi %add3A_736, %add3A_737 : i32
      %mul3A_739 = arith.constant 16 : i32
      %mul3A_740 = arith.muli %add3A_738, %mul3A_739 : i32
      %get3A_741 = arith.index_cast %mul3A_740 : i32 to index
      %get3A_742 = tpu.vector_load %arg7[%get3A_741] {strides = array<i32>} : memref<10032xi32, #tpu.memory_space<vmem>>, vector<16xi32>,
      %mul3A_743 = arith.constant 16 : i32
      %mul3A_744 = arith.muli %add3A_738, %mul3A_743 : i32
      %get3A_745 = arith.index_cast %mul3A_744 : i32 to index
      %get3A_746 = tpu.vector_load %arg8[%get3A_745] {strides = array<i32>} : memref<10032xi32, #tpu.memory_space<vmem>>, vector<16xi32>,
      %scan3A_747 = arith.constant 3 : i32
      %scan3A_748 = arith.addi %scan3A_652, %scan3A_747 : i32
      %mul3A_749 = arith.constant 16 : i32
      %mul3A_750 = arith.muli %scan3A_748, %mul3A_749 : i32
      %mul3A_751 = arith.constant 8 : i32
      %mul3A_752 = vector.broadcast %mul3A_751 : i32 to vector<16xi32>
      %mul3A_753 = arith.muli %get3A_716, %mul3A_752 : vector<16xi32>
      %add3A_754 = arith.addi %mul3A_753, %gather3A_733 : vector<16xi32>
      %swap3A_755 = arith.index_cast %mul3A_750 : i32 to index
      %swap3A_756 = tpu.vector_load %arg17[%swap3A_755] {strides = array<i32>} : memref<2048xi32, #tpu.memory_space<vmem>>, vector<16xi32>,
      tpu.vector_store %arg17[%swap3A_755], %add3A_754 {strides = array<i32>} : memref<2048xi32, #tpu.memory_space<vmem>>, vector<16xi32>,
      %mul3A_757 = arith.constant 8 : i32
      %mul3A_758 = vector.broadcast %mul3A_757 : i32 to vector<16xi32>
      %mul3A_759 = arith.muli %get3A_712, %mul3A_758 : vector<16xi32>
      %add3A_760 = arith.addi %mul3A_759, %gather3A_734 : vector<16xi32>
      %swap3A_761 = arith.index_cast %mul3A_750 : i32 to index
      %swap3A_762 = tpu.vector_load %arg18[%swap3A_761] {strides = array<i32>} : memref<2048xi32, #tpu.memory_space<vmem>>, vector<16xi32>,
      tpu.vector_store %arg18[%swap3A_761], %add3A_760 {strides = array<i32>} : memref<2048xi32, #tpu.memory_space<vmem>>, vector<16xi32>,
      %gather3A_763 = tpu.vector_load_idx %arg6[%get3A_742] : memref<10000xi32, #tpu.memory_space<vmem>>[vector<16xi32>], vector<16xi32>,
      %gather3A_764 = tpu.vector_load_idx %arg6[%get3A_746] : memref<10000xi32, #tpu.memory_space<vmem>>[vector<16xi32>], vector<16xi32>,
      %add3A_765 = arith.constant 512 : i32
      %add3A_766 = arith.addi %add3A_765, %scan3A_748 : i32
      %add3A_767 = arith.constant 2 : i32
      %add3A_768 = arith.addi %add3A_766, %add3A_767 : i32
      %mul3A_769 = arith.constant 16 : i32
      %mul3A_770 = arith.muli %add3A_768, %mul3A_769 : i32
      %get3A_771 = arith.index_cast %mul3A_770 : i32 to index
      %get3A_772 = tpu.vector_load %arg7[%get3A_771] {strides = array<i32>} : memref<10032xi32, #tpu.memory_space<vmem>>, vector<16xi32>,
      %mul3A_773 = arith.constant 16 : i32
      %mul3A_774 = arith.muli %add3A_768, %mul3A_773 : i32
      %get3A_775 = arith.index_cast %mul3A_774 : i32 to index
      %get3A_776 = tpu.vector_load %arg8[%get3A_775] {strides = array<i32>} : memref<10032xi32, #tpu.memory_space<vmem>>, vector<16xi32>,
      scf.yield %get3A_772, %get3A_776, %get3A_742, %get3A_746, %gather3A_763, %gather3A_764 : vector<16xi32>, vector<16xi32>, vector<16xi32>, vector<16xi32>, vector<16xi32>, vector<16xi32>
    }
    %scan3A_607 = arith.constant 112 : i32
    %mul3A_608 = arith.constant 8 : i32
    %mul3A_609 = vector.broadcast %mul3A_608 : i32 to vector<16xi32>
    %mul3A_610 = arith.muli %scan3A_606#3, %mul3A_609 : vector<16xi32>
    %add3A_611 = arith.addi %mul3A_610, %scan3A_606#4 : vector<16xi32>
    %swap3A_612 = arith.constant 1792 : index
    %swap3A_613 = tpu.vector_load %arg17[%swap3A_612] {strides = array<i32>} : memref<2048xi32, #tpu.memory_space<vmem>>, vector<16xi32>,
    tpu.vector_store %arg17[%swap3A_612], %add3A_611 {strides = array<i32>} : memref<2048xi32, #tpu.memory_space<vmem>>, vector<16xi32>,
    %mul3A_614 = arith.constant 8 : i32
    %mul3A_615 = vector.broadcast %mul3A_614 : i32 to vector<16xi32>
    %mul3A_616 = arith.muli %scan3A_606#2, %mul3A_615 : vector<16xi32>
    %add3A_617 = arith.addi %mul3A_616, %scan3A_606#5 : vector<16xi32>
    %swap3A_618 = arith.constant 1792 : index
    %swap3A_619 = tpu.vector_load %arg18[%swap3A_618] {strides = array<i32>} : memref<2048xi32, #tpu.memory_space<vmem>>, vector<16xi32>,
    tpu.vector_store %arg18[%swap3A_618], %add3A_617 {strides = array<i32>} : memref<2048xi32, #tpu.memory_space<vmem>>, vector<16xi32>,
    %dma_start3A_620 = arith.constant 0 : i32
    %dma_start3A_621 = tpu.memref_slice %arg21[%dma_start3A_620] : memref<80128xf32, #tpu.memory_space<vmem_shared>> -> memref<80128xf32, #tpu.memory_space<vmem_shared>>
    tpu.enqueue_indirect_dma source(%arg19 : memref<2048xf32, #tpu.memory_space<vmem>>) target(%dma_start3A_621 : memref<80128xf32, #tpu.memory_space<vmem_shared>>) offsets(%arg17 : memref<2048xi32, #tpu.memory_space<vmem>>) semaphore(%arg23 : memref<!tpu.dma_semaphore, #tpu.memory_space<semaphore_mem>>) {add = true}
    %dma_start3A_622 = arith.constant 0 : i32
    %dma_start3A_623 = tpu.memref_slice %arg21[%dma_start3A_622] : memref<80128xf32, #tpu.memory_space<vmem_shared>> -> memref<80128xf32, #tpu.memory_space<vmem_shared>>
    tpu.enqueue_indirect_dma source(%arg19 : memref<2048xf32, #tpu.memory_space<vmem>>) target(%dma_start3A_623 : memref<80128xf32, #tpu.memory_space<vmem_shared>>) offsets(%arg18 : memref<2048xi32, #tpu.memory_space<vmem>>) semaphore(%arg23 : memref<!tpu.dma_semaphore, #tpu.memory_space<semaphore_mem>>) {add = true}
    %dma_wait3A_624 = arith.constant 0 : i32
    %dma_wait3A_625 = tpu.memref_slice %arg21[%dma_wait3A_624] : memref<80128xf32, #tpu.memory_space<vmem_shared>> -> memref<80128xf32, #tpu.memory_space<vmem_shared>>
    tpu.wait_indirect_dma semaphore(%arg23 : memref<!tpu.dma_semaphore, #tpu.memory_space<semaphore_mem>>) src(%arg19 : memref<2048xf32, #tpu.memory_space<vmem>>) dst(%dma_wait3A_625 : memref<80128xf32, #tpu.memory_space<vmem_shared>>)
    %dma_wait3A_626 = arith.constant 0 : i32
    %dma_wait3A_627 = tpu.memref_slice %arg21[%dma_wait3A_626] : memref<80128xf32, #tpu.memory_space<vmem_shared>> -> memref<80128xf32, #tpu.memory_space<vmem_shared>>
    tpu.wait_indirect_dma semaphore(%arg23 : memref<!tpu.dma_semaphore, #tpu.memory_space<semaphore_mem>>) src(%arg19 : memref<2048xf32, #tpu.memory_space<vmem>>) dst(%dma_wait3A_627 : memref<80128xf32, #tpu.memory_space<vmem_shared>>)
    %dma_wait3A_628 = arith.constant 0 : i32
    %dma_wait3A_629 = tpu.memref_slice %arg21[%dma_wait3A_628] : memref<80128xf32, #tpu.memory_space<vmem_shared>> -> memref<80128xf32, #tpu.memory_space<vmem_shared>>
    tpu.wait_indirect_dma semaphore(%arg23 : memref<!tpu.dma_semaphore, #tpu.memory_space<semaphore_mem>>) src(%arg19 : memref<2048xf32, #tpu.memory_space<vmem>>) dst(%dma_wait3A_629 : memref<80128xf32, #tpu.memory_space<vmem_shared>>)
    %dma_wait3A_630 = arith.constant 0 : i32
    %dma_wait3A_631 = tpu.memref_slice %arg21[%dma_wait3A_630] : memref<80128xf32, #tpu.memory_space<vmem_shared>> -> memref<80128xf32, #tpu.memory_space<vmem_shared>>
    tpu.wait_indirect_dma semaphore(%arg23 : memref<!tpu.dma_semaphore, #tpu.memory_space<semaphore_mem>>) src(%arg19 : memref<2048xf32, #tpu.memory_space<vmem>>) dst(%dma_wait3A_631 : memref<80128xf32, #tpu.memory_space<vmem_shared>>)
    %dma_wait3A_632 = arith.constant 0 : i32
    %dma_wait3A_633 = tpu.memref_slice %arg21[%dma_wait3A_632] : memref<80128xf32, #tpu.memory_space<vmem_shared>> -> memref<80128xf32, #tpu.memory_space<vmem_shared>>
    tpu.wait_indirect_dma semaphore(%arg23 : memref<!tpu.dma_semaphore, #tpu.memory_space<semaphore_mem>>) src(%arg19 : memref<2048xf32, #tpu.memory_space<vmem>>) dst(%dma_wait3A_633 : memref<80128xf32, #tpu.memory_space<vmem_shared>>)
    %dma_wait3A_634 = arith.constant 0 : i32
    %dma_wait3A_635 = tpu.memref_slice %arg21[%dma_wait3A_634] : memref<80128xf32, #tpu.memory_space<vmem_shared>> -> memref<80128xf32, #tpu.memory_space<vmem_shared>>
    tpu.wait_indirect_dma semaphore(%arg23 : memref<!tpu.dma_semaphore, #tpu.memory_space<semaphore_mem>>) src(%arg19 : memref<2048xf32, #tpu.memory_space<vmem>>) dst(%dma_wait3A_635 : memref<80128xf32, #tpu.memory_space<vmem_shared>>)
    %dma_wait3A_636 = arith.constant 0 : i32
    %dma_wait3A_637 = tpu.memref_slice %arg21[%dma_wait3A_636] : memref<80128xf32, #tpu.memory_space<vmem_shared>> -> memref<80128xf32, #tpu.memory_space<vmem_shared>>
    tpu.wait_indirect_dma semaphore(%arg23 : memref<!tpu.dma_semaphore, #tpu.memory_space<semaphore_mem>>) src(%arg19 : memref<2048xf32, #tpu.memory_space<vmem>>) dst(%dma_wait3A_637 : memref<80128xf32, #tpu.memory_space<vmem_shared>>)
    %dma_wait3A_638 = arith.constant 0 : i32
    %dma_wait3A_639 = tpu.memref_slice %arg21[%dma_wait3A_638] : memref<80128xf32, #tpu.memory_space<vmem_shared>> -> memref<80128xf32, #tpu.memory_space<vmem_shared>>
    tpu.wait_indirect_dma semaphore(%arg23 : memref<!tpu.dma_semaphore, #tpu.memory_space<semaphore_mem>>) src(%arg19 : memref<2048xf32, #tpu.memory_space<vmem>>) dst(%dma_wait3A_639 : memref<80128xf32, #tpu.memory_space<vmem_shared>>)
    %dma_wait3A_640 = arith.constant 0 : i32
    %dma_wait3A_641 = tpu.memref_slice %arg21[%dma_wait3A_640] : memref<80128xf32, #tpu.memory_space<vmem_shared>> -> memref<80128xf32, #tpu.memory_space<vmem_shared>>
    tpu.wait_indirect_dma semaphore(%arg23 : memref<!tpu.dma_semaphore, #tpu.memory_space<semaphore_mem>>) src(%arg19 : memref<2048xf32, #tpu.memory_space<vmem>>) dst(%dma_wait3A_641 : memref<80128xf32, #tpu.memory_space<vmem_shared>>)
    %dma_wait3A_642 = arith.constant 0 : i32
    %dma_wait3A_643 = tpu.memref_slice %arg21[%dma_wait3A_642] : memref<80128xf32, #tpu.memory_space<vmem_shared>> -> memref<80128xf32, #tpu.memory_space<vmem_shared>>
    tpu.wait_indirect_dma semaphore(%arg23 : memref<!tpu.dma_semaphore, #tpu.memory_space<semaphore_mem>>) src(%arg19 : memref<2048xf32, #tpu.memory_space<vmem>>) dst(%dma_wait3A_643 : memref<80128xf32, #tpu.memory_space<vmem_shared>>)
    %barrier3A_644 = arith.constant 0 : index
    tpu.barrier barrier_id(%barrier3A_644)
    %mul3A_645 = arith.constant 5000 : i32
    %mul3A_646 = arith.muli %arg1, %mul3A_645 : i32
    "tpu.region"() ({
      %run_scoped3A = tpu.sem_alloc : memref<!tpu.dma_semaphore, #tpu.memory_space<semaphore_mem>>
      %dma_start3A_652 = arith.constant 0 : i32
      %dma_start3A_653 = tpu.memref_slice %arg20[%dma_start3A_652] : memref<5008xf32, #tpu.memory_space<vmem>> -> memref<5000xf32, #tpu.memory_space<vmem>>
      %dma_start3A_654 = tpu.memref_slice %arg21[%mul3A_646] : memref<80128xf32, #tpu.memory_space<vmem_shared>> -> memref<5000xf32, #tpu.memory_space<vmem_shared>>
      %dma_start3A_655 = arith.constant 0 : i32
      %dma_start3A_656 = tpu.memref_slice %arg20[%dma_start3A_655] : memref<5008xf32, #tpu.memory_space<vmem>> -> memref<5000xf32, #tpu.memory_space<vmem>>
      %dma_start3A_657 = tpu.memref_slice %arg21[%mul3A_646] : memref<80128xf32, #tpu.memory_space<vmem_shared>> -> memref<5000xf32, #tpu.memory_space<vmem_shared>>
      tpu.enqueue_dma source(%dma_start3A_657 : memref<5000xf32, #tpu.memory_space<vmem_shared>>) target(%dma_start3A_656 : memref<5000xf32, #tpu.memory_space<vmem>>) target_semaphore(%run_scoped3A : memref<!tpu.dma_semaphore, #tpu.memory_space<semaphore_mem>>)
      %dma_wait3A_658 = arith.constant 0 : i32
      %dma_wait3A_659 = tpu.memref_slice %arg20[%dma_wait3A_658] : memref<5008xf32, #tpu.memory_space<vmem>> -> memref<5000xf32, #tpu.memory_space<vmem>>
      %dma_wait3A_660 = tpu.memref_slice %arg21[%mul3A_646] : memref<80128xf32, #tpu.memory_space<vmem_shared>> -> memref<5000xf32, #tpu.memory_space<vmem_shared>>
      %dma_wait3A_661 = arith.constant 0 : i32
      %dma_wait3A_662 = tpu.memref_slice %arg20[%dma_wait3A_661] : memref<5008xf32, #tpu.memory_space<vmem>> -> memref<5000xf32, #tpu.memory_space<vmem>>
      %dma_wait3A_663 = tpu.memref_slice %arg21[%mul3A_646] : memref<80128xf32, #tpu.memory_space<vmem_shared>> -> memref<5000xf32, #tpu.memory_space<vmem_shared>>
      tpu.wait_dma2 semaphore(%run_scoped3A : memref<!tpu.dma_semaphore, #tpu.memory_space<semaphore_mem>>) src(%dma_wait3A_663 : memref<5000xf32, #tpu.memory_space<vmem_shared>>) dst(%dma_wait3A_662 : memref<5000xf32, #tpu.memory_space<vmem>>)
      tpu.yield
    }) : () -> ()
    %mul3A_647 = arith.constant 81920 : i32
    %mul3A_648 = arith.muli %arg0, %mul3A_647 : i32
    %mul3A_649 = arith.constant 5000 : i32
    %mul3A_650 = arith.muli %arg1, %mul3A_649 : i32
    %add3A_651 = arith.addi %mul3A_648, %mul3A_650 : i32
    "tpu.region"() ({
      %run_scoped3A = tpu.sem_alloc : memref<!tpu.dma_semaphore, #tpu.memory_space<semaphore_mem>>
      %dma_start3A_652 = arith.constant 0 : i32
      %dma_start3A_653 = tpu.memref_slice %arg20[%dma_start3A_652] : memref<5008xf32, #tpu.memory_space<vmem>> -> memref<5000xf32, #tpu.memory_space<vmem>>
      %dma_start3A_654 = tpu.memref_slice %arg5[%add3A_651] : memref<163840xf32, #tpu.memory_space<hbm>> -> memref<5000xf32, #tpu.memory_space<hbm>>
      %dma_start3A_655 = tpu.memref_slice %arg5[%add3A_651] : memref<163840xf32, #tpu.memory_space<hbm>> -> memref<5000xf32, #tpu.memory_space<hbm>>
      %dma_start3A_656 = arith.constant 0 : i32
      %dma_start3A_657 = tpu.memref_slice %arg20[%dma_start3A_656] : memref<5008xf32, #tpu.memory_space<vmem>> -> memref<5000xf32, #tpu.memory_space<vmem>>
      tpu.enqueue_dma source(%dma_start3A_657 : memref<5000xf32, #tpu.memory_space<vmem>>) target(%dma_start3A_655 : memref<5000xf32, #tpu.memory_space<hbm>>) target_semaphore(%run_scoped3A : memref<!tpu.dma_semaphore, #tpu.memory_space<semaphore_mem>>)
      %dma_wait3A_658 = arith.constant 0 : i32
      %dma_wait3A_659 = tpu.memref_slice %arg20[%dma_wait3A_658] : memref<5008xf32, #tpu.memory_space<vmem>> -> memref<5000xf32, #tpu.memory_space<vmem>>
      %dma_wait3A_660 = tpu.memref_slice %arg5[%add3A_651] : memref<163840xf32, #tpu.memory_space<hbm>> -> memref<5000xf32, #tpu.memory_space<hbm>>
      %dma_wait3A_661 = tpu.memref_slice %arg5[%add3A_651] : memref<163840xf32, #tpu.memory_space<hbm>> -> memref<5000xf32, #tpu.memory_space<hbm>>
      %dma_wait3A_662 = arith.constant 0 : i32
      %dma_wait3A_663 = tpu.memref_slice %arg20[%dma_wait3A_662] : memref<5008xf32, #tpu.memory_space<vmem>> -> memref<5000xf32, #tpu.memory_space<vmem>>
      tpu.wait_dma2 semaphore(%run_scoped3A : memref<!tpu.dma_semaphore, #tpu.memory_space<semaphore_mem>>) src(%dma_wait3A_663 : memref<5000xf32, #tpu.memory_space<vmem>>) dst(%dma_wait3A_661 : memref<5000xf32, #tpu.memory_space<hbm>>)
      tpu.yield
    }) : () -> ()
    return
  }
}

</mosaic_0001>

<sc_bundles>
// kernel: _sc_hist.3.cloned.1.call-start
scs
__scs_entry_jumppad:
0x0: {  	(pc) =	sbr.rel $0x88, $3  }
0x1: {  	(tag) =	ssettag $0x0;
	lr =	simm.s32 $0x1  }
0x2: {  	[smem:$0x3F9E] =	sst lr;
	_ =	strace $0xD0000000  }
0x3: {  	_ = 	snop  }
0x4: {  	_ = 	snop  }
0x5: {  	_ = 	snop  }
0x6: {  	_ = 	snop  }
0x7: {  	_ = 	snop  }
__scs_overlays_trampoline_lowered:
0x8: {  	[smem:$0x3FAD] =	sst s0  }
0x9: {  	[smem:$0x3FAE] =	sst s1  }
0xa: {  	[smem:$0x3FAF] =	sst s2  }
0xb: {  	[smem:$0x3FB0] =	sst s3  }
0xc: {  	[smem:$0x3FB1] =	sst s4  }
0xd: {  	[smem:$0x3FB2] =	sst s5  }
0xe: {  	[smem:$0x3FB3] =	sst s6  }
0xf: {  	[smem:$0x3FB4] =	sst s7  }
0x10: {  	[smem:$0x3FB5] =	sst s8  }
0x11: {  	[smem:$0x3FB6] =	sst s9;
	s0 =	simm.s32 @!p0 $0x0  }
0x12: {  	s1 =	sld [smem:$0x3F9C];
	s0 =	simm.s32 @p0 $0x1  }
0x13: {  	[smem:$0x3FB7] =	sst s0;
	s0 =	simm.s32 @!p1 $0x0  }
0x14: {  	s2 =	sld [smem:$0x3F9B];
	s0 =	simm.s32 @p1 $0x1  }
0x15: {  	[smem:$0x3FB8] =	sst s0;
	s0 =	simm.s32 @!p2 $0x0  }
0x16: {  	s3 =	sld [smem:$0x3FDB];
	s0 =	simm.s32 @p2 $0x1  }
0x17: {  	s4 =	simm.s32 $0x1BF5;
	[smem:$0x3FBA] =	sst s0  }
0x18: {  	s0 =	sld [smem:$0x3F9D];
	_ =	swait.ge [sflag:s4], $0x0  }
0x19: {  	s7 =	sld [smem:$0x3F9E]  }
0x1a: {  	s8 =	sadd.s32 $0xFFFFE003, lr  }
0x1b: {  	s9 =	sadd.s32 $0xFFFFFEF7, lr;
	s5 =	simm.s32 $0xFFFFFFFF;
	p2 =	slt.u32 s8, $0xFFFFF086  }
0x1c: {  	p1 =	slt.u32 s9, $0xF7A;
	s5 =	simm.s32 @!p2 $0x0  }
0x1d: {  	s5 =	simm.s32 @p1 $0x1;
	p0 =	seq.s32 s7, s2  }
0x1e: {  	s7 =	smul.u32 @!p0 $0xF7A, s2;
	p2 =	seq.s32 @!p0 s5, $0x0  }
0x1f: {  	s9 =	smul.u32 $0xF7A, s1;
	s8 =	simm.s32 @!p0 $0x1BF5;
	p2 =	por !p2, p0  }
0x20: {  	[sflag:s8] =	ssyncset.s32 @!p0 $0xFFFFF086;
	s6 =	sadd.s32 @!p0 s3, s7;
	s7 =	simm.s32 @!p0 $0x108  }
0x21: {  	s3 =	sadd.s32 s3, s9;
	s6 =	sadd.s32 @!p0 $0x88, s6;
	s7 =	simm.s32 @p2 $0x1082  }
0x22: {  	[simem:s7], [sflag:s8] =	dma.local @!p0 [hbm:s6], $0xF7A  }
0x23: {  	s9 =	sor.u32 $0xD0000000, s2;
	s6 =	simm.s32 $0x108;
	_ =	swait.ge @!p0 [sflag:s8], $0x0  }
0x24: {  	s3 =	sadd.s32 $0x88, s3;
	s6 =	simm.s32 @!p1 $0x1082;
	[sflag:s4] =	ssyncset.s32 $0xFFFFF086  }
0x25: {  	[simem:s6], [sflag:s4] =	dma.local [hbm:s3], $0xF7A  }
0x26: {  	[smem:$0x3F9E] =	sst s1;
	(tag) =	ssettag s2;
	_ =	strace s9  }
0x27: {  	s1 =	sld [smem:$0x3FAE]  }
0x28: {  	s2 =	sld [smem:$0x3FAF]  }
0x29: {  	s4 =	sld [smem:$0x3FB1]  }
0x2a: {  	p0 =	seq.s32 s5, $0x0;
	s5 =	sld [smem:$0x3FB2]  }
0x2b: {  	s6 =	sld [smem:$0x3FB3]  }
0x2c: {  	s7 =	sld [smem:$0x3FB4]  }
0x2d: {  	s3 =	simm.s32 $0x108;
	s8 =	sld [smem:$0x3FB5]  }
0x2e: {  	s3 =	simm.s32 @!p0 $0x1082;
	s9 =	sld [smem:$0x3FB6]  }
0x2f: {  	lr =	sadd.s32 s0, s3;
	s0 =	sld [smem:$0x3FAD]  }
0x30: {  	s3 =	sld [smem:$0x3FB0]  }
0x31: {  	[smem:$0x3FB9] =	sst s10  }
0x32: {  	s10 =	sld [smem:$0x3FB7];
	_ =	sdelay $0x3  }
0x33: {  	p0 =	seq.s32 s10, $0x1;
	s10 =	sld [smem:$0x3FB9];
	_ =	sdelay $0x3  }
0x34: {  	[smem:$0x3FB9] =	sst s10  }
0x35: {  	s10 =	sld [smem:$0x3FB8];
	_ =	sdelay $0x3  }
0x36: {  	p1 =	seq.s32 s10, $0x1;
	s10 =	sld [smem:$0x3FB9];
	_ =	sdelay $0x3  }
0x37: {  	[smem:$0x3FB9] =	sst s10  }
0x38: {  	s10 =	sld [smem:$0x3FBA]  }
0x39: {  	_ = 	snop;
	(pc) =	sbr.ind lr, $3  }
0x3a: {  	_ = 	snop  }
0x3b: {  	_ = 	snop  }
0x3c: {  	p2 =	seq.s32 s10, $0x1;
	s10 =	sld [smem:$0x3FB9]  }
0x3d: {  	_ =	shalt  }
0x3e: {  	_ =	shalt  }
0x3f: {  	_ =	shalt  }
0x40: {  	_ =	shalt  }
0x41: {  	_ =	shalt  }
0x42: {  	_ =	shalt  }
0x43: {  	_ =	shalt  }
0x44: {  	_ =	shalt  }
0x45: {  	_ =	shalt  }
0x46: {  	_ =	shalt  }
0x47: {  	_ =	shalt  }
0x48: {  	_ =	shalt  }
0x49: {  	_ =	shalt  }
0x4a: {  	_ =	shalt  }
0x4b: {  	_ =	shalt  }
0x4c: {  	_ =	shalt  }
0x4d: {  	_ =	shalt  }
0x4e: {  	_ =	shalt  }
0x4f: {  	_ =	shalt  }
0x50: {  	_ =	shalt  }
0x51: {  	_ =	shalt  }
0x52: {  	_ =	shalt  }
0x53: {  	_ =	shalt  }
0x54: {  	_ =	shalt  }
0x55: {  	_ =	shalt  }
0x56: {  	_ =	shalt  }
0x57: {  	_ =	shalt  }
0x58: {  	_ =	shalt  }
0x59: {  	_ =	shalt  }
0x5a: {  	_ =	shalt  }
0x5b: {  	_ =	shalt  }
0x5c: {  	_ =	shalt  }
0x5d: {  	_ =	shalt  }
0x5e: {  	_ =	shalt  }
0x5f: {  	_ =	shalt  }
0x60: {  	_ =	shalt  }
0x61: {  	_ =	shalt  }
0x62: {  	_ =	shalt  }
0x63: {  	_ =	shalt  }
0x64: {  	_ =	shalt  }
0x65: {  	_ =	shalt  }
0x66: {  	_ =	shalt  }
0x67: {  	_ =	shalt  }
0x68: {  	_ =	shalt  }
0x69: {  	_ =	shalt  }
0x6a: {  	_ =	shalt  }
0x6b: {  	_ =	shalt  }
0x6c: {  	_ =	shalt  }
0x6d: {  	_ =	shalt  }
0x6e: {  	_ =	shalt  }
0x6f: {  	_ =	shalt  }
0x70: {  	_ =	shalt  }
0x71: {  	_ =	shalt  }
0x72: {  	_ =	shalt  }
0x73: {  	_ =	shalt  }
0x74: {  	_ =	shalt  }
0x75: {  	_ =	shalt  }
0x76: {  	_ =	shalt  }
0x77: {  	_ =	shalt  }
0x78: {  	_ =	shalt  }
0x79: {  	_ =	shalt  }
0x7a: {  	_ =	shalt  }
0x7b: {  	_ =	shalt  }
0x7c: {  	_ =	shalt  }
0x7d: {  	_ =	shalt  }
0x7e: {  	_ =	shalt  }
0x7f: {  	_ =	shalt  }
0x80: {  	_ =	shalt  }
0x81: {  	_ =	shalt  }
0x82: {  	_ =	shalt  }
0x83: {  	_ =	shalt  }
0x84: {  	_ =	shalt  }
0x85: {  	_ =	shalt  }
0x86: {  	_ =	shalt  }
0x87: {  	_ =	shalt  }
.Lfunc_end0:
.L_simem_size_0:
called_computation_lowered:
.L_overlay_start_0:
0x88: {  	s2 =	sld [smem:$0x3FD9]  }
0x89: {  	s3 =	sld [smem:$0x3FFE];
	_ =	sdelay $0x1  }
0x8a: {  	s1 =	srdreg.scid  }
0x8b: {  	s0 =	sand.u32 $0x1, s1  }
0x8c: {  	s18 =	sshll.u32 s0, $0xA;
	s2 =	sadd.s32 s3, s2  }
0x8d: {  	s2 =	sadd.s32 s2, s18  }
0x8e: {  	[smem:$0x3FC5] =	sst s2  }
0x8f: {  	_ = 	snop  }
0x90: {  	s2 =	sld [smem:$0x3FC9]  }
0x91: {  	s19 =	sld [smem:$0x3FC8]  }
0x92: {  	s4 =	sld [smem:$0x3FC7]  }
0x93: {  	s5 =	sld [smem:$0x3FD0];
	(tm) =	ssettm $0x1  }
0x94: {  	s6 =	sld [smem:$0x3FFB];
	_ =	sdelay $0x3  }
0x95: {  	_ =	strace s6  }
0x96: {  	s6 =	sld [smem:$0x3FFC];
	_ =	sdelay $0x3  }
0x97: {  	_ =	strace s6  }
0x98: {  	s6 =	sld [smem:$0x3FFD];
	_ =	sdelay $0x3  }
0x99: {  	_ =	strace s6  }
0x9a: {  	_ =	strace $0x8FFFFFFF  }
0x9b: {  	s20 =	sld [smem:$0x3FDB];
	_ =	sdelay $0x1  }
0x9c: {  	s7 =	simm.s32 $_scs_section_size  }
0x9d: {  	s8 =	simm.s32 $_size__tile_overlayer_lowered;
	s9 =	simm.s32 $_tile_overlayer_lowered  }
0x9e: {  	s23 =	simm.s32 $0x1BFF;
	s22 =	sshll.u32 s9, $0x1;
	s6 =	sadd.s32 s7, s20  }
0x9f: {  	s10 =	simm.s32 $0x0;
	s21 =	sshll.u32 s8, $0x1;
	s8 =	sadd.s32 s22, s6  }
0xa0: {  	[timem:s10], [sflag:s23] =	dma.local [hbm:s8], s21  }
0xa1: {  	_ =	swait.ge [sflag:s23], s21  }
0xa2: {  	s7 =	ssub.s32 $0x0, s21;
	[sflag:s23] =	ssyncset.done $0x0  }
0xa3: {  	[sflag:s23] =	ssyncadd.s32 s7;
	_ =	sdelay $0x1  }
0xa4: {  	s24 =	simm.s32 $0x1B8B  }
0xa5: {  	_ =	swait.ge [sflag:s24], $0x1  }
0xa6: {  	[sflag:s24] =	ssyncset.done $0x0  }
0xa7: {  	s25 =	simm.s32 $0x1B8E;
	[sflag:s24] =	ssyncadd.s32 $0xFFFFFFFF  }
0xa8: {  	s26 =	simm.s32 $execute0_lowered;
	[smem:$0x3FD2] =	sst s25  }
0xa9: {  	s7 =	sshll.u32 s26, $0x1;
	_ =	strace $0x80000046;
	[dreg:$0x1] =	wrdreg $0xFFFFFFFF  }
0xaa: {  	s28 =	simm.s32 $_size_execute0_lowered;
	s6 =	sadd.s32 s6, s7;
	[dreg:$0x0] =	wrdreg $0x0  }
0xab: {  	s7 =	sshll.u32 s28, $0x1;
	[dreg:$0x2] =	wrdreg s6  }
0xac: {  	[dreg:$0x3] =	wrdreg s7  }
0xad: {  	[dreg:$0x4] =	wrdreg $0xC0  }
0xae: {  	_ =	task [dreg:s10], $0x5FFFF  }
0xaf: {  	[dreg:$0x1] =	wrdreg $0xFFFFFFFF  }
0xb0: {  	[dreg:$0x0] =	wrdreg $0x60  }
0xb1: {  	[dreg:$0x2] =	wrdreg s2  }
0xb2: {  	[dreg:$0x3] =	wrdreg s19  }
0xb3: {  	[dreg:$0x4] =	wrdreg s4  }
0xb4: {  	[dreg:$0x5] =	wrdreg s5  }
0xb5: {  	[dreg:$0x6] =	wrdreg $0xE2800  }
0xb6: {  	[dreg:$0x7] =	wrdreg $0x9  }
0xb7: {  	_ =	task.clear_ibuf [dreg:s10], $0x8FFFF;
	_ =	strace $0x90000046  }
0xb8: {  	s29 =	simm.s32 $0x9;
	_ =	strace $0x80000048  }
0xb9: {  	_ =	swait.ge [sflag:s29], $0x1  }
0xba: {  	[sflag:s29] =	ssyncadd.s32 $0xFFFFFFFF  }
0xbb: {  	_ =	strace $0x90000048  }
0xbc: {  	_ =	sfence  }
0xbd: {  	s30 =	sld [smem:$0x0];
	_ =	sdelay $0x2  }
0xbe: {  	s31 =	sshll.u32 s1, $0xD;
	s1 =	sshrl.u32 s1, $0x2  }
0xbf: {  	s3 =	sand.u32 $0x4000, s31;
	s1 =	sadd.s32 s1, s30  }
0xc0: {  	s0 =	sor.u32 s3, s0;
	s1 =	sshll.u32 s1, $0x11  }
0xc1: {  	s0 =	sor.u32 s1, s0  }
0xc2: {  	s0 =	sadd.s32 $0x8F2B, s0  }
0xc3: {  	[sflag:s0] =	ssyncadd.remote.s32 $0x1  }
0xc4: {  	_ =	sfence.sel $0xFFFF  }
0xc5: {  	[dreg:$0x0] =	wrdreg $0xFFFFFFFF;
	(pc) =	sbr.abs _section_cstart, $3  }
0xc6: {  	[dreg:$0x1] =	wrdreg $0xFFFFFFFF  }
0xc7: {  	_ =	task.clear_ibuf [dreg:s10], $0x2FFFF;
	_ =	strace $0x9FFFFFFF  }
0xc8: {  	(tm) =	ssettm $0x7FFFFFFF  }
0xc9: {  	_ =	shalt  }
tec
execute0_lowered:
.L_overlay_start_1:
0x0: {  	(tag) =	ssettag $0x1  }
0x1: {  	s0 =	rddreg [dreg:$0x0]  }
0x2: {  	s1 =	rddreg [dreg:$0x1];
	s2 =	srdreg.scid  }
0x3: {  	s11 =	stileid.u32;
	s9 =	rddreg [dreg:$0x3]  }
0x4: {  	s13 =	simm.s32 $0xCE80;
	s14 =	simm.s32 $0x3;
	s15 =	simm.s32 $0x1  }
0x5: {  	s16 =	simm.s32 $0x800;
	s18 =	simm.s32 $0xC680;
	s28 =	simm.s32 $0xBE80  }
0x6: {  	s29 =	simm.s32 $0x2;
	s30 =	simm.s32 $0x0;
	s6 =	smul.u32 $0x4E40, s11  }
0x7: {  	s4 =	sand.u32 $0x1, s2;
	s21 =	sshll.u32 s11, $0x1;
	s10 =	smul.u32 $0x1388, s11  }
0x8: {  	s2 =	rddreg [dreg:$0x4];
	s3 =	sor.u32 s4, s21;
	s8 =	smul.u32 $0x14000, s4  }
0x9: {  	p0 =	sne.s32 s11, $0x0;
	s7 =	ssub.s32 $0x2, s4;
	s5 =	smul.u32 $0x4E2, s3  }
0xa: {  	s3 =	simm.s32 $0x0;
	s22 =	sshrl.u32 s7, $0x1;
	s23 =	sshrl.u32 s6, $0x2  }
0xb: {  	[smem:$0x7FF] =	sst s3;
	s12 =	ssub.s32 s7, s22;
	s24 =	sshrl.u32 s8, $0x3  }
0xc: {  	s25 =	sadd.s32 s10, s8;
	s6 =	sadd.s32 s23, s2;
	s8 =	sadd.s32 s10, s2  }
0xd: {  	_ =	strace $0x80000047;
	s4 =	sadd.s32 s0, s5;
	s5 =	sadd.s32 s1, s5  }
0xe: {  	v2 =	vlaneseq.u32;
	s26 =	sadd.s32 s9, s24;
	s31 =	sshrl.u32 s25, $0x3;
	s10 =	smax.u32 s12, $0x1  }
0xf: {  	v0 =	vimm.f32 $1.000000000e+00;
	v1 =	vimm.f32 $0.0e+00;
	v2 =	vor.u32 $0x13880, v2;
	s7 =	sadd.s32 $0x2710, s26;
	s9 =	sadd.s32 s9, s31;
	s26 =	simm.s32 $0xB680  }
.LBB2_1:
0x10: {  	s0 =	rddreg [dreg:$0x2]  }
0x11: {  	[tilespmem:s3], [sflag:$0x1] =	stream.linear.gather [hbm4b:s0+s3], $0x2780, $0x38;
	[tilespmem:$0xF610] =	vst v63  }
0x12: {  	s25 =	simm.s32 $0x2780  }
0x13: {  	[tilespmem:s25], [sflag:$0x1] =	stream.linear.gather [hbm4b:s4+s3], $0x2710, $0x38;
	[tilespmem:$0xF610] =	vst v63  }
0x14: {  	s31 =	simm.s32 $0x4F00;
	s1 =	simm.s32 $0xC6C0  }
0x15: {  	[tilespmem:s31], [sflag:$0x1] =	stream.linear.gather [hbm4b:s5+s3], $0x2710, $0x38;
	[tilespmem:$0xF610] =	vst v63  }
0x16: {  	[tilespmem:s1+$0xFFFFFFC0] =	vst v0  }
0x17: {  	[tilespmem:s1+$0x30] =	vst v0  }
0x18: {  	[tilespmem:s1+$0x20] =	vst v0  }
0x19: {  	[tilespmem:s1+$0x10] =	vst v0  }
0x1a: {  	[tilespmem:s1+$0x0] =	vst v0  }
0x1b: {  	[tilespmem:s1+$0xFFFFFFF0] =	vst v0  }
0x1c: {  	s11 =	simm.s32 $0x0;
	[tilespmem:s1+$0xFFFFFFE0] =	vst v0  }
.LBB2_2:
0x1d: {  	s11 =	sadd.s32 $0x8, s11;
	[tilespmem:s1+$0xFFFFFFD0] =	vst v0;
	s1 =	sadd.s32 $0x80, s1;
	s0 =	simm.s32 $0xCEC0  }
0x1e: {  	[tilespmem:s1+$0xFFFFFFC0] =	vst v0;
	p1 =	slt.u32 s11, $0x78  }
0x1f: {  	[tilespmem:s1+$0x30] =	vst v0  }
.Ltmp0:
0x20: {  	[tilespmem:s1+$0x20] =	vst v0;
	(pc) =	sbr.rel @p1 .LBB2_2-.Ltmp0, $4  }
0x21: {  	[tilespmem:s1+$0x10] =	vst v0  }
0x22: {  	[tilespmem:s1+$0x0] =	vst v0  }
0x23: {  	[tilespmem:s1+$0xFFFFFFF0] =	vst v0  }
0x24: {  	[tilespmem:s1+$0xFFFFFFE0] =	vst v0  }
0x25: {  	[tilespmem:s1+$0xFFFFFFD0] =	vst v0  }
0x26: {  	[tilespmem:s0+$0xFFFFFFC0] =	vst v1  }
0x27: {  	[tilespmem:s0+$0x30] =	vst v1  }
0x28: {  	[tilespmem:s0+$0x20] =	vst v1  }
0x29: {  	[tilespmem:s0+$0x10] =	vst v1  }
0x2a: {  	[tilespmem:s0+$0x0] =	vst v1  }
0x2b: {  	[tilespmem:s0+$0xFFFFFFF0] =	vst v1  }
0x2c: {  	s1 =	simm.s32 $0x0;
	[tilespmem:s0+$0xFFFFFFE0] =	vst v1  }
.LBB2_4:
0x2d: {  	s1 =	sadd.s32 $0x8, s1;
	[tilespmem:s0+$0xFFFFFFD0] =	vst v1;
	s0 =	sadd.s32 $0x80, s0  }
0x2e: {  	[tilespmem:s0+$0xFFFFFFC0] =	vst v1;
	p1 =	slt.u32 s1, $0x130  }
0x2f: {  	[tilespmem:s0+$0x30] =	vst v1  }
.Ltmp1:
0x30: {  	[tilespmem:s0+$0x20] =	vst v1;
	(pc) =	sbr.rel @p1 .LBB2_4-.Ltmp1, $4  }
0x31: {  	[tilespmem:s0+$0x10] =	vst v1  }
0x32: {  	[tilespmem:s0+$0x0] =	vst v1  }
0x33: {  	[tilespmem:s0+$0xFFFFFFF0] =	vst v1  }
0x34: {  	[tilespmem:s0+$0xFFFFFFE0] =	vst v1  }
0x35: {  	[tilespmem:s0+$0xFFFFFFD0] =	vst v1  }
0x36: {  	[tilespmem:$0xE200] =	vst v1  }
0x37: {  	[tilespmem:$0xBD90] =	vst v2  }
0x38: {  	[tilespmem:$0xC590] =	vst v2  }
0x39: {  	[tilespmem:$0xBDA0] =	vst v2  }
0x3a: {  	[tilespmem:$0xC5A0] =	vst v2  }
0x3b: {  	[tilespmem:$0xBDB0] =	vst v2  }
0x3c: {  	[tilespmem:$0xC5B0] =	vst v2  }
0x3d: {  	[tilespmem:$0xBDC0] =	vst v2  }
0x3e: {  	[tilespmem:$0xC5C0] =	vst v2  }
0x3f: {  	[tilespmem:$0xBDD0] =	vst v2  }
0x40: {  	[tilespmem:$0xC5D0] =	vst v2  }
0x41: {  	[tilespmem:$0xBDE0] =	vst v2  }
0x42: {  	[tilespmem:$0xC5E0] =	vst v2  }
0x43: {  	[tilespmem:$0xBDF0] =	vst v2  }
0x44: {  	[tilespmem:$0xC5F0] =	vst v2  }
0x45: {  	[tilespmem:$0xBE00] =	vst v2  }
0x46: {  	[tilespmem:$0xC600] =	vst v2  }
0x47: {  	[tilespmem:$0xBE10] =	vst v2  }
0x48: {  	[tilespmem:$0xC610] =	vst v2  }
0x49: {  	[tilespmem:$0xBE20] =	vst v2  }
0x4a: {  	[tilespmem:$0xC620] =	vst v2  }
0x4b: {  	[tilespmem:$0xBE30] =	vst v2  }
0x4c: {  	[tilespmem:$0xC630] =	vst v2  }
0x4d: {  	[tilespmem:$0xBE40] =	vst v2  }
0x4e: {  	[tilespmem:$0xC640] =	vst v2  }
0x4f: {  	[tilespmem:$0xBE50] =	vst v2  }
0x50: {  	[tilespmem:$0xC650] =	vst v2  }
0x51: {  	[tilespmem:$0xBE60] =	vst v2  }
0x52: {  	[tilespmem:$0xC660] =	vst v2  }
0x53: {  	[tilespmem:$0xBE70] =	vst v2  }
0x54: {  	[tilespmem:$0xC670] =	vst v2  }
0x55: {  	[spmem:s6] =	stream.linear.scatter [tilespmem:s13], [sflag:$0x3], $0x1390, $0x38;
	[tilespmem:$0xF610] =	vst v63  }
0x56: {  	_ =	swait.ge [sflag:s14], $0x1390  }
0x57: {  	[sflag:s14] =	ssyncset.done $0x0  }
0x58: {  	s0 =	simm.s32 @!p0 $0x0;
	s1 =	simm.s32 @!p0 $0xCE80;
	[sflag:s14] =	ssyncadd.s32 $0xFFFFEC70  }
0x59: {  	[hbm4b:s7+s0] =	stream.linear.scatter @!p0 [tilespmem:s1], [sflag:$0x3], $0x780, $0x38;
	[tilespmem:$0xF610] =	vst v63  }
0x5a: {  	s0 =	simm.s32 @!p0 $0x3  }
0x5b: {  	_ =	swait.ge @!p0 [sflag:s0], $0x780  }
0x5c: {  	[sflag:s0] =	ssyncset.done @!p0 $0x0  }
0x5d: {  	[sflag:s0] =	ssyncadd.s32 @!p0 $0xFFFFF880  }
0x5e: {  	_ =	swait.ge [sflag:s15], $0x2780  }
0x5f: {  	[sflag:s15] =	ssyncset.done $0x0  }
0x60: {  	[sflag:s15] =	ssyncadd.s32 $0xFFFFD880  }
0x61: {  	_ =	swait.ge [sflag:s15], $0x2710  }
0x62: {  	[sflag:s15] =	ssyncset.done $0x0  }
0x63: {  	[sflag:s15] =	ssyncadd.s32 $0xFFFFD8F0  }
0x64: {  	_ =	swait.ge [sflag:s15], $0x2710  }
0x65: {  	[sflag:s15] =	ssyncset.done $0x0  }
0x66: {  	[sflag:s15] =	ssyncadd.s32 $0xFFFFD8F0  }
0x67: {  	[bflag:$0x0] =	sbarrier.arrive $0xFFFF  }
0x68: {  	v5 =	vld [tilespmem:$0x2780]  }
0x69: {  	v6 =	vld [tilespmem:$0x4F00];
	_ =	sdelay $0x4  }
0x6a: {  	v4 =	vld [tilespmem:$0x2790]  }
0x6b: {  	v3 =	vld [tilespmem:$0x4F10]  }
0x6c: {  	v7 =	vld.idx.msk [tilespmem:v5+s3+$0x0], $0xffff  }
0x6d: {  	v8 =	vld.idx.msk [tilespmem:v6+s3+$0x0], $0xffff;
	_ =	sdelay $0x2  }
0x6e: {  	v6 =	vshll.u32 v6, $0x3  }
0x6f: {  	s12 =	simm.s32 $0x76A0;
	v5 =	vshll.u32 v5, $0x3;
	v6 =	vadd.s32 v7, v6  }
0x70: {  	s17 =	simm.s32 $0x7EA0;
	v5 =	vadd.s32 v5, v8;
	[tilespmem:s12+$0xFFFFFFE0] =	vst v6  }
0x71: {  	[tilespmem:s17+$0xFFFFFFE0] =	vst v5  }
0x72: {  	s19 =	simm.s32 $0x27D0;
	s20 =	simm.s32 $0x4F50;
	v8 =	vld.idx.msk [tilespmem:v4+s3+$0x0], $0xffff  }
0x73: {  	s31 =	simm.s32 $0x2810;
	s21 =	simm.s32 $0x4;
	s22 =	simm.s32 $0x76E0;
	v7 =	vld.idx.msk [tilespmem:v3+s3+$0x0], $0xffff  }
0x74: {  	s23 =	simm.s32 $0x7EE0;
	s24 =	simm.s32 $0x2850;
	s25 =	simm.s32 $0x4FD0;
	v5 =	vld [tilespmem:s19+$0xFFFFFFD0]  }
0x75: {  	s11 =	simm.s32 $0x76E0;
	s1 =	simm.s32 $0x4F90;
	s0 =	simm.s32 $0x7EE0;
	v6 =	vld [tilespmem:s20+$0xFFFFFFD0]  }
.LBB2_6:
0x76: {  	s21 =	sadd.s32 $0x4, s21;
	s22 =	sadd.s32 $0x40, s22;
	s23 =	sadd.s32 $0x40, s23  }
0x77: {  	v3 =	vshll.u32 v3, $0x3;
	p1 =	slt.u32 s21, $0x78  }
0x78: {  	v4 =	vshll.u32 v4, $0x3;
	v3 =	vadd.s32 v3, v8  }
0x79: {  	[tilespmem:s12+$0xFFFFFFF0] =	vst v3;
	v3 =	vadd.s32 v4, v7  }
0x7a: {  	[tilespmem:s17+$0xFFFFFFF0] =	vst v3  }
0x7b: {  	v3 =	vld [tilespmem:s19+$0xFFFFFFE0]  }
0x7c: {  	v4 =	vld.idx.msk [tilespmem:v5+s3+$0x0], $0xffff  }
0x7d: {  	v7 =	vld.idx.msk [tilespmem:v6+s3+$0x0], $0xffff  }
0x7e: {  	v8 =	vld [tilespmem:s20+$0xFFFFFFE0];
	_ =	sdelay $0x2  }
0x7f: {  	v6 =	vshll.u32 v6, $0x3  }
0x80: {  	v5 =	vshll.u32 v5, $0x3;
	v4 =	vadd.s32 v6, v4  }
0x81: {  	[tilespmem:s12+$0x0] =	vst v4;
	v4 =	vadd.s32 v5, v7  }
0x82: {  	[tilespmem:s17+$0x0] =	vst v4  }
0x83: {  	v4 =	vld.idx.msk [tilespmem:v3+s3+$0x0], $0xffff  }
0x84: {  	v5 =	vld.idx.msk [tilespmem:v8+s3+$0x0], $0xffff  }
0x85: {  	v6 =	vld [tilespmem:s19+$0xFFFFFFF0]  }
0x86: {  	v7 =	vld [tilespmem:s20+$0xFFFFFFF0];
	_ =	sdelay $0x1  }
0x87: {  	v8 =	vshll.u32 v8, $0x3  }
0x88: {  	v3 =	vshll.u32 v3, $0x3;
	v4 =	vadd.s32 v8, v4  }
0x89: {  	v3 =	vadd.s32 v3, v5;
	[tilespmem:s12+$0x10] =	vst v4;
	s12 =	smov.u32 s11;
	s11 =	smov.u32 s22  }
0x8a: {  	[tilespmem:s17+$0x10] =	vst v3;
	s17 =	smov.u32 s0;
	s0 =	smov.u32 s23  }
0x8b: {  	v3 =	vld [tilespmem:s20+$0x0];
	s20 =	smov.u32 s1;
	s1 =	smov.u32 s25  }
0x8c: {  	v5 =	vld.idx.msk [tilespmem:v6+s3+$0x0], $0xffff  }
0x8d: {  	v4 =	vld [tilespmem:s19+$0x0];
	s19 =	smov.u32 s31;
	s31 =	smov.u32 s24  }
0x8e: {  	v8 =	vld.idx.msk [tilespmem:v7+s3+$0x0], $0xffff;
	_ =	sdelay $0x1  }
0x8f: {  	v7 =	vshll.u32 v7, $0x3  }
0x90: {  	v5 =	vadd.s32 v5, v7  }
0x91: {  	[tilespmem:s12+$0xFFFFFFE0] =	vst v5;
	v5 =	vshll.u32 v6, $0x3  }
0x92: {  	v5 =	vadd.s32 v5, v8  }
.Ltmp2:
0x93: {  	[tilespmem:s17+$0xFFFFFFE0] =	vst v5;
	(pc) =	sbr.rel @p1 .LBB2_6-.Ltmp2, $4  }
0x94: {  	v8 =	vld.idx.msk [tilespmem:v4+s3+$0x0], $0xffff  }
0x95: {  	v7 =	vld.idx.msk [tilespmem:v3+s3+$0x0], $0xffff  }
0x96: {  	v5 =	vld [tilespmem:s19+$0xFFFFFFD0]  }
0x97: {  	s25 =	sadd.s32 $0x40, s25;
	s24 =	sadd.s32 $0x40, s24;
	v6 =	vld [tilespmem:s20+$0xFFFFFFD0]  }
0x98: {  	_ =	sdelay $0x1  }
0x99: {  	v3 =	vshll.u32 v3, $0x3  }
0x9a: {  	v4 =	vshll.u32 v4, $0x3;
	v3 =	vadd.s32 v3, v8  }
0x9b: {  	[tilespmem:s12+$0xFFFFFFF0] =	vst v3;
	v3 =	vadd.s32 v4, v7  }
0x9c: {  	[tilespmem:s17+$0xFFFFFFF0] =	vst v3  }
0x9d: {  	v3 =	vld [tilespmem:s19+$0xFFFFFFE0]  }
0x9e: {  	v4 =	vld.idx.msk [tilespmem:v5+s3+$0x0], $0xffff  }
0x9f: {  	v7 =	vld.idx.msk [tilespmem:v6+s3+$0x0], $0xffff  }
0xa0: {  	v8 =	vld [tilespmem:s20+$0xFFFFFFE0];
	_ =	sdelay $0x2  }
0xa1: {  	v6 =	vshll.u32 v6, $0x3  }
0xa2: {  	v5 =	vshll.u32 v5, $0x3;
	v4 =	vadd.s32 v6, v4  }
0xa3: {  	[tilespmem:s12+$0x0] =	vst v4;
	v4 =	vadd.s32 v5, v7  }
0xa4: {  	[tilespmem:s17+$0x0] =	vst v4  }
0xa5: {  	v4 =	vld.idx.msk [tilespmem:v3+s3+$0x0], $0xffff  }
0xa6: {  	v5 =	vld.idx.msk [tilespmem:v8+s3+$0x0], $0xffff  }
0xa7: {  	v6 =	vld [tilespmem:s19+$0xFFFFFFF0];
	_ =	sdelay $0x1  }
0xa8: {  	v7 =	vld [tilespmem:s20+$0xFFFFFFF0]  }
0xa9: {  	v8 =	vshll.u32 v8, $0x3  }
0xaa: {  	v3 =	vshll.u32 v3, $0x3;
	v4 =	vadd.s32 v8, v4  }
0xab: {  	v3 =	vadd.s32 v3, v5;
	[tilespmem:s12+$0x10] =	vst v4  }
0xac: {  	[tilespmem:s17+$0x10] =	vst v3  }
0xad: {  	v3 =	vld [tilespmem:s20+$0x0]  }
0xae: {  	v4 =	vld.idx.msk [tilespmem:v6+s3+$0x0], $0xffff  }
0xaf: {  	v5 =	vld [tilespmem:s19+$0x0]  }
0xb0: {  	v8 =	vld.idx.msk [tilespmem:v7+s3+$0x0], $0xffff;
	_ =	sdelay $0x2  }
0xb1: {  	v7 =	vshll.u32 v7, $0x3  }
0xb2: {  	v6 =	vshll.u32 v6, $0x3;
	v4 =	vadd.s32 v4, v7  }
0xb3: {  	[tilespmem:s11+$0xFFFFFFE0] =	vst v4;
	v4 =	vadd.s32 v6, v8  }
0xb4: {  	[tilespmem:s0+$0xFFFFFFE0] =	vst v4  }
0xb5: {  	v4 =	vld.idx.msk [tilespmem:v5+s3+$0x0], $0xffff  }
0xb6: {  	v6 =	vld.idx.msk [tilespmem:v3+s3+$0x0], $0xffff  }
0xb7: {  	v7 =	vld [tilespmem:s31+$0xFFFFFFD0]  }
0xb8: {  	v8 =	vld [tilespmem:s1+$0xFFFFFFD0];
	_ =	sdelay $0x1  }
0xb9: {  	v3 =	vshll.u32 v3, $0x3  }
0xba: {  	v3 =	vadd.s32 v3, v4;
	v4 =	vshll.u32 v5, $0x3  }
0xbb: {  	[tilespmem:s11+$0xFFFFFFF0] =	vst v3;
	v3 =	vadd.s32 v4, v6  }
0xbc: {  	[tilespmem:s0+$0xFFFFFFF0] =	vst v3  }
0xbd: {  	v3 =	vld [tilespmem:s31+$0xFFFFFFE0]  }
0xbe: {  	v4 =	vld.idx.msk [tilespmem:v7+s3+$0x0], $0xffff  }
0xbf: {  	v5 =	vld.idx.msk [tilespmem:v8+s3+$0x0], $0xffff  }
0xc0: {  	v6 =	vld [tilespmem:s1+$0xFFFFFFE0];
	_ =	sdelay $0x2  }
0xc1: {  	v8 =	vshll.u32 v8, $0x3  }
0xc2: {  	v7 =	vshll.u32 v7, $0x3;
	v4 =	vadd.s32 v8, v4  }
0xc3: {  	[tilespmem:s11+$0x0] =	vst v4;
	v4 =	vadd.s32 v7, v5  }
0xc4: {  	[tilespmem:s0+$0x0] =	vst v4  }
0xc5: {  	v4 =	vld.idx.msk [tilespmem:v3+s3+$0x0], $0xffff  }
0xc6: {  	v5 =	vld.idx.msk [tilespmem:v6+s3+$0x0], $0xffff  }
0xc7: {  	v7 =	vld [tilespmem:s31+$0xFFFFFFF0];
	_ =	sdelay $0x1  }
0xc8: {  	v8 =	vld [tilespmem:s1+$0xFFFFFFF0]  }
0xc9: {  	v6 =	vshll.u32 v6, $0x3  }
0xca: {  	v3 =	vshll.u32 v3, $0x3;
	v4 =	vadd.s32 v6, v4  }
0xcb: {  	v3 =	vadd.s32 v3, v5;
	[tilespmem:s11+$0x10] =	vst v4  }
0xcc: {  	[tilespmem:s0+$0x10] =	vst v3  }
0xcd: {  	v3 =	vld [tilespmem:s1+$0x0]  }
0xce: {  	v4 =	vld.idx.msk [tilespmem:v7+s3+$0x0], $0xffff  }
0xcf: {  	v5 =	vld [tilespmem:s31+$0x0]  }
0xd0: {  	v6 =	vld.idx.msk [tilespmem:v8+s3+$0x0], $0xffff;
	_ =	sdelay $0x2  }
0xd1: {  	v8 =	vshll.u32 v8, $0x3  }
0xd2: {  	v7 =	vshll.u32 v7, $0x3;
	v4 =	vadd.s32 v4, v8  }
0xd3: {  	v8 =	vld [tilespmem:$0x56E0];
	[tilespmem:$0x7E40] =	vst v4;
	v4 =	vadd.s32 v7, v6  }
0xd4: {  	v7 =	vld [tilespmem:$0x2F60];
	[tilespmem:$0x8640] =	vst v4  }
0xd5: {  	v4 =	vld.idx.msk [tilespmem:v5+s3+$0x0], $0xffff  }
0xd6: {  	v6 =	vld.idx.msk [tilespmem:v3+s3+$0x0], $0xffff;
	_ =	sdelay $0x2  }
0xd7: {  	v3 =	vshll.u32 v3, $0x3  }
0xd8: {  	v3 =	vadd.s32 v3, v4;
	v4 =	vshll.u32 v5, $0x3  }
0xd9: {  	v5 =	vld [tilespmem:$0x2F70];
	[tilespmem:$0x7E50] =	vst v3;
	v3 =	vadd.s32 v4, v6  }
0xda: {  	v6 =	vld [tilespmem:$0x56F0];
	[tilespmem:$0x8650] =	vst v3  }
0xdb: {  	v3 =	vld.idx.msk [tilespmem:v7+s3+$0x0], $0xffff  }
0xdc: {  	v4 =	vld.idx.msk [tilespmem:v8+s3+$0x0], $0xffff;
	_ =	sdelay $0x2  }
0xdd: {  	v8 =	vshll.u32 v8, $0x3  }
0xde: {  	v7 =	vshll.u32 v7, $0x3;
	v3 =	vadd.s32 v8, v3  }
0xdf: {  	[tilespmem:$0x7E60] =	vst v3;
	v3 =	vadd.s32 v7, v4  }
0xe0: {  	[tilespmem:$0x8660] =	vst v3  }
0xe1: {  	v3 =	vld.idx.msk [tilespmem:v5+s3+$0x0], $0xffff  }
0xe2: {  	v4 =	vld.idx.msk [tilespmem:v6+s3+$0x0], $0xffff;
	_ =	sdelay $0x2  }
0xe3: {  	v6 =	vshll.u32 v6, $0x3  }
0xe4: {  	v5 =	vshll.u32 v5, $0x3;
	v3 =	vadd.s32 v6, v3  }
0xe5: {  	[tilespmem:$0x7E70] =	vst v3;
	v3 =	vadd.s32 v5, v4  }
0xe6: {  	s24 =	simm.s32 $0x7680;
	[tilespmem:$0x8670] =	vst v3  }
0xe7: {  	[spmem:s2] =	stream.indirect.scatter.add.f32 [tilespmem:s18], [sflag:$0x2], $0x1, s24, s16, $0xb8;
	[tilespmem:$0xF610] =	vst v63  }
0xe8: {  	s25 =	simm.s32 $0x7E80  }
0xe9: {  	[spmem:s2] =	stream.indirect.scatter.add.f32 [tilespmem:s18], [sflag:$0x2], $0x1, s25, s16, $0xb8;
	[tilespmem:$0xF610] =	vst v63  }
0xea: {  	v5 =	vld [tilespmem:$0x2F80]  }
0xeb: {  	v6 =	vld [tilespmem:$0x5700];
	_ =	sdelay $0x4  }
0xec: {  	v4 =	vld [tilespmem:$0x2F90]  }
0xed: {  	v3 =	vld [tilespmem:$0x5710]  }
0xee: {  	v7 =	vld.idx.msk [tilespmem:v5+s3+$0x0], $0xffff  }
0xef: {  	v8 =	vld.idx.msk [tilespmem:v6+s3+$0x0], $0xffff;
	_ =	sdelay $0x2  }
0xf0: {  	v6 =	vshll.u32 v6, $0x3  }
0xf1: {  	s12 =	simm.s32 $0x86A0;
	v5 =	vshll.u32 v5, $0x3;
	v6 =	vadd.s32 v7, v6  }
0xf2: {  	s17 =	simm.s32 $0x8EA0;
	v5 =	vadd.s32 v5, v8;
	[tilespmem:s12+$0xFFFFFFE0] =	vst v6  }
0xf3: {  	[tilespmem:s17+$0xFFFFFFE0] =	vst v5  }
0xf4: {  	s21 =	simm.s32 $0x4;
	s22 =	simm.s32 $0x3010;
	v8 =	vld.idx.msk [tilespmem:v4+s3+$0x0], $0xffff  }
0xf5: {  	s23 =	simm.s32 $0x5790;
	s19 =	simm.s32 $0x2FD0;
	s20 =	simm.s32 $0x5750;
	v7 =	vld.idx.msk [tilespmem:v3+s3+$0x0], $0xffff  }
0xf6: {  	s11 =	simm.s32 $0x5790;
	s0 =	simm.s32 $0x3010;
	s1 =	simm.s32 $0x8EE0;
	v5 =	vld [tilespmem:s19+$0xFFFFFFD0]  }
0xf7: {  	s31 =	simm.s32 $0x86E0;
	s24 =	simm.s32 $0x8F20;
	s25 =	simm.s32 $0x8720;
	v6 =	vld [tilespmem:s20+$0xFFFFFFD0]  }
.LBB2_8:
0xf8: {  	s21 =	sadd.s32 $0x4, s21;
	s22 =	sadd.s32 $0x40, s22;
	s23 =	sadd.s32 $0x40, s23  }
0xf9: {  	v3 =	vshll.u32 v3, $0x3;
	p1 =	slt.u32 s21, $0x78  }
0xfa: {  	v4 =	vshll.u32 v4, $0x3;
	v3 =	vadd.s32 v3, v8  }
0xfb: {  	[tilespmem:s12+$0xFFFFFFF0] =	vst v3;
	v3 =	vadd.s32 v4, v7  }
0xfc: {  	[tilespmem:s17+$0xFFFFFFF0] =	vst v3  }
0xfd: {  	v3 =	vld [tilespmem:s19+$0xFFFFFFE0]  }
0xfe: {  	v4 =	vld.idx.msk [tilespmem:v5+s3+$0x0], $0xffff  }
0xff: {  	v7 =	vld.idx.msk [tilespmem:v6+s3+$0x0], $0xffff  }
0x100: {  	v8 =	vld [tilespmem:s20+$0xFFFFFFE0];
	_ =	sdelay $0x2  }
0x101: {  	v6 =	vshll.u32 v6, $0x3  }
0x102: {  	v5 =	vshll.u32 v5, $0x3;
	v4 =	vadd.s32 v6, v4  }
0x103: {  	[tilespmem:s12+$0x0] =	vst v4;
	v4 =	vadd.s32 v5, v7  }
0x104: {  	[tilespmem:s17+$0x0] =	vst v4  }
0x105: {  	v4 =	vld.idx.msk [tilespmem:v3+s3+$0x0], $0xffff  }
0x106: {  	v5 =	vld.idx.msk [tilespmem:v8+s3+$0x0], $0xffff  }
0x107: {  	v6 =	vld [tilespmem:s19+$0xFFFFFFF0]  }
0x108: {  	v7 =	vld [tilespmem:s20+$0xFFFFFFF0];
	_ =	sdelay $0x1  }
0x109: {  	v8 =	vshll.u32 v8, $0x3  }
0x10a: {  	v3 =	vshll.u32 v3, $0x3;
	v4 =	vadd.s32 v8, v4  }
0x10b: {  	v3 =	vadd.s32 v3, v5;
	[tilespmem:s12+$0x10] =	vst v4;
	s12 =	smov.u32 s31;
	s31 =	smov.u32 s25  }
0x10c: {  	[tilespmem:s17+$0x10] =	vst v3;
	s17 =	smov.u32 s1;
	s1 =	smov.u32 s24  }
0x10d: {  	v3 =	vld [tilespmem:s20+$0x0];
	s20 =	smov.u32 s11;
	s11 =	smov.u32 s23  }
0x10e: {  	v5 =	vld.idx.msk [tilespmem:v6+s3+$0x0], $0xffff  }
0x10f: {  	v4 =	vld [tilespmem:s19+$0x0];
	s19 =	smov.u32 s0;
	s0 =	smov.u32 s22  }
0x110: {  	v8 =	vld.idx.msk [tilespmem:v7+s3+$0x0], $0xffff;
	_ =	sdelay $0x1  }
0x111: {  	v7 =	vshll.u32 v7, $0x3  }
0x112: {  	v5 =	vadd.s32 v5, v7  }
0x113: {  	[tilespmem:s12+$0xFFFFFFE0] =	vst v5;
	v5 =	vshll.u32 v6, $0x3  }
0x114: {  	v5 =	vadd.s32 v5, v8  }
.Ltmp3:
0x115: {  	[tilespmem:s17+$0xFFFFFFE0] =	vst v5;
	(pc) =	sbr.rel @p1 .LBB2_8-.Ltmp3, $4  }
0x116: {  	v8 =	vld.idx.msk [tilespmem:v4+s3+$0x0], $0xffff  }
0x117: {  	v7 =	vld.idx.msk [tilespmem:v3+s3+$0x0], $0xffff  }
0x118: {  	v5 =	vld [tilespmem:s19+$0xFFFFFFD0]  }
0x119: {  	s25 =	sadd.s32 $0x40, s25;
	s24 =	sadd.s32 $0x40, s24;
	v6 =	vld [tilespmem:s20+$0xFFFFFFD0]  }
0x11a: {  	_ =	sdelay $0x1  }
0x11b: {  	v3 =	vshll.u32 v3, $0x3  }
0x11c: {  	v4 =	vshll.u32 v4, $0x3;
	v3 =	vadd.s32 v3, v8  }
0x11d: {  	[tilespmem:s12+$0xFFFFFFF0] =	vst v3;
	v3 =	vadd.s32 v4, v7  }
0x11e: {  	[tilespmem:s17+$0xFFFFFFF0] =	vst v3  }
0x11f: {  	v3 =	vld [tilespmem:s19+$0xFFFFFFE0]  }
0x120: {  	v4 =	vld.idx.msk [tilespmem:v5+s3+$0x0], $0xffff  }
0x121: {  	v7 =	vld.idx.msk [tilespmem:v6+s3+$0x0], $0xffff  }
0x122: {  	v8 =	vld [tilespmem:s20+$0xFFFFFFE0];
	_ =	sdelay $0x2  }
0x123: {  	v6 =	vshll.u32 v6, $0x3  }
0x124: {  	v5 =	vshll.u32 v5, $0x3;
	v4 =	vadd.s32 v6, v4  }
0x125: {  	[tilespmem:s12+$0x0] =	vst v4;
	v4 =	vadd.s32 v5, v7  }
0x126: {  	[tilespmem:s17+$0x0] =	vst v4  }
0x127: {  	v4 =	vld.idx.msk [tilespmem:v3+s3+$0x0], $0xffff  }
0x128: {  	v5 =	vld.idx.msk [tilespmem:v8+s3+$0x0], $0xffff  }
0x129: {  	v6 =	vld [tilespmem:s19+$0xFFFFFFF0];
	_ =	sdelay $0x1  }
0x12a: {  	v7 =	vld [tilespmem:s20+$0xFFFFFFF0]  }
0x12b: {  	v8 =	vshll.u32 v8, $0x3  }
0x12c: {  	v3 =	vshll.u32 v3, $0x3;
	v4 =	vadd.s32 v8, v4  }
0x12d: {  	v3 =	vadd.s32 v3, v5;
	[tilespmem:s12+$0x10] =	vst v4  }
0x12e: {  	[tilespmem:s17+$0x10] =	vst v3  }
0x12f: {  	v3 =	vld [tilespmem:s20+$0x0]  }
0x130: {  	v4 =	vld.idx.msk [tilespmem:v6+s3+$0x0], $0xffff  }
0x131: {  	v5 =	vld [tilespmem:s19+$0x0]  }
0x132: {  	v8 =	vld.idx.msk [tilespmem:v7+s3+$0x0], $0xffff;
	_ =	sdelay $0x2  }
0x133: {  	v7 =	vshll.u32 v7, $0x3  }
0x134: {  	v6 =	vshll.u32 v6, $0x3;
	v4 =	vadd.s32 v4, v7  }
0x135: {  	[tilespmem:s31+$0xFFFFFFE0] =	vst v4;
	v4 =	vadd.s32 v6, v8  }
0x136: {  	[tilespmem:s1+$0xFFFFFFE0] =	vst v4  }
0x137: {  	v4 =	vld.idx.msk [tilespmem:v5+s3+$0x0], $0xffff  }
0x138: {  	v6 =	vld.idx.msk [tilespmem:v3+s3+$0x0], $0xffff  }
0x139: {  	v7 =	vld [tilespmem:s0+$0xFFFFFFD0]  }
0x13a: {  	v8 =	vld [tilespmem:s11+$0xFFFFFFD0];
	_ =	sdelay $0x1  }
0x13b: {  	v3 =	vshll.u32 v3, $0x3  }
0x13c: {  	v3 =	vadd.s32 v3, v4;
	v4 =	vshll.u32 v5, $0x3  }
0x13d: {  	[tilespmem:s31+$0xFFFFFFF0] =	vst v3;
	v3 =	vadd.s32 v4, v6  }
0x13e: {  	[tilespmem:s1+$0xFFFFFFF0] =	vst v3  }
0x13f: {  	v3 =	vld [tilespmem:s0+$0xFFFFFFE0]  }
0x140: {  	v4 =	vld.idx.msk [tilespmem:v7+s3+$0x0], $0xffff  }
0x141: {  	v5 =	vld.idx.msk [tilespmem:v8+s3+$0x0], $0xffff  }
0x142: {  	v6 =	vld [tilespmem:s11+$0xFFFFFFE0];
	_ =	sdelay $0x2  }
0x143: {  	v8 =	vshll.u32 v8, $0x3  }
0x144: {  	v7 =	vshll.u32 v7, $0x3;
	v4 =	vadd.s32 v8, v4  }
0x145: {  	[tilespmem:s31+$0x0] =	vst v4;
	v4 =	vadd.s32 v7, v5  }
0x146: {  	[tilespmem:s1+$0x0] =	vst v4  }
0x147: {  	v4 =	vld.idx.msk [tilespmem:v3+s3+$0x0], $0xffff  }
0x148: {  	v5 =	vld.idx.msk [tilespmem:v6+s3+$0x0], $0xffff  }
0x149: {  	v7 =	vld [tilespmem:s0+$0xFFFFFFF0];
	_ =	sdelay $0x1  }
0x14a: {  	v8 =	vld [tilespmem:s11+$0xFFFFFFF0]  }
0x14b: {  	v6 =	vshll.u32 v6, $0x3  }
0x14c: {  	v3 =	vshll.u32 v3, $0x3;
	v4 =	vadd.s32 v6, v4  }
0x14d: {  	v3 =	vadd.s32 v3, v5;
	[tilespmem:s31+$0x10] =	vst v4  }
0x14e: {  	[tilespmem:s1+$0x10] =	vst v3  }
0x14f: {  	v3 =	vld [tilespmem:s11+$0x0]  }
0x150: {  	v4 =	vld.idx.msk [tilespmem:v7+s3+$0x0], $0xffff  }
0x151: {  	v5 =	vld [tilespmem:s0+$0x0]  }
0x152: {  	v6 =	vld.idx.msk [tilespmem:v8+s3+$0x0], $0xffff;
	_ =	sdelay $0x2  }
0x153: {  	v8 =	vshll.u32 v8, $0x3  }
0x154: {  	v7 =	vshll.u32 v7, $0x3;
	v4 =	vadd.s32 v4, v8  }
0x155: {  	v8 =	vld [tilespmem:$0x5EE0];
	[tilespmem:$0x8E40] =	vst v4;
	v4 =	vadd.s32 v7, v6  }
0x156: {  	v7 =	vld [tilespmem:$0x3760];
	[tilespmem:$0x9640] =	vst v4  }
0x157: {  	v4 =	vld.idx.msk [tilespmem:v5+s3+$0x0], $0xffff  }
0x158: {  	v6 =	vld.idx.msk [tilespmem:v3+s3+$0x0], $0xffff;
	_ =	sdelay $0x2  }
0x159: {  	v3 =	vshll.u32 v3, $0x3  }
0x15a: {  	v3 =	vadd.s32 v3, v4;
	v4 =	vshll.u32 v5, $0x3  }
0x15b: {  	v5 =	vld [tilespmem:$0x3770];
	[tilespmem:$0x8E50] =	vst v3;
	v3 =	vadd.s32 v4, v6  }
0x15c: {  	v6 =	vld [tilespmem:$0x5EF0];
	[tilespmem:$0x9650] =	vst v3  }
0x15d: {  	v3 =	vld.idx.msk [tilespmem:v7+s3+$0x0], $0xffff  }
0x15e: {  	v4 =	vld.idx.msk [tilespmem:v8+s3+$0x0], $0xffff;
	_ =	sdelay $0x2  }
0x15f: {  	v8 =	vshll.u32 v8, $0x3  }
0x160: {  	v7 =	vshll.u32 v7, $0x3;
	v3 =	vadd.s32 v8, v3  }
0x161: {  	[tilespmem:$0x8E60] =	vst v3;
	v3 =	vadd.s32 v7, v4  }
0x162: {  	[tilespmem:$0x9660] =	vst v3  }
0x163: {  	v3 =	vld.idx.msk [tilespmem:v5+s3+$0x0], $0xffff  }
0x164: {  	v4 =	vld.idx.msk [tilespmem:v6+s3+$0x0], $0xffff;
	_ =	sdelay $0x2  }
0x165: {  	v6 =	vshll.u32 v6, $0x3  }
0x166: {  	v5 =	vshll.u32 v5, $0x3;
	v3 =	vadd.s32 v6, v3  }
0x167: {  	[tilespmem:$0x8E70] =	vst v3;
	v3 =	vadd.s32 v5, v4  }
0x168: {  	s24 =	simm.s32 $0x8680;
	[tilespmem:$0x9670] =	vst v3  }
0x169: {  	[spmem:s2] =	stream.indirect.scatter.add.f32 [tilespmem:s18], [sflag:$0x2], $0x1, s24, s16, $0xb8;
	[tilespmem:$0xF610] =	vst v63  }
0x16a: {  	s25 =	simm.s32 $0x8E80  }
0x16b: {  	[spmem:s2] =	stream.indirect.scatter.add.f32 [tilespmem:s18], [sflag:$0x2], $0x1, s25, s16, $0xb8;
	[tilespmem:$0xF610] =	vst v63  }
0x16c: {  	v5 =	vld [tilespmem:$0x3780]  }
0x16d: {  	v6 =	vld [tilespmem:$0x5F00];
	_ =	sdelay $0x4  }
0x16e: {  	v4 =	vld [tilespmem:$0x3790]  }
0x16f: {  	v3 =	vld [tilespmem:$0x5F10]  }
0x170: {  	v7 =	vld.idx.msk [tilespmem:v5+s3+$0x0], $0xffff  }
0x171: {  	v8 =	vld.idx.msk [tilespmem:v6+s3+$0x0], $0xffff;
	_ =	sdelay $0x2  }
0x172: {  	v6 =	vshll.u32 v6, $0x3  }
0x173: {  	s12 =	simm.s32 $0x96A0;
	v5 =	vshll.u32 v5, $0x3;
	v6 =	vadd.s32 v7, v6  }
0x174: {  	s17 =	simm.s32 $0x9EA0;
	v5 =	vadd.s32 v5, v8;
	[tilespmem:s12+$0xFFFFFFE0] =	vst v6  }
0x175: {  	[tilespmem:s17+$0xFFFFFFE0] =	vst v5  }
0x176: {  	s21 =	simm.s32 $0x4;
	s22 =	simm.s32 $0x3810;
	v8 =	vld.idx.msk [tilespmem:v4+s3+$0x0], $0xffff  }
0x177: {  	s23 =	simm.s32 $0x5F90;
	s19 =	simm.s32 $0x37D0;
	s20 =	simm.s32 $0x5F50;
	v7 =	vld.idx.msk [tilespmem:v3+s3+$0x0], $0xffff  }
0x178: {  	s31 =	simm.s32 $0x96E0;
	s1 =	simm.s32 $0x9EE0;
	s11 =	simm.s32 $0x5F90;
	v5 =	vld [tilespmem:s19+$0xFFFFFFD0]  }
0x179: {  	s0 =	simm.s32 $0x3810;
	s24 =	simm.s32 $0x9F20;
	s25 =	simm.s32 $0x9720;
	v6 =	vld [tilespmem:s20+$0xFFFFFFD0]  }
.LBB2_10:
0x17a: {  	s21 =	sadd.s32 $0x4, s21;
	s22 =	sadd.s32 $0x40, s22;
	s23 =	sadd.s32 $0x40, s23  }
0x17b: {  	v3 =	vshll.u32 v3, $0x3;
	p1 =	slt.u32 s21, $0x78  }
0x17c: {  	v4 =	vshll.u32 v4, $0x3;
	v3 =	vadd.s32 v3, v8  }
0x17d: {  	[tilespmem:s12+$0xFFFFFFF0] =	vst v3;
	v3 =	vadd.s32 v4, v7  }
0x17e: {  	[tilespmem:s17+$0xFFFFFFF0] =	vst v3  }
0x17f: {  	v3 =	vld [tilespmem:s19+$0xFFFFFFE0]  }
0x180: {  	v4 =	vld.idx.msk [tilespmem:v5+s3+$0x0], $0xffff  }
0x181: {  	v7 =	vld.idx.msk [tilespmem:v6+s3+$0x0], $0xffff  }
0x182: {  	v8 =	vld [tilespmem:s20+$0xFFFFFFE0];
	_ =	sdelay $0x2  }
0x183: {  	v6 =	vshll.u32 v6, $0x3  }
0x184: {  	v5 =	vshll.u32 v5, $0x3;
	v4 =	vadd.s32 v6, v4  }
0x185: {  	[tilespmem:s12+$0x0] =	vst v4;
	v4 =	vadd.s32 v5, v7  }
0x186: {  	[tilespmem:s17+$0x0] =	vst v4  }
0x187: {  	v4 =	vld.idx.msk [tilespmem:v3+s3+$0x0], $0xffff  }
0x188: {  	v5 =	vld.idx.msk [tilespmem:v8+s3+$0x0], $0xffff  }
0x189: {  	v6 =	vld [tilespmem:s19+$0xFFFFFFF0]  }
0x18a: {  	v7 =	vld [tilespmem:s20+$0xFFFFFFF0];
	_ =	sdelay $0x1  }
0x18b: {  	v8 =	vshll.u32 v8, $0x3  }
0x18c: {  	v3 =	vshll.u32 v3, $0x3;
	v4 =	vadd.s32 v8, v4  }
0x18d: {  	v3 =	vadd.s32 v3, v5;
	[tilespmem:s12+$0x10] =	vst v4;
	s12 =	smov.u32 s31;
	s31 =	smov.u32 s25  }
0x18e: {  	[tilespmem:s17+$0x10] =	vst v3;
	s17 =	smov.u32 s1;
	s1 =	smov.u32 s24  }
0x18f: {  	v3 =	vld [tilespmem:s20+$0x0];
	s20 =	smov.u32 s11;
	s11 =	smov.u32 s23  }
0x190: {  	v5 =	vld.idx.msk [tilespmem:v6+s3+$0x0], $0xffff  }
0x191: {  	v4 =	vld [tilespmem:s19+$0x0];
	s19 =	smov.u32 s0;
	s0 =	smov.u32 s22  }
0x192: {  	v8 =	vld.idx.msk [tilespmem:v7+s3+$0x0], $0xffff;
	_ =	sdelay $0x1  }
0x193: {  	v7 =	vshll.u32 v7, $0x3  }
0x194: {  	v5 =	vadd.s32 v5, v7  }
0x195: {  	[tilespmem:s12+$0xFFFFFFE0] =	vst v5;
	v5 =	vshll.u32 v6, $0x3  }
0x196: {  	v5 =	vadd.s32 v5, v8  }
.Ltmp4:
0x197: {  	[tilespmem:s17+$0xFFFFFFE0] =	vst v5;
	(pc) =	sbr.rel @p1 .LBB2_10-.Ltmp4, $4  }
0x198: {  	v8 =	vld.idx.msk [tilespmem:v4+s3+$0x0], $0xffff  }
0x199: {  	v7 =	vld.idx.msk [tilespmem:v3+s3+$0x0], $0xffff  }
0x19a: {  	v5 =	vld [tilespmem:s19+$0xFFFFFFD0]  }
0x19b: {  	s25 =	sadd.s32 $0x40, s25;
	s24 =	sadd.s32 $0x40, s24;
	v6 =	vld [tilespmem:s20+$0xFFFFFFD0]  }
0x19c: {  	_ =	sdelay $0x1  }
0x19d: {  	v3 =	vshll.u32 v3, $0x3  }
0x19e: {  	v4 =	vshll.u32 v4, $0x3;
	v3 =	vadd.s32 v3, v8  }
0x19f: {  	[tilespmem:s12+$0xFFFFFFF0] =	vst v3;
	v3 =	vadd.s32 v4, v7  }
0x1a0: {  	[tilespmem:s17+$0xFFFFFFF0] =	vst v3  }
0x1a1: {  	v3 =	vld [tilespmem:s19+$0xFFFFFFE0]  }
0x1a2: {  	v4 =	vld.idx.msk [tilespmem:v5+s3+$0x0], $0xffff  }
0x1a3: {  	v7 =	vld.idx.msk [tilespmem:v6+s3+$0x0], $0xffff  }
0x1a4: {  	v8 =	vld [tilespmem:s20+$0xFFFFFFE0];
	_ =	sdelay $0x2  }
0x1a5: {  	v6 =	vshll.u32 v6, $0x3  }
0x1a6: {  	v5 =	vshll.u32 v5, $0x3;
	v4 =	vadd.s32 v6, v4  }
0x1a7: {  	[tilespmem:s12+$0x0] =	vst v4;
	v4 =	vadd.s32 v5, v7  }
0x1a8: {  	[tilespmem:s17+$0x0] =	vst v4  }
0x1a9: {  	v4 =	vld.idx.msk [tilespmem:v3+s3+$0x0], $0xffff  }
0x1aa: {  	v5 =	vld.idx.msk [tilespmem:v8+s3+$0x0], $0xffff  }
0x1ab: {  	v6 =	vld [tilespmem:s19+$0xFFFFFFF0];
	_ =	sdelay $0x1  }
0x1ac: {  	v7 =	vld [tilespmem:s20+$0xFFFFFFF0]  }
0x1ad: {  	v8 =	vshll.u32 v8, $0x3  }
0x1ae: {  	v3 =	vshll.u32 v3, $0x3;
	v4 =	vadd.s32 v8, v4  }
0x1af: {  	v3 =	vadd.s32 v3, v5;
	[tilespmem:s12+$0x10] =	vst v4  }
0x1b0: {  	[tilespmem:s17+$0x10] =	vst v3  }
0x1b1: {  	v3 =	vld [tilespmem:s20+$0x0]  }
0x1b2: {  	v4 =	vld.idx.msk [tilespmem:v6+s3+$0x0], $0xffff  }
0x1b3: {  	v5 =	vld [tilespmem:s19+$0x0]  }
0x1b4: {  	v8 =	vld.idx.msk [tilespmem:v7+s3+$0x0], $0xffff;
	_ =	sdelay $0x2  }
0x1b5: {  	v7 =	vshll.u32 v7, $0x3  }
0x1b6: {  	v6 =	vshll.u32 v6, $0x3;
	v4 =	vadd.s32 v4, v7  }
0x1b7: {  	[tilespmem:s31+$0xFFFFFFE0] =	vst v4;
	v4 =	vadd.s32 v6, v8  }
0x1b8: {  	[tilespmem:s1+$0xFFFFFFE0] =	vst v4  }
0x1b9: {  	v4 =	vld.idx.msk [tilespmem:v5+s3+$0x0], $0xffff  }
0x1ba: {  	v6 =	vld.idx.msk [tilespmem:v3+s3+$0x0], $0xffff  }
0x1bb: {  	v7 =	vld [tilespmem:s0+$0xFFFFFFD0]  }
0x1bc: {  	v8 =	vld [tilespmem:s11+$0xFFFFFFD0];
	_ =	sdelay $0x1  }
0x1bd: {  	v3 =	vshll.u32 v3, $0x3  }
0x1be: {  	v3 =	vadd.s32 v3, v4;
	v4 =	vshll.u32 v5, $0x3  }
0x1bf: {  	[tilespmem:s31+$0xFFFFFFF0] =	vst v3;
	v3 =	vadd.s32 v4, v6  }
0x1c0: {  	[tilespmem:s1+$0xFFFFFFF0] =	vst v3  }
0x1c1: {  	v3 =	vld [tilespmem:s0+$0xFFFFFFE0]  }
0x1c2: {  	v4 =	vld.idx.msk [tilespmem:v7+s3+$0x0], $0xffff  }
0x1c3: {  	v5 =	vld.idx.msk [tilespmem:v8+s3+$0x0], $0xffff  }
0x1c4: {  	v6 =	vld [tilespmem:s11+$0xFFFFFFE0];
	_ =	sdelay $0x2  }
0x1c5: {  	v8 =	vshll.u32 v8, $0x3  }
0x1c6: {  	v7 =	vshll.u32 v7, $0x3;
	v4 =	vadd.s32 v8, v4  }
0x1c7: {  	[tilespmem:s31+$0x0] =	vst v4;
	v4 =	vadd.s32 v7, v5  }
0x1c8: {  	[tilespmem:s1+$0x0] =	vst v4  }
0x1c9: {  	v4 =	vld.idx.msk [tilespmem:v3+s3+$0x0], $0xffff  }
0x1ca: {  	v5 =	vld.idx.msk [tilespmem:v6+s3+$0x0], $0xffff  }
0x1cb: {  	v7 =	vld [tilespmem:s0+$0xFFFFFFF0];
	_ =	sdelay $0x1  }
0x1cc: {  	v8 =	vld [tilespmem:s11+$0xFFFFFFF0]  }
0x1cd: {  	v6 =	vshll.u32 v6, $0x3  }
0x1ce: {  	v3 =	vshll.u32 v3, $0x3;
	v4 =	vadd.s32 v6, v4  }
0x1cf: {  	v3 =	vadd.s32 v3, v5;
	[tilespmem:s31+$0x10] =	vst v4  }
0x1d0: {  	[tilespmem:s1+$0x10] =	vst v3  }
0x1d1: {  	v3 =	vld [tilespmem:s11+$0x0]  }
0x1d2: {  	v4 =	vld.idx.msk [tilespmem:v7+s3+$0x0], $0xffff  }
0x1d3: {  	v5 =	vld [tilespmem:s0+$0x0]  }
0x1d4: {  	v6 =	vld.idx.msk [tilespmem:v8+s3+$0x0], $0xffff;
	_ =	sdelay $0x2  }
0x1d5: {  	v8 =	vshll.u32 v8, $0x3  }
0x1d6: {  	v7 =	vshll.u32 v7, $0x3;
	v4 =	vadd.s32 v4, v8  }
0x1d7: {  	v8 =	vld [tilespmem:$0x66E0];
	[tilespmem:$0x9E40] =	vst v4;
	v4 =	vadd.s32 v7, v6  }
0x1d8: {  	v7 =	vld [tilespmem:$0x3F60];
	[tilespmem:$0xA640] =	vst v4  }
0x1d9: {  	v4 =	vld.idx.msk [tilespmem:v5+s3+$0x0], $0xffff  }
0x1da: {  	v6 =	vld.idx.msk [tilespmem:v3+s3+$0x0], $0xffff;
	_ =	sdelay $0x2  }
0x1db: {  	v3 =	vshll.u32 v3, $0x3  }
0x1dc: {  	v3 =	vadd.s32 v3, v4;
	v4 =	vshll.u32 v5, $0x3  }
0x1dd: {  	v5 =	vld [tilespmem:$0x3F70];
	[tilespmem:$0x9E50] =	vst v3;
	v3 =	vadd.s32 v4, v6  }
0x1de: {  	v6 =	vld [tilespmem:$0x66F0];
	[tilespmem:$0xA650] =	vst v3  }
0x1df: {  	v3 =	vld.idx.msk [tilespmem:v7+s3+$0x0], $0xffff  }
0x1e0: {  	v4 =	vld.idx.msk [tilespmem:v8+s3+$0x0], $0xffff;
	_ =	sdelay $0x2  }
0x1e1: {  	v8 =	vshll.u32 v8, $0x3  }
0x1e2: {  	v7 =	vshll.u32 v7, $0x3;
	v3 =	vadd.s32 v8, v3  }
0x1e3: {  	[tilespmem:$0x9E60] =	vst v3;
	v3 =	vadd.s32 v7, v4  }
0x1e4: {  	[tilespmem:$0xA660] =	vst v3  }
0x1e5: {  	v3 =	vld.idx.msk [tilespmem:v5+s3+$0x0], $0xffff  }
0x1e6: {  	v4 =	vld.idx.msk [tilespmem:v6+s3+$0x0], $0xffff;
	_ =	sdelay $0x2  }
0x1e7: {  	v6 =	vshll.u32 v6, $0x3  }
0x1e8: {  	v5 =	vshll.u32 v5, $0x3;
	v3 =	vadd.s32 v6, v3  }
0x1e9: {  	[tilespmem:$0x9E70] =	vst v3;
	v3 =	vadd.s32 v5, v4  }
0x1ea: {  	s24 =	simm.s32 $0x9680;
	[tilespmem:$0xA670] =	vst v3  }
0x1eb: {  	[spmem:s2] =	stream.indirect.scatter.add.f32 [tilespmem:s18], [sflag:$0x2], $0x1, s24, s16, $0xb8;
	[tilespmem:$0xF610] =	vst v63  }
0x1ec: {  	s25 =	simm.s32 $0x9E80  }
0x1ed: {  	[spmem:s2] =	stream.indirect.scatter.add.f32 [tilespmem:s18], [sflag:$0x2], $0x1, s25, s16, $0xb8;
	[tilespmem:$0xF610] =	vst v63  }
0x1ee: {  	v5 =	vld [tilespmem:$0x3F80]  }
0x1ef: {  	v6 =	vld [tilespmem:$0x6700];
	_ =	sdelay $0x4  }
0x1f0: {  	v4 =	vld [tilespmem:$0x3F90]  }
0x1f1: {  	v3 =	vld [tilespmem:$0x6710]  }
0x1f2: {  	v7 =	vld.idx.msk [tilespmem:v5+s3+$0x0], $0xffff  }
0x1f3: {  	v8 =	vld.idx.msk [tilespmem:v6+s3+$0x0], $0xffff;
	_ =	sdelay $0x2  }
0x1f4: {  	v6 =	vshll.u32 v6, $0x3  }
0x1f5: {  	s12 =	simm.s32 $0xA6A0;
	v5 =	vshll.u32 v5, $0x3;
	v6 =	vadd.s32 v7, v6  }
0x1f6: {  	s17 =	simm.s32 $0xAEA0;
	v5 =	vadd.s32 v5, v8;
	[tilespmem:s12+$0xFFFFFFE0] =	vst v6  }
0x1f7: {  	[tilespmem:s17+$0xFFFFFFE0] =	vst v5  }
0x1f8: {  	s21 =	simm.s32 $0x4;
	s22 =	simm.s32 $0x4010;
	v8 =	vld.idx.msk [tilespmem:v4+s3+$0x0], $0xffff  }
0x1f9: {  	s23 =	simm.s32 $0x6790;
	s19 =	simm.s32 $0x3FD0;
	s20 =	simm.s32 $0x6750;
	v7 =	vld.idx.msk [tilespmem:v3+s3+$0x0], $0xffff  }
0x1fa: {  	s31 =	simm.s32 $0xA6E0;
	s1 =	simm.s32 $0xAEE0;
	s11 =	simm.s32 $0x6790;
	v5 =	vld [tilespmem:s19+$0xFFFFFFD0]  }
0x1fb: {  	s0 =	simm.s32 $0x4010;
	s24 =	simm.s32 $0xAF20;
	s25 =	simm.s32 $0xA720;
	v6 =	vld [tilespmem:s20+$0xFFFFFFD0]  }
.LBB2_12:
0x1fc: {  	s21 =	sadd.s32 $0x4, s21;
	s22 =	sadd.s32 $0x40, s22;
	s23 =	sadd.s32 $0x40, s23  }
0x1fd: {  	v3 =	vshll.u32 v3, $0x3;
	p1 =	slt.u32 s21, $0x78  }
0x1fe: {  	v4 =	vshll.u32 v4, $0x3;
	v3 =	vadd.s32 v3, v8  }
0x1ff: {  	[tilespmem:s12+$0xFFFFFFF0] =	vst v3;
	v3 =	vadd.s32 v4, v7  }
0x200: {  	[tilespmem:s17+$0xFFFFFFF0] =	vst v3  }
0x201: {  	v3 =	vld [tilespmem:s19+$0xFFFFFFE0]  }
0x202: {  	v4 =	vld.idx.msk [tilespmem:v5+s3+$0x0], $0xffff  }
0x203: {  	v7 =	vld.idx.msk [tilespmem:v6+s3+$0x0], $0xffff  }
0x204: {  	v8 =	vld [tilespmem:s20+$0xFFFFFFE0];
	_ =	sdelay $0x2  }
0x205: {  	v6 =	vshll.u32 v6, $0x3  }
0x206: {  	v5 =	vshll.u32 v5, $0x3;
	v4 =	vadd.s32 v6, v4  }
0x207: {  	[tilespmem:s12+$0x0] =	vst v4;
	v4 =	vadd.s32 v5, v7  }
0x208: {  	[tilespmem:s17+$0x0] =	vst v4  }
0x209: {  	v4 =	vld.idx.msk [tilespmem:v3+s3+$0x0], $0xffff  }
0x20a: {  	v5 =	vld.idx.msk [tilespmem:v8+s3+$0x0], $0xffff  }
0x20b: {  	v6 =	vld [tilespmem:s19+$0xFFFFFFF0]  }
0x20c: {  	v7 =	vld [tilespmem:s20+$0xFFFFFFF0];
	_ =	sdelay $0x1  }
0x20d: {  	v8 =	vshll.u32 v8, $0x3  }
0x20e: {  	v3 =	vshll.u32 v3, $0x3;
	v4 =	vadd.s32 v8, v4  }
0x20f: {  	v3 =	vadd.s32 v3, v5;
	[tilespmem:s12+$0x10] =	vst v4;
	s12 =	smov.u32 s31;
	s31 =	smov.u32 s25  }
0x210: {  	[tilespmem:s17+$0x10] =	vst v3;
	s17 =	smov.u32 s1;
	s1 =	smov.u32 s24  }
0x211: {  	v3 =	vld [tilespmem:s20+$0x0];
	s20 =	smov.u32 s11;
	s11 =	smov.u32 s23  }
0x212: {  	v5 =	vld.idx.msk [tilespmem:v6+s3+$0x0], $0xffff  }
0x213: {  	v4 =	vld [tilespmem:s19+$0x0];
	s19 =	smov.u32 s0;
	s0 =	smov.u32 s22  }
0x214: {  	v8 =	vld.idx.msk [tilespmem:v7+s3+$0x0], $0xffff;
	_ =	sdelay $0x1  }
0x215: {  	v7 =	vshll.u32 v7, $0x3  }
0x216: {  	v5 =	vadd.s32 v5, v7  }
0x217: {  	[tilespmem:s12+$0xFFFFFFE0] =	vst v5;
	v5 =	vshll.u32 v6, $0x3  }
0x218: {  	v5 =	vadd.s32 v5, v8  }
.Ltmp5:
0x219: {  	[tilespmem:s17+$0xFFFFFFE0] =	vst v5;
	(pc) =	sbr.rel @p1 .LBB2_12-.Ltmp5, $4  }
0x21a: {  	v8 =	vld.idx.msk [tilespmem:v4+s3+$0x0], $0xffff  }
0x21b: {  	v7 =	vld.idx.msk [tilespmem:v3+s3+$0x0], $0xffff  }
0x21c: {  	v5 =	vld [tilespmem:s19+$0xFFFFFFD0]  }
0x21d: {  	s25 =	sadd.s32 $0x40, s25;
	s24 =	sadd.s32 $0x40, s24;
	v6 =	vld [tilespmem:s20+$0xFFFFFFD0]  }
0x21e: {  	_ =	sdelay $0x1  }
0x21f: {  	v3 =	vshll.u32 v3, $0x3  }
0x220: {  	v4 =	vshll.u32 v4, $0x3;
	v3 =	vadd.s32 v3, v8  }
0x221: {  	[tilespmem:s12+$0xFFFFFFF0] =	vst v3;
	v3 =	vadd.s32 v4, v7  }
0x222: {  	[tilespmem:s17+$0xFFFFFFF0] =	vst v3  }
0x223: {  	v3 =	vld [tilespmem:s19+$0xFFFFFFE0]  }
0x224: {  	v4 =	vld.idx.msk [tilespmem:v5+s3+$0x0], $0xffff  }
0x225: {  	v7 =	vld.idx.msk [tilespmem:v6+s3+$0x0], $0xffff  }
0x226: {  	v8 =	vld [tilespmem:s20+$0xFFFFFFE0];
	_ =	sdelay $0x2  }
0x227: {  	v6 =	vshll.u32 v6, $0x3  }
0x228: {  	v5 =	vshll.u32 v5, $0x3;
	v4 =	vadd.s32 v6, v4  }
0x229: {  	[tilespmem:s12+$0x0] =	vst v4;
	v4 =	vadd.s32 v5, v7  }
0x22a: {  	[tilespmem:s17+$0x0] =	vst v4  }
0x22b: {  	v4 =	vld.idx.msk [tilespmem:v3+s3+$0x0], $0xffff  }
0x22c: {  	v5 =	vld.idx.msk [tilespmem:v8+s3+$0x0], $0xffff  }
0x22d: {  	v6 =	vld [tilespmem:s19+$0xFFFFFFF0];
	_ =	sdelay $0x1  }
0x22e: {  	v7 =	vld [tilespmem:s20+$0xFFFFFFF0]  }
0x22f: {  	v8 =	vshll.u32 v8, $0x3  }
0x230: {  	v3 =	vshll.u32 v3, $0x3;
	v4 =	vadd.s32 v8, v4  }
0x231: {  	v3 =	vadd.s32 v3, v5;
	[tilespmem:s12+$0x10] =	vst v4  }
0x232: {  	[tilespmem:s17+$0x10] =	vst v3  }
0x233: {  	v3 =	vld [tilespmem:s20+$0x0]  }
0x234: {  	v4 =	vld.idx.msk [tilespmem:v6+s3+$0x0], $0xffff  }
0x235: {  	v5 =	vld [tilespmem:s19+$0x0]  }
0x236: {  	v8 =	vld.idx.msk [tilespmem:v7+s3+$0x0], $0xffff;
	_ =	sdelay $0x2  }
0x237: {  	v7 =	vshll.u32 v7, $0x3  }
0x238: {  	v6 =	vshll.u32 v6, $0x3;
	v4 =	vadd.s32 v4, v7  }
0x239: {  	[tilespmem:s31+$0xFFFFFFE0] =	vst v4;
	v4 =	vadd.s32 v6, v8  }
0x23a: {  	[tilespmem:s1+$0xFFFFFFE0] =	vst v4  }
0x23b: {  	v4 =	vld.idx.msk [tilespmem:v5+s3+$0x0], $0xffff  }
0x23c: {  	v6 =	vld.idx.msk [tilespmem:v3+s3+$0x0], $0xffff  }
0x23d: {  	v7 =	vld [tilespmem:s0+$0xFFFFFFD0]  }
0x23e: {  	v8 =	vld [tilespmem:s11+$0xFFFFFFD0];
	_ =	sdelay $0x1  }
0x23f: {  	v3 =	vshll.u32 v3, $0x3  }
0x240: {  	v3 =	vadd.s32 v3, v4;
	v4 =	vshll.u32 v5, $0x3  }
0x241: {  	[tilespmem:s31+$0xFFFFFFF0] =	vst v3;
	v3 =	vadd.s32 v4, v6  }
0x242: {  	[tilespmem:s1+$0xFFFFFFF0] =	vst v3  }
0x243: {  	v3 =	vld [tilespmem:s0+$0xFFFFFFE0]  }
0x244: {  	v4 =	vld.idx.msk [tilespmem:v7+s3+$0x0], $0xffff  }
0x245: {  	v5 =	vld.idx.msk [tilespmem:v8+s3+$0x0], $0xffff  }
0x246: {  	v6 =	vld [tilespmem:s11+$0xFFFFFFE0];
	_ =	sdelay $0x2  }
0x247: {  	v8 =	vshll.u32 v8, $0x3  }
0x248: {  	v7 =	vshll.u32 v7, $0x3;
	v4 =	vadd.s32 v8, v4  }
0x249: {  	[tilespmem:s31+$0x0] =	vst v4;
	v4 =	vadd.s32 v7, v5  }
0x24a: {  	[tilespmem:s1+$0x0] =	vst v4  }
0x24b: {  	v4 =	vld.idx.msk [tilespmem:v3+s3+$0x0], $0xffff  }
0x24c: {  	v5 =	vld.idx.msk [tilespmem:v6+s3+$0x0], $0xffff  }
0x24d: {  	v7 =	vld [tilespmem:s0+$0xFFFFFFF0];
	_ =	sdelay $0x1  }
0x24e: {  	v8 =	vld [tilespmem:s11+$0xFFFFFFF0]  }
0x24f: {  	v6 =	vshll.u32 v6, $0x3  }
0x250: {  	v3 =	vshll.u32 v3, $0x3;
	v4 =	vadd.s32 v6, v4  }
0x251: {  	v3 =	vadd.s32 v3, v5;
	[tilespmem:s31+$0x10] =	vst v4  }
0x252: {  	[tilespmem:s1+$0x10] =	vst v3  }
0x253: {  	v3 =	vld [tilespmem:s11+$0x0]  }
0x254: {  	v4 =	vld.idx.msk [tilespmem:v7+s3+$0x0], $0xffff  }
0x255: {  	v5 =	vld [tilespmem:s0+$0x0]  }
0x256: {  	v6 =	vld.idx.msk [tilespmem:v8+s3+$0x0], $0xffff;
	_ =	sdelay $0x2  }
0x257: {  	v8 =	vshll.u32 v8, $0x3  }
0x258: {  	v7 =	vshll.u32 v7, $0x3;
	v4 =	vadd.s32 v4, v8  }
0x259: {  	v8 =	vld [tilespmem:$0x6EE0];
	[tilespmem:$0xAE40] =	vst v4;
	v4 =	vadd.s32 v7, v6  }
0x25a: {  	v7 =	vld [tilespmem:$0x4760];
	[tilespmem:$0xB640] =	vst v4  }
0x25b: {  	v4 =	vld.idx.msk [tilespmem:v5+s3+$0x0], $0xffff  }
0x25c: {  	v6 =	vld.idx.msk [tilespmem:v3+s3+$0x0], $0xffff;
	_ =	sdelay $0x2  }
0x25d: {  	v3 =	vshll.u32 v3, $0x3  }
0x25e: {  	v3 =	vadd.s32 v3, v4;
	v4 =	vshll.u32 v5, $0x3  }
0x25f: {  	v5 =	vld [tilespmem:$0x4770];
	[tilespmem:$0xAE50] =	vst v3;
	v3 =	vadd.s32 v4, v6  }
0x260: {  	v6 =	vld [tilespmem:$0x6EF0];
	[tilespmem:$0xB650] =	vst v3  }
0x261: {  	v3 =	vld.idx.msk [tilespmem:v7+s3+$0x0], $0xffff  }
0x262: {  	v4 =	vld.idx.msk [tilespmem:v8+s3+$0x0], $0xffff;
	_ =	sdelay $0x2  }
0x263: {  	v8 =	vshll.u32 v8, $0x3  }
0x264: {  	v7 =	vshll.u32 v7, $0x3;
	v3 =	vadd.s32 v8, v3  }
0x265: {  	[tilespmem:$0xAE60] =	vst v3;
	v3 =	vadd.s32 v7, v4  }
0x266: {  	[tilespmem:$0xB660] =	vst v3  }
0x267: {  	v3 =	vld.idx.msk [tilespmem:v5+s3+$0x0], $0xffff  }
0x268: {  	v4 =	vld.idx.msk [tilespmem:v6+s3+$0x0], $0xffff;
	_ =	sdelay $0x2  }
0x269: {  	v6 =	vshll.u32 v6, $0x3  }
0x26a: {  	v5 =	vshll.u32 v5, $0x3;
	v3 =	vadd.s32 v6, v3  }
0x26b: {  	[tilespmem:$0xAE70] =	vst v3;
	v3 =	vadd.s32 v5, v4  }
0x26c: {  	s25 =	simm.s32 $0xA680;
	[tilespmem:$0xB670] =	vst v3  }
0x26d: {  	[spmem:s2] =	stream.indirect.scatter.add.f32 [tilespmem:s18], [sflag:$0x2], $0x1, s25, s16, $0xb8;
	[tilespmem:$0xF610] =	vst v63  }
0x26e: {  	s31 =	simm.s32 $0xAE80  }
0x26f: {  	[spmem:s2] =	stream.indirect.scatter.add.f32 [tilespmem:s18], [sflag:$0x2], $0x1, s31, s16, $0xb8;
	[tilespmem:$0xF610] =	vst v63  }
0x270: {  	v3 =	vld [tilespmem:$0x4780]  }
0x271: {  	v4 =	vld [tilespmem:$0x6F00];
	_ =	sdelay $0x3  }
0x272: {  	s0 =	simm.s32 $0x6F10  }
0x273: {  	s1 =	simm.s32 $0x4790;
	v7 =	vld [tilespmem:s0+$0x0]  }
0x274: {  	v8 =	vld [tilespmem:s1+$0x0]  }
0x275: {  	v5 =	vld.idx.msk [tilespmem:v3+s3+$0x0], $0xffff  }
0x276: {  	v6 =	vld.idx.msk [tilespmem:v4+s3+$0x0], $0xffff;
	_ =	sdelay $0x2  }
0x277: {  	v4 =	vshll.u32 v4, $0x3  }
0x278: {  	s11 =	simm.s32 $0xB6A0;
	v3 =	vshll.u32 v3, $0x3;
	v4 =	vadd.s32 v5, v4  }
0x279: {  	s12 =	simm.s32 $0xBEA0;
	v3 =	vadd.s32 v3, v6;
	[tilespmem:s11+$0xFFFFFFE0] =	vst v4  }
0x27a: {  	[tilespmem:s12+$0xFFFFFFE0] =	vst v3  }
0x27b: {  	v3 =	vld.idx.msk [tilespmem:v7+s3+$0x0], $0xffff  }
0x27c: {  	v4 =	vld.idx.msk [tilespmem:v8+s3+$0x0], $0xffff  }
0x27d: {  	v6 =	vld [tilespmem:s0+$0x10]  }
0x27e: {  	v9 =	vld [tilespmem:s1+$0x10];
	_ =	sdelay $0x2  }
0x27f: {  	v5 =	vshll.u32 v7, $0x3  }
0x280: {  	v4 =	vadd.s32 v5, v4;
	v5 =	vshll.u32 v8, $0x3  }
0x281: {  	[tilespmem:s11+$0xFFFFFFF0] =	vst v4;
	v3 =	vadd.s32 v5, v3  }
0x282: {  	[tilespmem:s12+$0xFFFFFFF0] =	vst v3  }
0x283: {  	v4 =	vld.idx.msk [tilespmem:v6+s3+$0x0], $0xffff  }
0x284: {  	v7 =	vld.idx.msk [tilespmem:v9+s3+$0x0], $0xffff  }
0x285: {  	v3 =	vld [tilespmem:s1+$0x20]  }
0x286: {  	v5 =	vld [tilespmem:s0+$0x20];
	_ =	sdelay $0x2  }
0x287: {  	v6 =	vshll.u32 v6, $0x3  }
0x288: {  	v6 =	vadd.s32 v6, v7;
	v7 =	vshll.u32 v9, $0x3  }
0x289: {  	[tilespmem:s11+$0x0] =	vst v6;
	v4 =	vadd.s32 v7, v4  }
0x28a: {  	[tilespmem:s12+$0x0] =	vst v4  }
0x28b: {  	v8 =	vld.idx.msk [tilespmem:v3+s3+$0x0], $0xffff  }
0x28c: {  	v7 =	vld.idx.msk [tilespmem:v5+s3+$0x0], $0xffff  }
0x28d: {  	v4 =	vld [tilespmem:s1+$0x30]  }
0x28e: {  	s17 =	simm.s32 $0x0;
	s19 =	simm.s32 $0xBEE0;
	s20 =	simm.s32 $0xB6E0;
	v6 =	vld [tilespmem:s0+$0x30]  }
.LBB2_14:
0x28f: {  	s17 =	sadd.s32 $0x4, s17;
	s0 =	sadd.s32 $0x40, s0;
	s1 =	sadd.s32 $0x40, s1  }
0x290: {  	v5 =	vshll.u32 v5, $0x3;
	p1 =	slt.u32 s17, $0x6C  }
0x291: {  	v3 =	vshll.u32 v3, $0x3;
	v5 =	vadd.s32 v5, v8  }
0x292: {  	v3 =	vadd.s32 v3, v7;
	[tilespmem:s11+$0x10] =	vst v5;
	s11 =	smov.u32 s20  }
0x293: {  	[tilespmem:s12+$0x10] =	vst v3;
	s12 =	smov.u32 s19  }
0x294: {  	v3 =	vld [tilespmem:s0+$0x0]  }
0x295: {  	v5 =	vld.idx.msk [tilespmem:v4+s3+$0x0], $0xffff  }
0x296: {  	v7 =	vld.idx.msk [tilespmem:v6+s3+$0x0], $0xffff  }
0x297: {  	v8 =	vld [tilespmem:s1+$0x0];
	_ =	sdelay $0x1  }
0x298: {  	v6 =	vshll.u32 v6, $0x3  }
0x299: {  	v4 =	vshll.u32 v4, $0x3;
	v5 =	vadd.s32 v5, v6  }
0x29a: {  	[tilespmem:s20+$0xFFFFFFE0] =	vst v5;
	v4 =	vadd.s32 v4, v7  }
0x29b: {  	[tilespmem:s19+$0xFFFFFFE0] =	vst v4  }
0x29c: {  	v4 =	vld.idx.msk [tilespmem:v3+s3+$0x0], $0xffff  }
0x29d: {  	v6 =	vld [tilespmem:s1+$0x10]  }
0x29e: {  	v5 =	vld.idx.msk [tilespmem:v8+s3+$0x0], $0xffff  }
0x29f: {  	v7 =	vld [tilespmem:s0+$0x10];
	_ =	sdelay $0x3  }
0x2a0: {  	v3 =	vshll.u32 v3, $0x3  }
0x2a1: {  	v3 =	vadd.s32 v3, v5;
	v5 =	vshll.u32 v8, $0x3  }
0x2a2: {  	[tilespmem:s20+$0xFFFFFFF0] =	vst v3;
	v3 =	vadd.s32 v5, v4  }
0x2a3: {  	[tilespmem:s19+$0xFFFFFFF0] =	vst v3  }
0x2a4: {  	v4 =	vld.idx.msk [tilespmem:v7+s3+$0x0], $0xffff  }
0x2a5: {  	v8 =	vld.idx.msk [tilespmem:v6+s3+$0x0], $0xffff  }
0x2a6: {  	v3 =	vld [tilespmem:s1+$0x20]  }
0x2a7: {  	v5 =	vld [tilespmem:s0+$0x20];
	_ =	sdelay $0x2  }
0x2a8: {  	v7 =	vshll.u32 v7, $0x3  }
0x2a9: {  	v6 =	vshll.u32 v6, $0x3;
	v7 =	vadd.s32 v7, v8  }
0x2aa: {  	v4 =	vadd.s32 v6, v4;
	[tilespmem:s20+$0x0] =	vst v7  }
.Ltmp6:
0x2ab: {  	[tilespmem:s19+$0x0] =	vst v4;
	(pc) =	sbr.rel @p1 .LBB2_14-.Ltmp6, $4  }
0x2ac: {  	v8 =	vld.idx.msk [tilespmem:v3+s3+$0x0], $0xffff  }
0x2ad: {  	v7 =	vld.idx.msk [tilespmem:v5+s3+$0x0], $0xffff  }
0x2ae: {  	v4 =	vld [tilespmem:s1+$0x30]  }
0x2af: {  	s20 =	sadd.s32 $0x40, s20;
	s19 =	sadd.s32 $0x40, s19;
	v6 =	vld [tilespmem:s0+$0x30]  }
0x2b0: {  	_ =	sdelay $0x2  }
0x2b1: {  	v5 =	vshll.u32 v5, $0x3  }
0x2b2: {  	v3 =	vshll.u32 v3, $0x3;
	v5 =	vadd.s32 v5, v8  }
0x2b3: {  	[tilespmem:s11+$0x10] =	vst v5;
	v3 =	vadd.s32 v3, v7  }
0x2b4: {  	[tilespmem:s12+$0x10] =	vst v3  }
0x2b5: {  	v3 =	vld.idx.msk [tilespmem:v4+s3+$0x0], $0xffff  }
0x2b6: {  	v5 =	vld.idx.msk [tilespmem:v6+s3+$0x0], $0xffff;
	_ =	sdelay $0x2  }
0x2b7: {  	v62 =	vshll.u32 v6, $0x3  }
0x2b8: {  	v63 =	vshll.u32 v4, $0x3;
	v3 =	vadd.s32 v3, v62  }
0x2b9: {  	[tilespmem:$0xBD80] =	vst v3;
	v3 =	vadd.s32 v63, v5  }
0x2ba: {  	[tilespmem:$0xC580] =	vst v3  }
0x2bb: {  	[spmem:s2] =	stream.indirect.scatter.add.f32 [tilespmem:s18], [sflag:$0x2], $0x1, s26, s16, $0xb8;
	[tilespmem:$0xF610] =	vst v63  }
0x2bc: {  	_ = 	snop  }
0x2bd: {  	[spmem:s2] =	stream.indirect.scatter.add.f32 [tilespmem:s18], [sflag:$0x2], $0x1, s28, s16, $0xb8;
	[tilespmem:$0xF610] =	vst v63  }
0x2be: {  	_ =	swait.ge [sflag:s29], $0x800  }
0x2bf: {  	[sflag:s29] =	ssyncset.done $0x0  }
0x2c0: {  	[sflag:s29] =	ssyncadd.s32 $0xFFFFF800  }
0x2c1: {  	_ =	swait.ge [sflag:s29], $0x800  }
0x2c2: {  	[sflag:s29] =	ssyncset.done $0x0  }
0x2c3: {  	[sflag:s29] =	ssyncadd.s32 $0xFFFFF800  }
0x2c4: {  	_ =	swait.ge [sflag:s29], $0x800  }
0x2c5: {  	[sflag:s29] =	ssyncset.done $0x0  }
0x2c6: {  	[sflag:s29] =	ssyncadd.s32 $0xFFFFF800  }
0x2c7: {  	_ =	swait.ge [sflag:s29], $0x800  }
0x2c8: {  	[sflag:s29] =	ssyncset.done $0x0  }
0x2c9: {  	[sflag:s29] =	ssyncadd.s32 $0xFFFFF800  }
0x2ca: {  	_ =	swait.ge [sflag:s29], $0x800  }
0x2cb: {  	[sflag:s29] =	ssyncset.done $0x0  }
0x2cc: {  	[sflag:s29] =	ssyncadd.s32 $0xFFFFF800  }
0x2cd: {  	_ =	swait.ge [sflag:s29], $0x800  }
0x2ce: {  	[sflag:s29] =	ssyncset.done $0x0  }
0x2cf: {  	[sflag:s29] =	ssyncadd.s32 $0xFFFFF800  }
0x2d0: {  	_ =	swait.ge [sflag:s29], $0x800  }
0x2d1: {  	[sflag:s29] =	ssyncset.done $0x0  }
0x2d2: {  	[sflag:s29] =	ssyncadd.s32 $0xFFFFF800  }
0x2d3: {  	_ =	swait.ge [sflag:s29], $0x800  }
0x2d4: {  	[sflag:s29] =	ssyncset.done $0x0  }
0x2d5: {  	[sflag:s29] =	ssyncadd.s32 $0xFFFFF800  }
0x2d6: {  	_ =	swait.ge [sflag:s29], $0x800  }
0x2d7: {  	[sflag:s29] =	ssyncset.done $0x0  }
0x2d8: {  	[sflag:s29] =	ssyncadd.s32 $0xFFFFF800  }
0x2d9: {  	_ =	swait.ge [sflag:s29], $0x800  }
0x2da: {  	[sflag:s29] =	ssyncset.done $0x0  }
0x2db: {  	[sflag:s29] =	ssyncadd.s32 $0xFFFFF800  }
0x2dc: {  	[bflag:$0x0] =	sbarrier.arrive $0xFFFF  }
0x2dd: {  	[tilespmem:s13], [sflag:$0x3] =	stream.linear.gather [spmem:s8], $0x1388, $0x38;
	[tilespmem:$0xF610] =	vst v63  }
0x2de: {  	s30 =	sadd.s32 $0x1, s30;
	_ =	swait.ge [sflag:s14], $0x1388  }
0x2df: {  	p1 =	sne.s32 s30, s10;
	[sflag:s14] =	ssyncset.done $0x0  }
.Ltmp7:
0x2e0: {  	[sflag:s14] =	ssyncadd.s32 $0xFFFFEC78;
	(pc) =	sbr.rel @p1 .LBB2_1-.Ltmp7, $4  }
0x2e1: {  	[hbm4b:s9+s3] =	stream.linear.scatter [tilespmem:s13], [sflag:$0x3], $0x1388, $0x38;
	[tilespmem:$0xF610] =	vst v63  }
0x2e2: {  	_ =	swait.ge [sflag:s14], $0x1388  }
0x2e3: {  	[sflag:s14] =	ssyncset.done $0x0  }
0x2e4: {  	[sflag:s14] =	ssyncadd.s32 $0xFFFFEC78  }
0x2e5: {  	_ =	sfence.sel $0x180000  }
0x2e6: {  	[bflag:$0x0] =	sbarrier.arrive $0xFFFF  }
0x2e7: {  	_ =	strace $0x90000047  }
0x2e8: {  	[bflag:$0x2] =	sbarrier.arrive $0xFFFF  }
0x2e9: {  	s0 =	rddreg [dreg:$0x5]  }
0x2ea: {  	s0 =	sadd.s32 @!p0 $0x100000, s0  }
0x2eb: {  	[sflag:s0] =	ssyncadd.tile.s32 @!p0 $0x1;
	_ =	shalt  }
.Lfunc_end2:
_tile_overlayer_lowered:
.L_overlay_start_2:
0x2ec: {  	(tag) =	ssettag $0x2  }
0x2ed: {  	s0 =	rddreg [dreg:$0x0];
	s2 =	stileid.u32  }
0x2ee: {  	s1 =	rddreg [dreg:$0x1];
	p0 =	sne.s32 s2, $0x0  }
0x2ef: {  	s3 =	rddreg [dreg:$0x2];
	[bflag:$0x3] =	sbarrier.arrive $0xFFFF;
	s2 =	simm.s32 @!p0 $0x1C03  }
0x2f0: {  	[timem:s3], [sflag:s2] =	dma.local @!p0 [hbm:s0], s1  }
0x2f1: {  	s0 =	simm.s32 @!p0 $0x3  }
0x2f2: {  	_ =	swait.ge @!p0 [sflag:s0], s1  }
0x2f3: {  	s1 =	ssub.s32 @!p0 $0x0, s1;
	[sflag:s0] =	ssyncset.done @!p0 $0x0  }
0x2f4: {  	[sflag:s0] =	ssyncadd.s32 @!p0 s1  }
0x2f5: {  	[bflag:$0x3] =	sbarrier.arrive $0xFFFF  }
0x2f6: {  	_ =	shalt  }

</sc_bundles>
